<compile_context>
chip_gen: v7x
topology: tpu7x:2x2x1
jax: 0.10.2.dev20260603
libtpu: 0.0.44.dev20260713+nightly
codegen_flags: <defaults>
</compile_context>

<pallas_src>
import functools

import numpy as np

import jax
import jax.numpy as jnp
from jax import lax
from jax.experimental import pallas as pl
from jax.experimental.pallas import tpu as pltpu
from jax.experimental.pallas import tpu_sc as plsc

DIM = 64
NROW = 1000000
BATCH = 16384
NC, NS, L = 2, 16, 16
NW = NC * NS
PER_W = BATCH // NW
CHUNK = 128
N_CHUNKS = PER_W // CHUNK
GROUPS = CHUNK // L

TBLK = 512
OBLK = TBLK // 2
TGRID = -(-NROW // TBLK)


def _transpose_body(pe_ref, po_ref, in_ref, out_ref):
    x = in_ref[...]
    valid = NROW - pl.program_id(0) * TBLK
    col = lax.broadcasted_iota(jnp.int32, (DIM, TBLK), 1)
    x = jnp.where(col < valid, x, 0.0)
    dn = (((1,), (1,)), ((), ()))
    left = lax.dot_general(pe_ref[...], x, dn,
                           precision=lax.Precision.HIGHEST)
    right = lax.dot_general(po_ref[...], x, dn,
                            precision=lax.Precision.HIGHEST)
    out_ref[:, 0:DIM] = left
    out_ref[:, DIM:2 * DIM] = right


def _make_row_major(table_t, pe, po):
    return pl.pallas_call(
        _transpose_body,
        grid=(TGRID,),
        in_specs=[
            pl.BlockSpec((OBLK, TBLK), lambda i: (0, 0)),
            pl.BlockSpec((OBLK, TBLK), lambda i: (0, 0)),
            pl.BlockSpec((DIM, TBLK), lambda i: (0, i)),
        ],
        out_specs=pl.BlockSpec((OBLK, 2 * DIM), lambda i: (i, 0)),
        out_shape=jax.ShapeDtypeStruct((NROW // 2, 2 * DIM), jnp.float32),
    )(pe, po, table_t)


def _transe_body(post_hbm, negt_hbm, ent_hbm, rel_hbm, pos_out, neg_out,
                 ihv, irv, itv, hb, rb, tb, part, outb, sem):
    wid = lax.axis_index("s") * NC + lax.axis_index("c")
    base = wid * PER_W

    def one_batch(tript_hbm, out_hbm):
        @pl.loop(0, N_CHUNKS)
        def _chunk(c):
            start = base + c * CHUNK
            pltpu.sync_copy(tript_hbm.at[0, pl.ds(start, CHUNK)], ihv)
            pltpu.sync_copy(tript_hbm.at[1, pl.ds(start, CHUNK)], irv)
            pltpu.sync_copy(tript_hbm.at[2, pl.ds(start, CHUNK)], itv)
            ch = pltpu.async_copy(ent_hbm.at[ihv], hb, sem)
            cr = pltpu.async_copy(rel_hbm.at[irv], rb, sem)
            ct = pltpu.async_copy(ent_hbm.at[itv], tb, sem)
            ch.wait()
            cr.wait()
            ct.wait()

            @pl.loop(0, GROUPS)
            def _group(g):
                row0 = g * L
                for t in range(L):
                    row = row0 + t
                    acc = None
                    for d in range(DIM // L):
                        sl = pl.ds(d * L, L)
                        v = jnp.abs(hb[row, sl] + rb[row, sl] - tb[row, sl])
                        acc = v if acc is None else acc + v
                    part[pl.ds(t * L, L)] = acc
                rows = lax.iota(jnp.int32, L) * L
                red = plsc.load_gather(part, [rows])
                for j in range(1, L):
                    red = red + plsc.load_gather(part, [rows + j])
                outb[pl.ds(row0, L)] = red

            pltpu.sync_copy(outb, out_hbm.at[pl.ds(start, CHUNK)])

    one_batch(post_hbm, pos_out)
    one_batch(negt_hbm, neg_out)


def _selection_mats():
    pe = np.zeros((OBLK, TBLK), np.float32)
    po = np.zeros((OBLK, TBLK), np.float32)
    pe[np.arange(OBLK), 2 * np.arange(OBLK)] = 1.0
    po[np.arange(OBLK), 2 * np.arange(OBLK) + 1] = 1.0
    return jnp.asarray(pe), jnp.asarray(po)


@jax.jit
def kernel(positive_triplets, negative_triplets, entities_emb, relations_emb):
    pos_t = positive_triplets.astype(jnp.int32).T
    neg_t = negative_triplets.astype(jnp.int32).T
    pe, po = _selection_mats()
    ent_rm = _make_row_major(entities_emb.T, pe, po).reshape(NROW, DIM)
    rel_rm = _make_row_major(relations_emb.T, pe, po).reshape(NROW, DIM)

    mesh = plsc.VectorSubcoreMesh(
        core_axis_name="c", subcore_axis_name="s",
        num_cores=NC, num_subcores=NS)
    run = pl.kernel(
        _transe_body,
        out_type=(jax.ShapeDtypeStruct((BATCH,), jnp.float32),
                  jax.ShapeDtypeStruct((BATCH,), jnp.float32)),
        mesh=mesh,
        compiler_params=pltpu.CompilerParams(
            needs_layout_passes=False, use_tc_tiling_on_sc=False),
        scratch_types=[
            pltpu.VMEM((CHUNK,), jnp.int32),
            pltpu.VMEM((CHUNK,), jnp.int32),
            pltpu.VMEM((CHUNK,), jnp.int32),
            pltpu.VMEM((CHUNK, DIM), jnp.float32),
            pltpu.VMEM((CHUNK, DIM), jnp.float32),
            pltpu.VMEM((CHUNK, DIM), jnp.float32),
            pltpu.VMEM((L * L,), jnp.float32),
            pltpu.VMEM((CHUNK,), jnp.float32),
            pltpu.SemaphoreType.DMA,
        ],
    )
    return run(pos_t, neg_t, ent_rm, rel_rm)

# --- scband reference (transcript-rebuilt; emitter-appended) ---
"""Pipeline reference for scband-gnn-18433999634795 (READ-ONLY COPY).

The authoritative reference and input builder live on the scoring server;
editing this copy changes nothing except your own understanding.
"""

import jax, jax.numpy as jnp
import numpy as np

ENTITY_NUM = 1000000
RELATION_NUM = 1000000
DIM = 64
NORM = 1
BATCH = 16384


def _init_emb(key, num_embeddings, dim):
    uniform_range = 6.0 / np.sqrt(dim)
    w = jax.random.uniform(key, (num_embeddings, dim), dtype=jnp.float32,
                           minval=-uniform_range, maxval=uniform_range)
    w = w / jnp.linalg.norm(w, ord=2, axis=1, keepdims=True)
    return w


def setup_inputs(seed: int = 0) -> dict:
    key = jax.random.key(seed)
    k1, k2, k3, k4 = jax.random.split(key, 4)
    positive_triplets = jax.random.randint(k1, (BATCH, 3), 0, ENTITY_NUM, dtype=jnp.int64) if jax.config.jax_enable_x64 else jax.random.randint(k1, (BATCH, 3), 0, ENTITY_NUM).astype(jnp.int32)
    negative_triplets = jax.random.randint(k2, (BATCH, 3), 0, ENTITY_NUM, dtype=jnp.int64) if jax.config.jax_enable_x64 else jax.random.randint(k2, (BATCH, 3), 0, ENTITY_NUM).astype(jnp.int32)
    entities_emb = _init_emb(k3, ENTITY_NUM, DIM)
    relations_emb = _init_emb(k4, RELATION_NUM, DIM)
    return {
        "positive_triplets": positive_triplets,
        "negative_triplets": negative_triplets,
        "entities_emb": entities_emb,
        "relations_emb": relations_emb,
    }


def _distance(entities_emb, relations_emb, triplets):
    heads = jnp.take(entities_emb, triplets[:, 0], axis=0)
    relations = jnp.take(relations_emb, triplets[:, 1], axis=0)
    tails = jnp.take(entities_emb, triplets[:, 2], axis=0)
    diff = heads + relations - tails
    # p=1 norm along dim=1
    return jnp.sum(jnp.abs(diff), axis=1)


def reference(positive_triplets, negative_triplets, entities_emb, relations_emb):
    positive_distances = _distance(entities_emb, relations_emb, positive_triplets)
    negative_distances = _distance(entities_emb, relations_emb, negative_triplets)
    return (positive_distances, negative_distances)

if __name__ == "__main__":
    import jax
    _d = setup_inputs()
    print(jax.jit(kernel)(*tuple(_d.values())))

</pallas_src>

<mosaic_0001>
#map = affine_map<(d0, d1) -> (0, 0)>
#map1 = affine_map<(d0, d1) -> (0)>
module attributes {stable_mosaic.version = 14 : i64} {
  func.func @_transe_body(%arg0: i32, %arg1: i32, %arg2: memref<3x16384xi32, #tpu.memory_space<hbm>>, %arg3: memref<3x16384xi32, #tpu.memory_space<hbm>>, %arg4: memref<1000000x64xf32, #tpu.memory_space<hbm>>, %arg5: memref<1000000x64xf32, #tpu.memory_space<hbm>>, %arg6: memref<16384xf32, #tpu.memory_space<hbm>>, %arg7: memref<16384xf32, #tpu.memory_space<hbm>>, %arg8: memref<128xi32, #tpu.memory_space<vmem>>, %arg9: memref<128xi32, #tpu.memory_space<vmem>>, %arg10: memref<128xi32, #tpu.memory_space<vmem>>, %arg11: memref<128x64xf32, #tpu.memory_space<vmem>>, %arg12: memref<128x64xf32, #tpu.memory_space<vmem>>, %arg13: memref<128x64xf32, #tpu.memory_space<vmem>>, %arg14: memref<256xf32, #tpu.memory_space<vmem>>, %arg15: memref<128xf32, #tpu.memory_space<vmem>>, %arg16: memref<!tpu.dma_semaphore, #tpu.memory_space<semaphore_mem>>) attributes {dimension_semantics = [#tpu.dimension_semantics<core_parallel>, #tpu.dimension_semantics<subcore_parallel>], iteration_bounds = array<i64: 2, 16>, scalar_prefetch = 0 : i64, scratch_operands = 9 : i64, tpu.core_type = #tpu.core_type<sc_vector_subcore>, window_params = [{transform_indices = #map}, {transform_indices = #map}, {transform_indices = #map}, {transform_indices = #map}, {transform_indices = #map1}, {transform_indices = #map1}]} {
    %mul3A = arith.constant 2 : i32
    %mul3A_0 = arith.muli %arg1, %mul3A : i32
    %add3A = arith.addi %mul3A_0, %arg0 : i32
    %mul3A_1 = arith.constant 512 : i32
    %mul3A_2 = arith.muli %add3A, %mul3A_1 : i32
    %scan3A = arith.constant 0 : i32
    %scan3A_3 = arith.constant 4 : i32
    %scan3A_4 = arith.addi %scan3A, %scan3A_3 : i32
    %scan3A_5 = arith.constant 1 : i32
    scf.for %scan3A_12 = %scan3A to %scan3A_4 step %scan3A_5  : i32 {
      %mul3A_13 = arith.constant 1 : i32
      %mul3A_14 = arith.muli %scan3A_12, %mul3A_13 : i32
      %add3A_15 = arith.constant 0 : i32
      %add3A_16 = arith.addi %add3A_15, %mul3A_14 : i32
      %mul3A_17 = arith.constant 128 : i32
      %mul3A_18 = arith.muli %add3A_16, %mul3A_17 : i32
      %add3A_19 = arith.addi %mul3A_2, %mul3A_18 : i32
      %run_scoped3A = arith.constant 0 : i32
      "tpu.region"() ({
        %run_scoped3A_43 = tpu.sem_alloc : memref<!tpu.dma_semaphore, #tpu.memory_space<semaphore_mem>>
        %dma_start3A_44 = tpu.memref_slice %arg2[%run_scoped3A, %add3A_19] : memref<3x16384xi32, #tpu.memory_space<hbm>> -> memref<1x128xi32, #tpu.memory_space<hbm>>
        %dma_start3A_45 = tpu.memref_squeeze %dma_start3A_44 : memref<1x128xi32, #tpu.memory_space<hbm>> -> memref<128xi32, #tpu.memory_space<hbm>>
        %dma_start3A_46 = tpu.memref_slice %arg2[%run_scoped3A, %add3A_19] : memref<3x16384xi32, #tpu.memory_space<hbm>> -> memref<1x128xi32, #tpu.memory_space<hbm>>
        %dma_start3A_47 = tpu.memref_squeeze %dma_start3A_46 : memref<1x128xi32, #tpu.memory_space<hbm>> -> memref<128xi32, #tpu.memory_space<hbm>>
        tpu.enqueue_dma source(%dma_start3A_47 : memref<128xi32, #tpu.memory_space<hbm>>) target(%arg8 : memref<128xi32, #tpu.memory_space<vmem>>) target_semaphore(%run_scoped3A_43 : memref<!tpu.dma_semaphore, #tpu.memory_space<semaphore_mem>>)
        %dma_wait3A_48 = tpu.memref_slice %arg2[%run_scoped3A, %add3A_19] : memref<3x16384xi32, #tpu.memory_space<hbm>> -> memref<1x128xi32, #tpu.memory_space<hbm>>
        %dma_wait3A_49 = tpu.memref_squeeze %dma_wait3A_48 : memref<1x128xi32, #tpu.memory_space<hbm>> -> memref<128xi32, #tpu.memory_space<hbm>>
        %dma_wait3A_50 = tpu.memref_slice %arg2[%run_scoped3A, %add3A_19] : memref<3x16384xi32, #tpu.memory_space<hbm>> -> memref<1x128xi32, #tpu.memory_space<hbm>>
        %dma_wait3A_51 = tpu.memref_squeeze %dma_wait3A_50 : memref<1x128xi32, #tpu.memory_space<hbm>> -> memref<128xi32, #tpu.memory_space<hbm>>
        tpu.wait_dma2 semaphore(%run_scoped3A_43 : memref<!tpu.dma_semaphore, #tpu.memory_space<semaphore_mem>>) src(%dma_wait3A_51 : memref<128xi32, #tpu.memory_space<hbm>>) dst(%arg8 : memref<128xi32, #tpu.memory_space<vmem>>)
        tpu.yield
      }) : () -> ()
      %run_scoped3A_20 = arith.constant 1 : i32
      "tpu.region"() ({
        %run_scoped3A_43 = tpu.sem_alloc : memref<!tpu.dma_semaphore, #tpu.memory_space<semaphore_mem>>
        %dma_start3A_44 = tpu.memref_slice %arg2[%run_scoped3A_20, %add3A_19] : memref<3x16384xi32, #tpu.memory_space<hbm>> -> memref<1x128xi32, #tpu.memory_space<hbm>>
        %dma_start3A_45 = tpu.memref_squeeze %dma_start3A_44 : memref<1x128xi32, #tpu.memory_space<hbm>> -> memref<128xi32, #tpu.memory_space<hbm>>
        %dma_start3A_46 = tpu.memref_slice %arg2[%run_scoped3A_20, %add3A_19] : memref<3x16384xi32, #tpu.memory_space<hbm>> -> memref<1x128xi32, #tpu.memory_space<hbm>>
        %dma_start3A_47 = tpu.memref_squeeze %dma_start3A_46 : memref<1x128xi32, #tpu.memory_space<hbm>> -> memref<128xi32, #tpu.memory_space<hbm>>
        tpu.enqueue_dma source(%dma_start3A_47 : memref<128xi32, #tpu.memory_space<hbm>>) target(%arg9 : memref<128xi32, #tpu.memory_space<vmem>>) target_semaphore(%run_scoped3A_43 : memref<!tpu.dma_semaphore, #tpu.memory_space<semaphore_mem>>)
        %dma_wait3A_48 = tpu.memref_slice %arg2[%run_scoped3A_20, %add3A_19] : memref<3x16384xi32, #tpu.memory_space<hbm>> -> memref<1x128xi32, #tpu.memory_space<hbm>>
        %dma_wait3A_49 = tpu.memref_squeeze %dma_wait3A_48 : memref<1x128xi32, #tpu.memory_space<hbm>> -> memref<128xi32, #tpu.memory_space<hbm>>
        %dma_wait3A_50 = tpu.memref_slice %arg2[%run_scoped3A_20, %add3A_19] : memref<3x16384xi32, #tpu.memory_space<hbm>> -> memref<1x128xi32, #tpu.memory_space<hbm>>
        %dma_wait3A_51 = tpu.memref_squeeze %dma_wait3A_50 : memref<1x128xi32, #tpu.memory_space<hbm>> -> memref<128xi32, #tpu.memory_space<hbm>>
        tpu.wait_dma2 semaphore(%run_scoped3A_43 : memref<!tpu.dma_semaphore, #tpu.memory_space<semaphore_mem>>) src(%dma_wait3A_51 : memref<128xi32, #tpu.memory_space<hbm>>) dst(%arg9 : memref<128xi32, #tpu.memory_space<vmem>>)
        tpu.yield
      }) : () -> ()
      %run_scoped3A_21 = arith.constant 2 : i32
      "tpu.region"() ({
        %run_scoped3A_43 = tpu.sem_alloc : memref<!tpu.dma_semaphore, #tpu.memory_space<semaphore_mem>>
        %dma_start3A_44 = tpu.memref_slice %arg2[%run_scoped3A_21, %add3A_19] : memref<3x16384xi32, #tpu.memory_space<hbm>> -> memref<1x128xi32, #tpu.memory_space<hbm>>
        %dma_start3A_45 = tpu.memref_squeeze %dma_start3A_44 : memref<1x128xi32, #tpu.memory_space<hbm>> -> memref<128xi32, #tpu.memory_space<hbm>>
        %dma_start3A_46 = tpu.memref_slice %arg2[%run_scoped3A_21, %add3A_19] : memref<3x16384xi32, #tpu.memory_space<hbm>> -> memref<1x128xi32, #tpu.memory_space<hbm>>
        %dma_start3A_47 = tpu.memref_squeeze %dma_start3A_46 : memref<1x128xi32, #tpu.memory_space<hbm>> -> memref<128xi32, #tpu.memory_space<hbm>>
        tpu.enqueue_dma source(%dma_start3A_47 : memref<128xi32, #tpu.memory_space<hbm>>) target(%arg10 : memref<128xi32, #tpu.memory_space<vmem>>) target_semaphore(%run_scoped3A_43 : memref<!tpu.dma_semaphore, #tpu.memory_space<semaphore_mem>>)
        %dma_wait3A_48 = tpu.memref_slice %arg2[%run_scoped3A_21, %add3A_19] : memref<3x16384xi32, #tpu.memory_space<hbm>> -> memref<1x128xi32, #tpu.memory_space<hbm>>
        %dma_wait3A_49 = tpu.memref_squeeze %dma_wait3A_48 : memref<1x128xi32, #tpu.memory_space<hbm>> -> memref<128xi32, #tpu.memory_space<hbm>>
        %dma_wait3A_50 = tpu.memref_slice %arg2[%run_scoped3A_21, %add3A_19] : memref<3x16384xi32, #tpu.memory_space<hbm>> -> memref<1x128xi32, #tpu.memory_space<hbm>>
        %dma_wait3A_51 = tpu.memref_squeeze %dma_wait3A_50 : memref<1x128xi32, #tpu.memory_space<hbm>> -> memref<128xi32, #tpu.memory_space<hbm>>
        tpu.wait_dma2 semaphore(%run_scoped3A_43 : memref<!tpu.dma_semaphore, #tpu.memory_space<semaphore_mem>>) src(%dma_wait3A_51 : memref<128xi32, #tpu.memory_space<hbm>>) dst(%arg10 : memref<128xi32, #tpu.memory_space<vmem>>)
        tpu.yield
      }) : () -> ()
      %dma_start3A = arith.constant 0 : i32
      %dma_start3A_22 = arith.constant 0 : i32
      %dma_start3A_23 = tpu.memref_slice %arg4[%dma_start3A, %dma_start3A_22] : memref<1000000x64xf32, #tpu.memory_space<hbm>> -> memref<1000000x64xf32, #tpu.memory_space<hbm>>
      tpu.enqueue_indirect_dma source(%dma_start3A_23 : memref<1000000x64xf32, #tpu.memory_space<hbm>>) target(%arg11 : memref<128x64xf32, #tpu.memory_space<vmem>>) offsets(%arg8 : memref<128xi32, #tpu.memory_space<vmem>>) semaphore(%arg16 : memref<!tpu.dma_semaphore, #tpu.memory_space<semaphore_mem>>)
      %dma_start3A_24 = arith.constant 0 : i32
      %dma_start3A_25 = arith.constant 0 : i32
      %dma_start3A_26 = tpu.memref_slice %arg5[%dma_start3A_24, %dma_start3A_25] : memref<1000000x64xf32, #tpu.memory_space<hbm>> -> memref<1000000x64xf32, #tpu.memory_space<hbm>>
      tpu.enqueue_indirect_dma source(%dma_start3A_26 : memref<1000000x64xf32, #tpu.memory_space<hbm>>) target(%arg12 : memref<128x64xf32, #tpu.memory_space<vmem>>) offsets(%arg9 : memref<128xi32, #tpu.memory_space<vmem>>) semaphore(%arg16 : memref<!tpu.dma_semaphore, #tpu.memory_space<semaphore_mem>>)
      %dma_start3A_27 = arith.constant 0 : i32
      %dma_start3A_28 = arith.constant 0 : i32
      %dma_start3A_29 = tpu.memref_slice %arg4[%dma_start3A_27, %dma_start3A_28] : memref<1000000x64xf32, #tpu.memory_space<hbm>> -> memref<1000000x64xf32, #tpu.memory_space<hbm>>
      tpu.enqueue_indirect_dma source(%dma_start3A_29 : memref<1000000x64xf32, #tpu.memory_space<hbm>>) target(%arg13 : memref<128x64xf32, #tpu.memory_space<vmem>>) offsets(%arg10 : memref<128xi32, #tpu.memory_space<vmem>>) semaphore(%arg16 : memref<!tpu.dma_semaphore, #tpu.memory_space<semaphore_mem>>)
      %dma_wait3A = arith.constant 0 : i32
      %dma_wait3A_30 = arith.constant 0 : i32
      %dma_wait3A_31 = tpu.memref_slice %arg4[%dma_wait3A, %dma_wait3A_30] : memref<1000000x64xf32, #tpu.memory_space<hbm>> -> memref<1000000x64xf32, #tpu.memory_space<hbm>>
      tpu.wait_indirect_dma semaphore(%arg16 : memref<!tpu.dma_semaphore, #tpu.memory_space<semaphore_mem>>) src(%dma_wait3A_31 : memref<1000000x64xf32, #tpu.memory_space<hbm>>) dst(%arg11 : memref<128x64xf32, #tpu.memory_space<vmem>>)
      %dma_wait3A_32 = arith.constant 0 : i32
      %dma_wait3A_33 = arith.constant 0 : i32
      %dma_wait3A_34 = tpu.memref_slice %arg5[%dma_wait3A_32, %dma_wait3A_33] : memref<1000000x64xf32, #tpu.memory_space<hbm>> -> memref<1000000x64xf32, #tpu.memory_space<hbm>>
      tpu.wait_indirect_dma semaphore(%arg16 : memref<!tpu.dma_semaphore, #tpu.memory_space<semaphore_mem>>) src(%dma_wait3A_34 : memref<1000000x64xf32, #tpu.memory_space<hbm>>) dst(%arg12 : memref<128x64xf32, #tpu.memory_space<vmem>>)
      %dma_wait3A_35 = arith.constant 0 : i32
      %dma_wait3A_36 = arith.constant 0 : i32
      %dma_wait3A_37 = tpu.memref_slice %arg4[%dma_wait3A_35, %dma_wait3A_36] : memref<1000000x64xf32, #tpu.memory_space<hbm>> -> memref<1000000x64xf32, #tpu.memory_space<hbm>>
      tpu.wait_indirect_dma semaphore(%arg16 : memref<!tpu.dma_semaphore, #tpu.memory_space<semaphore_mem>>) src(%dma_wait3A_37 : memref<1000000x64xf32, #tpu.memory_space<hbm>>) dst(%arg13 : memref<128x64xf32, #tpu.memory_space<vmem>>)
      %scan3A_38 = arith.constant 0 : i32
      %scan3A_39 = arith.constant 8 : i32
      %scan3A_40 = arith.addi %scan3A_38, %scan3A_39 : i32
      %scan3A_41 = arith.constant 1 : i32
      scf.for %scan3A_43 = %scan3A_38 to %scan3A_40 step %scan3A_41  : i32 {
        %mul3A_44 = arith.constant 1 : i32
        %mul3A_45 = arith.muli %scan3A_43, %mul3A_44 : i32
        %add3A_46 = arith.constant 0 : i32
        %add3A_47 = arith.addi %add3A_46, %mul3A_45 : i32
        %mul3A_48 = arith.constant 16 : i32
        %mul3A_49 = arith.muli %add3A_47, %mul3A_48 : i32
        %add3A_50 = arith.constant 0 : i32
        %add3A_51 = arith.addi %mul3A_49, %add3A_50 : i32
        %get3A = arith.index_cast %add3A_51 : i32 to index
        %get3A_52 = arith.constant 0 : index
        %get3A_53 = tpu.vector_load %arg11[%get3A, %get3A_52] {strides = array<i32>} : memref<128x64xf32, #tpu.memory_space<vmem>>, vector<16xf32>,
        %get3A_54 = arith.index_cast %add3A_51 : i32 to index
        %get3A_55 = arith.constant 0 : index
        %get3A_56 = tpu.vector_load %arg12[%get3A_54, %get3A_55] {strides = array<i32>} : memref<128x64xf32, #tpu.memory_space<vmem>>, vector<16xf32>,
        %add3A_57 = arith.addf %get3A_53, %get3A_56 : vector<16xf32>
        %get3A_58 = arith.index_cast %add3A_51 : i32 to index
        %get3A_59 = arith.constant 0 : index
        %get3A_60 = tpu.vector_load %arg13[%get3A_58, %get3A_59] {strides = array<i32>} : memref<128x64xf32, #tpu.memory_space<vmem>>, vector<16xf32>,
        %sub3A = arith.subf %add3A_57, %get3A_60 : vector<16xf32>
        %abs3A = math.absf %sub3A : vector<16xf32>
        %get3A_61 = arith.index_cast %add3A_51 : i32 to index
        %get3A_62 = arith.constant 16 : index
        %get3A_63 = tpu.vector_load %arg11[%get3A_61, %get3A_62] {strides = array<i32>} : memref<128x64xf32, #tpu.memory_space<vmem>>, vector<16xf32>,
        %get3A_64 = arith.index_cast %add3A_51 : i32 to index
        %get3A_65 = arith.constant 16 : index
        %get3A_66 = tpu.vector_load %arg12[%get3A_64, %get3A_65] {strides = array<i32>} : memref<128x64xf32, #tpu.memory_space<vmem>>, vector<16xf32>,
        %add3A_67 = arith.addf %get3A_63, %get3A_66 : vector<16xf32>
        %get3A_68 = arith.index_cast %add3A_51 : i32 to index
        %get3A_69 = arith.constant 16 : index
        %get3A_70 = tpu.vector_load %arg13[%get3A_68, %get3A_69] {strides = array<i32>} : memref<128x64xf32, #tpu.memory_space<vmem>>, vector<16xf32>,
        %sub3A_71 = arith.subf %add3A_67, %get3A_70 : vector<16xf32>
        %abs3A_72 = math.absf %sub3A_71 : vector<16xf32>
        %add3A_73 = arith.addf %abs3A, %abs3A_72 : vector<16xf32>
        %get3A_74 = arith.index_cast %add3A_51 : i32 to index
        %get3A_75 = arith.constant 32 : index
        %get3A_76 = tpu.vector_load %arg11[%get3A_74, %get3A_75] {strides = array<i32>} : memref<128x64xf32, #tpu.memory_space<vmem>>, vector<16xf32>,
        %get3A_77 = arith.index_cast %add3A_51 : i32 to index
        %get3A_78 = arith.constant 32 : index
        %get3A_79 = tpu.vector_load %arg12[%get3A_77, %get3A_78] {strides = array<i32>} : memref<128x64xf32, #tpu.memory_space<vmem>>, vector<16xf32>,
        %add3A_80 = arith.addf %get3A_76, %get3A_79 : vector<16xf32>
        %get3A_81 = arith.index_cast %add3A_51 : i32 to index
        %get3A_82 = arith.constant 32 : index
        %get3A_83 = tpu.vector_load %arg13[%get3A_81, %get3A_82] {strides = array<i32>} : memref<128x64xf32, #tpu.memory_space<vmem>>, vector<16xf32>,
        %sub3A_84 = arith.subf %add3A_80, %get3A_83 : vector<16xf32>
        %abs3A_85 = math.absf %sub3A_84 : vector<16xf32>
        %add3A_86 = arith.addf %add3A_73, %abs3A_85 : vector<16xf32>
        %get3A_87 = arith.index_cast %add3A_51 : i32 to index
        %get3A_88 = arith.constant 48 : index
        %get3A_89 = tpu.vector_load %arg11[%get3A_87, %get3A_88] {strides = array<i32>} : memref<128x64xf32, #tpu.memory_space<vmem>>, vector<16xf32>,
        %get3A_90 = arith.index_cast %add3A_51 : i32 to index
        %get3A_91 = arith.constant 48 : index
        %get3A_92 = tpu.vector_load %arg12[%get3A_90, %get3A_91] {strides = array<i32>} : memref<128x64xf32, #tpu.memory_space<vmem>>, vector<16xf32>,
        %add3A_93 = arith.addf %get3A_89, %get3A_92 : vector<16xf32>
        %get3A_94 = arith.index_cast %add3A_51 : i32 to index
        %get3A_95 = arith.constant 48 : index
        %get3A_96 = tpu.vector_load %arg13[%get3A_94, %get3A_95] {strides = array<i32>} : memref<128x64xf32, #tpu.memory_space<vmem>>, vector<16xf32>,
        %sub3A_97 = arith.subf %add3A_93, %get3A_96 : vector<16xf32>
        %abs3A_98 = math.absf %sub3A_97 : vector<16xf32>
        %add3A_99 = arith.addf %add3A_86, %abs3A_98 : vector<16xf32>
        %swap3A = arith.constant 0 : index
        %swap3A_100 = tpu.vector_load %arg14[%swap3A] {strides = array<i32>} : memref<256xf32, #tpu.memory_space<vmem>>, vector<16xf32>,
        tpu.vector_store %arg14[%swap3A], %add3A_99 {strides = array<i32>} : memref<256xf32, #tpu.memory_space<vmem>>, vector<16xf32>,
        %add3A_101 = arith.constant 1 : i32
        %add3A_102 = arith.addi %mul3A_49, %add3A_101 : i32
        %get3A_103 = arith.index_cast %add3A_102 : i32 to index
        %get3A_104 = arith.constant 0 : index
        %get3A_105 = tpu.vector_load %arg11[%get3A_103, %get3A_104] {strides = array<i32>} : memref<128x64xf32, #tpu.memory_space<vmem>>, vector<16xf32>,
        %get3A_106 = arith.index_cast %add3A_102 : i32 to index
        %get3A_107 = arith.constant 0 : index
        %get3A_108 = tpu.vector_load %arg12[%get3A_106, %get3A_107] {strides = array<i32>} : memref<128x64xf32, #tpu.memory_space<vmem>>, vector<16xf32>,
        %add3A_109 = arith.addf %get3A_105, %get3A_108 : vector<16xf32>
        %get3A_110 = arith.index_cast %add3A_102 : i32 to index
        %get3A_111 = arith.constant 0 : index
        %get3A_112 = tpu.vector_load %arg13[%get3A_110, %get3A_111] {strides = array<i32>} : memref<128x64xf32, #tpu.memory_space<vmem>>, vector<16xf32>,
        %sub3A_113 = arith.subf %add3A_109, %get3A_112 : vector<16xf32>
        %abs3A_114 = math.absf %sub3A_113 : vector<16xf32>
        %get3A_115 = arith.index_cast %add3A_102 : i32 to index
        %get3A_116 = arith.constant 16 : index
        %get3A_117 = tpu.vector_load %arg11[%get3A_115, %get3A_116] {strides = array<i32>} : memref<128x64xf32, #tpu.memory_space<vmem>>, vector<16xf32>,
        %get3A_118 = arith.index_cast %add3A_102 : i32 to index
        %get3A_119 = arith.constant 16 : index
        %get3A_120 = tpu.vector_load %arg12[%get3A_118, %get3A_119] {strides = array<i32>} : memref<128x64xf32, #tpu.memory_space<vmem>>, vector<16xf32>,
        %add3A_121 = arith.addf %get3A_117, %get3A_120 : vector<16xf32>
        %get3A_122 = arith.index_cast %add3A_102 : i32 to index
        %get3A_123 = arith.constant 16 : index
        %get3A_124 = tpu.vector_load %arg13[%get3A_122, %get3A_123] {strides = array<i32>} : memref<128x64xf32, #tpu.memory_space<vmem>>, vector<16xf32>,
        %sub3A_125 = arith.subf %add3A_121, %get3A_124 : vector<16xf32>
        %abs3A_126 = math.absf %sub3A_125 : vector<16xf32>
        %add3A_127 = arith.addf %abs3A_114, %abs3A_126 : vector<16xf32>
        %get3A_128 = arith.index_cast %add3A_102 : i32 to index
        %get3A_129 = arith.constant 32 : index
        %get3A_130 = tpu.vector_load %arg11[%get3A_128, %get3A_129] {strides = array<i32>} : memref<128x64xf32, #tpu.memory_space<vmem>>, vector<16xf32>,
        %get3A_131 = arith.index_cast %add3A_102 : i32 to index
        %get3A_132 = arith.constant 32 : index
        %get3A_133 = tpu.vector_load %arg12[%get3A_131, %get3A_132] {strides = array<i32>} : memref<128x64xf32, #tpu.memory_space<vmem>>, vector<16xf32>,
        %add3A_134 = arith.addf %get3A_130, %get3A_133 : vector<16xf32>
        %get3A_135 = arith.index_cast %add3A_102 : i32 to index
        %get3A_136 = arith.constant 32 : index
        %get3A_137 = tpu.vector_load %arg13[%get3A_135, %get3A_136] {strides = array<i32>} : memref<128x64xf32, #tpu.memory_space<vmem>>, vector<16xf32>,
        %sub3A_138 = arith.subf %add3A_134, %get3A_137 : vector<16xf32>
        %abs3A_139 = math.absf %sub3A_138 : vector<16xf32>
        %add3A_140 = arith.addf %add3A_127, %abs3A_139 : vector<16xf32>
        %get3A_141 = arith.index_cast %add3A_102 : i32 to index
        %get3A_142 = arith.constant 48 : index
        %get3A_143 = tpu.vector_load %arg11[%get3A_141, %get3A_142] {strides = array<i32>} : memref<128x64xf32, #tpu.memory_space<vmem>>, vector<16xf32>,
        %get3A_144 = arith.index_cast %add3A_102 : i32 to index
        %get3A_145 = arith.constant 48 : index
        %get3A_146 = tpu.vector_load %arg12[%get3A_144, %get3A_145] {strides = array<i32>} : memref<128x64xf32, #tpu.memory_space<vmem>>, vector<16xf32>,
        %add3A_147 = arith.addf %get3A_143, %get3A_146 : vector<16xf32>
        %get3A_148 = arith.index_cast %add3A_102 : i32 to index
        %get3A_149 = arith.constant 48 : index
        %get3A_150 = tpu.vector_load %arg13[%get3A_148, %get3A_149] {strides = array<i32>} : memref<128x64xf32, #tpu.memory_space<vmem>>, vector<16xf32>,
        %sub3A_151 = arith.subf %add3A_147, %get3A_150 : vector<16xf32>
        %abs3A_152 = math.absf %sub3A_151 : vector<16xf32>
        %add3A_153 = arith.addf %add3A_140, %abs3A_152 : vector<16xf32>
        %swap3A_154 = arith.constant 16 : index
        %swap3A_155 = tpu.vector_load %arg14[%swap3A_154] {strides = array<i32>} : memref<256xf32, #tpu.memory_space<vmem>>, vector<16xf32>,
        tpu.vector_store %arg14[%swap3A_154], %add3A_153 {strides = array<i32>} : memref<256xf32, #tpu.memory_space<vmem>>, vector<16xf32>,
        %add3A_156 = arith.constant 2 : i32
        %add3A_157 = arith.addi %mul3A_49, %add3A_156 : i32
        %get3A_158 = arith.index_cast %add3A_157 : i32 to index
        %get3A_159 = arith.constant 0 : index
        %get3A_160 = tpu.vector_load %arg11[%get3A_158, %get3A_159] {strides = array<i32>} : memref<128x64xf32, #tpu.memory_space<vmem>>, vector<16xf32>,
        %get3A_161 = arith.index_cast %add3A_157 : i32 to index
        %get3A_162 = arith.constant 0 : index
        %get3A_163 = tpu.vector_load %arg12[%get3A_161, %get3A_162] {strides = array<i32>} : memref<128x64xf32, #tpu.memory_space<vmem>>, vector<16xf32>,
        %add3A_164 = arith.addf %get3A_160, %get3A_163 : vector<16xf32>
        %get3A_165 = arith.index_cast %add3A_157 : i32 to index
        %get3A_166 = arith.constant 0 : index
        %get3A_167 = tpu.vector_load %arg13[%get3A_165, %get3A_166] {strides = array<i32>} : memref<128x64xf32, #tpu.memory_space<vmem>>, vector<16xf32>,
        %sub3A_168 = arith.subf %add3A_164, %get3A_167 : vector<16xf32>
        %abs3A_169 = math.absf %sub3A_168 : vector<16xf32>
        %get3A_170 = arith.index_cast %add3A_157 : i32 to index
        %get3A_171 = arith.constant 16 : index
        %get3A_172 = tpu.vector_load %arg11[%get3A_170, %get3A_171] {strides = array<i32>} : memref<128x64xf32, #tpu.memory_space<vmem>>, vector<16xf32>,
        %get3A_173 = arith.index_cast %add3A_157 : i32 to index
        %get3A_174 = arith.constant 16 : index
        %get3A_175 = tpu.vector_load %arg12[%get3A_173, %get3A_174] {strides = array<i32>} : memref<128x64xf32, #tpu.memory_space<vmem>>, vector<16xf32>,
        %add3A_176 = arith.addf %get3A_172, %get3A_175 : vector<16xf32>
        %get3A_177 = arith.index_cast %add3A_157 : i32 to index
        %get3A_178 = arith.constant 16 : index
        %get3A_179 = tpu.vector_load %arg13[%get3A_177, %get3A_178] {strides = array<i32>} : memref<128x64xf32, #tpu.memory_space<vmem>>, vector<16xf32>,
        %sub3A_180 = arith.subf %add3A_176, %get3A_179 : vector<16xf32>
        %abs3A_181 = math.absf %sub3A_180 : vector<16xf32>
        %add3A_182 = arith.addf %abs3A_169, %abs3A_181 : vector<16xf32>
        %get3A_183 = arith.index_cast %add3A_157 : i32 to index
        %get3A_184 = arith.constant 32 : index
        %get3A_185 = tpu.vector_load %arg11[%get3A_183, %get3A_184] {strides = array<i32>} : memref<128x64xf32, #tpu.memory_space<vmem>>, vector<16xf32>,
        %get3A_186 = arith.index_cast %add3A_157 : i32 to index
        %get3A_187 = arith.constant 32 : index
        %get3A_188 = tpu.vector_load %arg12[%get3A_186, %get3A_187] {strides = array<i32>} : memref<128x64xf32, #tpu.memory_space<vmem>>, vector<16xf32>,
        %add3A_189 = arith.addf %get3A_185, %get3A_188 : vector<16xf32>
        %get3A_190 = arith.index_cast %add3A_157 : i32 to index
        %get3A_191 = arith.constant 32 : index
        %get3A_192 = tpu.vector_load %arg13[%get3A_190, %get3A_191] {strides = array<i32>} : memref<128x64xf32, #tpu.memory_space<vmem>>, vector<16xf32>,
        %sub3A_193 = arith.subf %add3A_189, %get3A_192 : vector<16xf32>
        %abs3A_194 = math.absf %sub3A_193 : vector<16xf32>
        %add3A_195 = arith.addf %add3A_182, %abs3A_194 : vector<16xf32>
        %get3A_196 = arith.index_cast %add3A_157 : i32 to index
        %get3A_197 = arith.constant 48 : index
        %get3A_198 = tpu.vector_load %arg11[%get3A_196, %get3A_197] {strides = array<i32>} : memref<128x64xf32, #tpu.memory_space<vmem>>, vector<16xf32>,
        %get3A_199 = arith.index_cast %add3A_157 : i32 to index
        %get3A_200 = arith.constant 48 : index
        %get3A_201 = tpu.vector_load %arg12[%get3A_199, %get3A_200] {strides = array<i32>} : memref<128x64xf32, #tpu.memory_space<vmem>>, vector<16xf32>,
        %add3A_202 = arith.addf %get3A_198, %get3A_201 : vector<16xf32>
        %get3A_203 = arith.index_cast %add3A_157 : i32 to index
        %get3A_204 = arith.constant 48 : index
        %get3A_205 = tpu.vector_load %arg13[%get3A_203, %get3A_204] {strides = array<i32>} : memref<128x64xf32, #tpu.memory_space<vmem>>, vector<16xf32>,
        %sub3A_206 = arith.subf %add3A_202, %get3A_205 : vector<16xf32>
        %abs3A_207 = math.absf %sub3A_206 : vector<16xf32>
        %add3A_208 = arith.addf %add3A_195, %abs3A_207 : vector<16xf32>
        %swap3A_209 = arith.constant 32 : index
        %swap3A_210 = tpu.vector_load %arg14[%swap3A_209] {strides = array<i32>} : memref<256xf32, #tpu.memory_space<vmem>>, vector<16xf32>,
        tpu.vector_store %arg14[%swap3A_209], %add3A_208 {strides = array<i32>} : memref<256xf32, #tpu.memory_space<vmem>>, vector<16xf32>,
        %add3A_211 = arith.constant 3 : i32
        %add3A_212 = arith.addi %mul3A_49, %add3A_211 : i32
        %get3A_213 = arith.index_cast %add3A_212 : i32 to index
        %get3A_214 = arith.constant 0 : index
        %get3A_215 = tpu.vector_load %arg11[%get3A_213, %get3A_214] {strides = array<i32>} : memref<128x64xf32, #tpu.memory_space<vmem>>, vector<16xf32>,
        %get3A_216 = arith.index_cast %add3A_212 : i32 to index
        %get3A_217 = arith.constant 0 : index
        %get3A_218 = tpu.vector_load %arg12[%get3A_216, %get3A_217] {strides = array<i32>} : memref<128x64xf32, #tpu.memory_space<vmem>>, vector<16xf32>,
        %add3A_219 = arith.addf %get3A_215, %get3A_218 : vector<16xf32>
        %get3A_220 = arith.index_cast %add3A_212 : i32 to index
        %get3A_221 = arith.constant 0 : index
        %get3A_222 = tpu.vector_load %arg13[%get3A_220, %get3A_221] {strides = array<i32>} : memref<128x64xf32, #tpu.memory_space<vmem>>, vector<16xf32>,
        %sub3A_223 = arith.subf %add3A_219, %get3A_222 : vector<16xf32>
        %abs3A_224 = math.absf %sub3A_223 : vector<16xf32>
        %get3A_225 = arith.index_cast %add3A_212 : i32 to index
        %get3A_226 = arith.constant 16 : index
        %get3A_227 = tpu.vector_load %arg11[%get3A_225, %get3A_226] {strides = array<i32>} : memref<128x64xf32, #tpu.memory_space<vmem>>, vector<16xf32>,
        %get3A_228 = arith.index_cast %add3A_212 : i32 to index
        %get3A_229 = arith.constant 16 : index
        %get3A_230 = tpu.vector_load %arg12[%get3A_228, %get3A_229] {strides = array<i32>} : memref<128x64xf32, #tpu.memory_space<vmem>>, vector<16xf32>,
        %add3A_231 = arith.addf %get3A_227, %get3A_230 : vector<16xf32>
        %get3A_232 = arith.index_cast %add3A_212 : i32 to index
        %get3A_233 = arith.constant 16 : index
        %get3A_234 = tpu.vector_load %arg13[%get3A_232, %get3A_233] {strides = array<i32>} : memref<128x64xf32, #tpu.memory_space<vmem>>, vector<16xf32>,
        %sub3A_235 = arith.subf %add3A_231, %get3A_234 : vector<16xf32>
        %abs3A_236 = math.absf %sub3A_235 : vector<16xf32>
        %add3A_237 = arith.addf %abs3A_224, %abs3A_236 : vector<16xf32>
        %get3A_238 = arith.index_cast %add3A_212 : i32 to index
        %get3A_239 = arith.constant 32 : index
        %get3A_240 = tpu.vector_load %arg11[%get3A_238, %get3A_239] {strides = array<i32>} : memref<128x64xf32, #tpu.memory_space<vmem>>, vector<16xf32>,
        %get3A_241 = arith.index_cast %add3A_212 : i32 to index
        %get3A_242 = arith.constant 32 : index
        %get3A_243 = tpu.vector_load %arg12[%get3A_241, %get3A_242] {strides = array<i32>} : memref<128x64xf32, #tpu.memory_space<vmem>>, vector<16xf32>,
        %add3A_244 = arith.addf %get3A_240, %get3A_243 : vector<16xf32>
        %get3A_245 = arith.index_cast %add3A_212 : i32 to index
        %get3A_246 = arith.constant 32 : index
        %get3A_247 = tpu.vector_load %arg13[%get3A_245, %get3A_246] {strides = array<i32>} : memref<128x64xf32, #tpu.memory_space<vmem>>, vector<16xf32>,
        %sub3A_248 = arith.subf %add3A_244, %get3A_247 : vector<16xf32>
        %abs3A_249 = math.absf %sub3A_248 : vector<16xf32>
        %add3A_250 = arith.addf %add3A_237, %abs3A_249 : vector<16xf32>
        %get3A_251 = arith.index_cast %add3A_212 : i32 to index
        %get3A_252 = arith.constant 48 : index
        %get3A_253 = tpu.vector_load %arg11[%get3A_251, %get3A_252] {strides = array<i32>} : memref<128x64xf32, #tpu.memory_space<vmem>>, vector<16xf32>,
        %get3A_254 = arith.index_cast %add3A_212 : i32 to index
        %get3A_255 = arith.constant 48 : index
        %get3A_256 = tpu.vector_load %arg12[%get3A_254, %get3A_255] {strides = array<i32>} : memref<128x64xf32, #tpu.memory_space<vmem>>, vector<16xf32>,
        %add3A_257 = arith.addf %get3A_253, %get3A_256 : vector<16xf32>
        %get3A_258 = arith.index_cast %add3A_212 : i32 to index
        %get3A_259 = arith.constant 48 : index
        %get3A_260 = tpu.vector_load %arg13[%get3A_258, %get3A_259] {strides = array<i32>} : memref<128x64xf32, #tpu.memory_space<vmem>>, vector<16xf32>,
        %sub3A_261 = arith.subf %add3A_257, %get3A_260 : vector<16xf32>
        %abs3A_262 = math.absf %sub3A_261 : vector<16xf32>
        %add3A_263 = arith.addf %add3A_250, %abs3A_262 : vector<16xf32>
        %swap3A_264 = arith.constant 48 : index
        %swap3A_265 = tpu.vector_load %arg14[%swap3A_264] {strides = array<i32>} : memref<256xf32, #tpu.memory_space<vmem>>, vector<16xf32>,
        tpu.vector_store %arg14[%swap3A_264], %add3A_263 {strides = array<i32>} : memref<256xf32, #tpu.memory_space<vmem>>, vector<16xf32>,
        %add3A_266 = arith.constant 4 : i32
        %add3A_267 = arith.addi %mul3A_49, %add3A_266 : i32
        %get3A_268 = arith.index_cast %add3A_267 : i32 to index
        %get3A_269 = arith.constant 0 : index
        %get3A_270 = tpu.vector_load %arg11[%get3A_268, %get3A_269] {strides = array<i32>} : memref<128x64xf32, #tpu.memory_space<vmem>>, vector<16xf32>,
        %get3A_271 = arith.index_cast %add3A_267 : i32 to index
        %get3A_272 = arith.constant 0 : index
        %get3A_273 = tpu.vector_load %arg12[%get3A_271, %get3A_272] {strides = array<i32>} : memref<128x64xf32, #tpu.memory_space<vmem>>, vector<16xf32>,
        %add3A_274 = arith.addf %get3A_270, %get3A_273 : vector<16xf32>
        %get3A_275 = arith.index_cast %add3A_267 : i32 to index
        %get3A_276 = arith.constant 0 : index
        %get3A_277 = tpu.vector_load %arg13[%get3A_275, %get3A_276] {strides = array<i32>} : memref<128x64xf32, #tpu.memory_space<vmem>>, vector<16xf32>,
        %sub3A_278 = arith.subf %add3A_274, %get3A_277 : vector<16xf32>
        %abs3A_279 = math.absf %sub3A_278 : vector<16xf32>
        %get3A_280 = arith.index_cast %add3A_267 : i32 to index
        %get3A_281 = arith.constant 16 : index
        %get3A_282 = tpu.vector_load %arg11[%get3A_280, %get3A_281] {strides = array<i32>} : memref<128x64xf32, #tpu.memory_space<vmem>>, vector<16xf32>,
        %get3A_283 = arith.index_cast %add3A_267 : i32 to index
        %get3A_284 = arith.constant 16 : index
        %get3A_285 = tpu.vector_load %arg12[%get3A_283, %get3A_284] {strides = array<i32>} : memref<128x64xf32, #tpu.memory_space<vmem>>, vector<16xf32>,
        %add3A_286 = arith.addf %get3A_282, %get3A_285 : vector<16xf32>
        %get3A_287 = arith.index_cast %add3A_267 : i32 to index
        %get3A_288 = arith.constant 16 : index
        %get3A_289 = tpu.vector_load %arg13[%get3A_287, %get3A_288] {strides = array<i32>} : memref<128x64xf32, #tpu.memory_space<vmem>>, vector<16xf32>,
        %sub3A_290 = arith.subf %add3A_286, %get3A_289 : vector<16xf32>
        %abs3A_291 = math.absf %sub3A_290 : vector<16xf32>
        %add3A_292 = arith.addf %abs3A_279, %abs3A_291 : vector<16xf32>
        %get3A_293 = arith.index_cast %add3A_267 : i32 to index
        %get3A_294 = arith.constant 32 : index
        %get3A_295 = tpu.vector_load %arg11[%get3A_293, %get3A_294] {strides = array<i32>} : memref<128x64xf32, #tpu.memory_space<vmem>>, vector<16xf32>,
        %get3A_296 = arith.index_cast %add3A_267 : i32 to index
        %get3A_297 = arith.constant 32 : index
        %get3A_298 = tpu.vector_load %arg12[%get3A_296, %get3A_297] {strides = array<i32>} : memref<128x64xf32, #tpu.memory_space<vmem>>, vector<16xf32>,
        %add3A_299 = arith.addf %get3A_295, %get3A_298 : vector<16xf32>
        %get3A_300 = arith.index_cast %add3A_267 : i32 to index
        %get3A_301 = arith.constant 32 : index
        %get3A_302 = tpu.vector_load %arg13[%get3A_300, %get3A_301] {strides = array<i32>} : memref<128x64xf32, #tpu.memory_space<vmem>>, vector<16xf32>,
        %sub3A_303 = arith.subf %add3A_299, %get3A_302 : vector<16xf32>
        %abs3A_304 = math.absf %sub3A_303 : vector<16xf32>
        %add3A_305 = arith.addf %add3A_292, %abs3A_304 : vector<16xf32>
        %get3A_306 = arith.index_cast %add3A_267 : i32 to index
        %get3A_307 = arith.constant 48 : index
        %get3A_308 = tpu.vector_load %arg11[%get3A_306, %get3A_307] {strides = array<i32>} : memref<128x64xf32, #tpu.memory_space<vmem>>, vector<16xf32>,
        %get3A_309 = arith.index_cast %add3A_267 : i32 to index
        %get3A_310 = arith.constant 48 : index
        %get3A_311 = tpu.vector_load %arg12[%get3A_309, %get3A_310] {strides = array<i32>} : memref<128x64xf32, #tpu.memory_space<vmem>>, vector<16xf32>,
        %add3A_312 = arith.addf %get3A_308, %get3A_311 : vector<16xf32>
        %get3A_313 = arith.index_cast %add3A_267 : i32 to index
        %get3A_314 = arith.constant 48 : index
        %get3A_315 = tpu.vector_load %arg13[%get3A_313, %get3A_314] {strides = array<i32>} : memref<128x64xf32, #tpu.memory_space<vmem>>, vector<16xf32>,
        %sub3A_316 = arith.subf %add3A_312, %get3A_315 : vector<16xf32>
        %abs3A_317 = math.absf %sub3A_316 : vector<16xf32>
        %add3A_318 = arith.addf %add3A_305, %abs3A_317 : vector<16xf32>
        %swap3A_319 = arith.constant 64 : index
        %swap3A_320 = tpu.vector_load %arg14[%swap3A_319] {strides = array<i32>} : memref<256xf32, #tpu.memory_space<vmem>>, vector<16xf32>,
        tpu.vector_store %arg14[%swap3A_319], %add3A_318 {strides = array<i32>} : memref<256xf32, #tpu.memory_space<vmem>>, vector<16xf32>,
        %add3A_321 = arith.constant 5 : i32
        %add3A_322 = arith.addi %mul3A_49, %add3A_321 : i32
        %get3A_323 = arith.index_cast %add3A_322 : i32 to index
        %get3A_324 = arith.constant 0 : index
        %get3A_325 = tpu.vector_load %arg11[%get3A_323, %get3A_324] {strides = array<i32>} : memref<128x64xf32, #tpu.memory_space<vmem>>, vector<16xf32>,
        %get3A_326 = arith.index_cast %add3A_322 : i32 to index
        %get3A_327 = arith.constant 0 : index
        %get3A_328 = tpu.vector_load %arg12[%get3A_326, %get3A_327] {strides = array<i32>} : memref<128x64xf32, #tpu.memory_space<vmem>>, vector<16xf32>,
        %add3A_329 = arith.addf %get3A_325, %get3A_328 : vector<16xf32>
        %get3A_330 = arith.index_cast %add3A_322 : i32 to index
        %get3A_331 = arith.constant 0 : index
        %get3A_332 = tpu.vector_load %arg13[%get3A_330, %get3A_331] {strides = array<i32>} : memref<128x64xf32, #tpu.memory_space<vmem>>, vector<16xf32>,
        %sub3A_333 = arith.subf %add3A_329, %get3A_332 : vector<16xf32>
        %abs3A_334 = math.absf %sub3A_333 : vector<16xf32>
        %get3A_335 = arith.index_cast %add3A_322 : i32 to index
        %get3A_336 = arith.constant 16 : index
        %get3A_337 = tpu.vector_load %arg11[%get3A_335, %get3A_336] {strides = array<i32>} : memref<128x64xf32, #tpu.memory_space<vmem>>, vector<16xf32>,
        %get3A_338 = arith.index_cast %add3A_322 : i32 to index
        %get3A_339 = arith.constant 16 : index
        %get3A_340 = tpu.vector_load %arg12[%get3A_338, %get3A_339] {strides = array<i32>} : memref<128x64xf32, #tpu.memory_space<vmem>>, vector<16xf32>,
        %add3A_341 = arith.addf %get3A_337, %get3A_340 : vector<16xf32>
        %get3A_342 = arith.index_cast %add3A_322 : i32 to index
        %get3A_343 = arith.constant 16 : index
        %get3A_344 = tpu.vector_load %arg13[%get3A_342, %get3A_343] {strides = array<i32>} : memref<128x64xf32, #tpu.memory_space<vmem>>, vector<16xf32>,
        %sub3A_345 = arith.subf %add3A_341, %get3A_344 : vector<16xf32>
        %abs3A_346 = math.absf %sub3A_345 : vector<16xf32>
        %add3A_347 = arith.addf %abs3A_334, %abs3A_346 : vector<16xf32>
        %get3A_348 = arith.index_cast %add3A_322 : i32 to index
        %get3A_349 = arith.constant 32 : index
        %get3A_350 = tpu.vector_load %arg11[%get3A_348, %get3A_349] {strides = array<i32>} : memref<128x64xf32, #tpu.memory_space<vmem>>, vector<16xf32>,
        %get3A_351 = arith.index_cast %add3A_322 : i32 to index
        %get3A_352 = arith.constant 32 : index
        %get3A_353 = tpu.vector_load %arg12[%get3A_351, %get3A_352] {strides = array<i32>} : memref<128x64xf32, #tpu.memory_space<vmem>>, vector<16xf32>,
        %add3A_354 = arith.addf %get3A_350, %get3A_353 : vector<16xf32>
        %get3A_355 = arith.index_cast %add3A_322 : i32 to index
        %get3A_356 = arith.constant 32 : index
        %get3A_357 = tpu.vector_load %arg13[%get3A_355, %get3A_356] {strides = array<i32>} : memref<128x64xf32, #tpu.memory_space<vmem>>, vector<16xf32>,
        %sub3A_358 = arith.subf %add3A_354, %get3A_357 : vector<16xf32>
        %abs3A_359 = math.absf %sub3A_358 : vector<16xf32>
        %add3A_360 = arith.addf %add3A_347, %abs3A_359 : vector<16xf32>
        %get3A_361 = arith.index_cast %add3A_322 : i32 to index
        %get3A_362 = arith.constant 48 : index
        %get3A_363 = tpu.vector_load %arg11[%get3A_361, %get3A_362] {strides = array<i32>} : memref<128x64xf32, #tpu.memory_space<vmem>>, vector<16xf32>,
        %get3A_364 = arith.index_cast %add3A_322 : i32 to index
        %get3A_365 = arith.constant 48 : index
        %get3A_366 = tpu.vector_load %arg12[%get3A_364, %get3A_365] {strides = array<i32>} : memref<128x64xf32, #tpu.memory_space<vmem>>, vector<16xf32>,
        %add3A_367 = arith.addf %get3A_363, %get3A_366 : vector<16xf32>
        %get3A_368 = arith.index_cast %add3A_322 : i32 to index
        %get3A_369 = arith.constant 48 : index
        %get3A_370 = tpu.vector_load %arg13[%get3A_368, %get3A_369] {strides = array<i32>} : memref<128x64xf32, #tpu.memory_space<vmem>>, vector<16xf32>,
        %sub3A_371 = arith.subf %add3A_367, %get3A_370 : vector<16xf32>
        %abs3A_372 = math.absf %sub3A_371 : vector<16xf32>
        %add3A_373 = arith.addf %add3A_360, %abs3A_372 : vector<16xf32>
        %swap3A_374 = arith.constant 80 : index
        %swap3A_375 = tpu.vector_load %arg14[%swap3A_374] {strides = array<i32>} : memref<256xf32, #tpu.memory_space<vmem>>, vector<16xf32>,
        tpu.vector_store %arg14[%swap3A_374], %add3A_373 {strides = array<i32>} : memref<256xf32, #tpu.memory_space<vmem>>, vector<16xf32>,
        %add3A_376 = arith.constant 6 : i32
        %add3A_377 = arith.addi %mul3A_49, %add3A_376 : i32
        %get3A_378 = arith.index_cast %add3A_377 : i32 to index
        %get3A_379 = arith.constant 0 : index
        %get3A_380 = tpu.vector_load %arg11[%get3A_378, %get3A_379] {strides = array<i32>} : memref<128x64xf32, #tpu.memory_space<vmem>>, vector<16xf32>,
        %get3A_381 = arith.index_cast %add3A_377 : i32 to index
        %get3A_382 = arith.constant 0 : index
        %get3A_383 = tpu.vector_load %arg12[%get3A_381, %get3A_382] {strides = array<i32>} : memref<128x64xf32, #tpu.memory_space<vmem>>, vector<16xf32>,
        %add3A_384 = arith.addf %get3A_380, %get3A_383 : vector<16xf32>
        %get3A_385 = arith.index_cast %add3A_377 : i32 to index
        %get3A_386 = arith.constant 0 : index
        %get3A_387 = tpu.vector_load %arg13[%get3A_385, %get3A_386] {strides = array<i32>} : memref<128x64xf32, #tpu.memory_space<vmem>>, vector<16xf32>,
        %sub3A_388 = arith.subf %add3A_384, %get3A_387 : vector<16xf32>
        %abs3A_389 = math.absf %sub3A_388 : vector<16xf32>
        %get3A_390 = arith.index_cast %add3A_377 : i32 to index
        %get3A_391 = arith.constant 16 : index
        %get3A_392 = tpu.vector_load %arg11[%get3A_390, %get3A_391] {strides = array<i32>} : memref<128x64xf32, #tpu.memory_space<vmem>>, vector<16xf32>,
        %get3A_393 = arith.index_cast %add3A_377 : i32 to index
        %get3A_394 = arith.constant 16 : index
        %get3A_395 = tpu.vector_load %arg12[%get3A_393, %get3A_394] {strides = array<i32>} : memref<128x64xf32, #tpu.memory_space<vmem>>, vector<16xf32>,
        %add3A_396 = arith.addf %get3A_392, %get3A_395 : vector<16xf32>
        %get3A_397 = arith.index_cast %add3A_377 : i32 to index
        %get3A_398 = arith.constant 16 : index
        %get3A_399 = tpu.vector_load %arg13[%get3A_397, %get3A_398] {strides = array<i32>} : memref<128x64xf32, #tpu.memory_space<vmem>>, vector<16xf32>,
        %sub3A_400 = arith.subf %add3A_396, %get3A_399 : vector<16xf32>
        %abs3A_401 = math.absf %sub3A_400 : vector<16xf32>
        %add3A_402 = arith.addf %abs3A_389, %abs3A_401 : vector<16xf32>
        %get3A_403 = arith.index_cast %add3A_377 : i32 to index
        %get3A_404 = arith.constant 32 : index
        %get3A_405 = tpu.vector_load %arg11[%get3A_403, %get3A_404] {strides = array<i32>} : memref<128x64xf32, #tpu.memory_space<vmem>>, vector<16xf32>,
        %get3A_406 = arith.index_cast %add3A_377 : i32 to index
        %get3A_407 = arith.constant 32 : index
        %get3A_408 = tpu.vector_load %arg12[%get3A_406, %get3A_407] {strides = array<i32>} : memref<128x64xf32, #tpu.memory_space<vmem>>, vector<16xf32>,
        %add3A_409 = arith.addf %get3A_405, %get3A_408 : vector<16xf32>
        %get3A_410 = arith.index_cast %add3A_377 : i32 to index
        %get3A_411 = arith.constant 32 : index
        %get3A_412 = tpu.vector_load %arg13[%get3A_410, %get3A_411] {strides = array<i32>} : memref<128x64xf32, #tpu.memory_space<vmem>>, vector<16xf32>,
        %sub3A_413 = arith.subf %add3A_409, %get3A_412 : vector<16xf32>
        %abs3A_414 = math.absf %sub3A_413 : vector<16xf32>
        %add3A_415 = arith.addf %add3A_402, %abs3A_414 : vector<16xf32>
        %get3A_416 = arith.index_cast %add3A_377 : i32 to index
        %get3A_417 = arith.constant 48 : index
        %get3A_418 = tpu.vector_load %arg11[%get3A_416, %get3A_417] {strides = array<i32>} : memref<128x64xf32, #tpu.memory_space<vmem>>, vector<16xf32>,
        %get3A_419 = arith.index_cast %add3A_377 : i32 to index
        %get3A_420 = arith.constant 48 : index
        %get3A_421 = tpu.vector_load %arg12[%get3A_419, %get3A_420] {strides = array<i32>} : memref<128x64xf32, #tpu.memory_space<vmem>>, vector<16xf32>,
        %add3A_422 = arith.addf %get3A_418, %get3A_421 : vector<16xf32>
        %get3A_423 = arith.index_cast %add3A_377 : i32 to index
        %get3A_424 = arith.constant 48 : index
        %get3A_425 = tpu.vector_load %arg13[%get3A_423, %get3A_424] {strides = array<i32>} : memref<128x64xf32, #tpu.memory_space<vmem>>, vector<16xf32>,
        %sub3A_426 = arith.subf %add3A_422, %get3A_425 : vector<16xf32>
        %abs3A_427 = math.absf %sub3A_426 : vector<16xf32>
        %add3A_428 = arith.addf %add3A_415, %abs3A_427 : vector<16xf32>
        %swap3A_429 = arith.constant 96 : index
        %swap3A_430 = tpu.vector_load %arg14[%swap3A_429] {strides = array<i32>} : memref<256xf32, #tpu.memory_space<vmem>>, vector<16xf32>,
        tpu.vector_store %arg14[%swap3A_429], %add3A_428 {strides = array<i32>} : memref<256xf32, #tpu.memory_space<vmem>>, vector<16xf32>,
        %add3A_431 = arith.constant 7 : i32
        %add3A_432 = arith.addi %mul3A_49, %add3A_431 : i32
        %get3A_433 = arith.index_cast %add3A_432 : i32 to index
        %get3A_434 = arith.constant 0 : index
        %get3A_435 = tpu.vector_load %arg11[%get3A_433, %get3A_434] {strides = array<i32>} : memref<128x64xf32, #tpu.memory_space<vmem>>, vector<16xf32>,
        %get3A_436 = arith.index_cast %add3A_432 : i32 to index
        %get3A_437 = arith.constant 0 : index
        %get3A_438 = tpu.vector_load %arg12[%get3A_436, %get3A_437] {strides = array<i32>} : memref<128x64xf32, #tpu.memory_space<vmem>>, vector<16xf32>,
        %add3A_439 = arith.addf %get3A_435, %get3A_438 : vector<16xf32>
        %get3A_440 = arith.index_cast %add3A_432 : i32 to index
        %get3A_441 = arith.constant 0 : index
        %get3A_442 = tpu.vector_load %arg13[%get3A_440, %get3A_441] {strides = array<i32>} : memref<128x64xf32, #tpu.memory_space<vmem>>, vector<16xf32>,
        %sub3A_443 = arith.subf %add3A_439, %get3A_442 : vector<16xf32>
        %abs3A_444 = math.absf %sub3A_443 : vector<16xf32>
        %get3A_445 = arith.index_cast %add3A_432 : i32 to index
        %get3A_446 = arith.constant 16 : index
        %get3A_447 = tpu.vector_load %arg11[%get3A_445, %get3A_446] {strides = array<i32>} : memref<128x64xf32, #tpu.memory_space<vmem>>, vector<16xf32>,
        %get3A_448 = arith.index_cast %add3A_432 : i32 to index
        %get3A_449 = arith.constant 16 : index
        %get3A_450 = tpu.vector_load %arg12[%get3A_448, %get3A_449] {strides = array<i32>} : memref<128x64xf32, #tpu.memory_space<vmem>>, vector<16xf32>,
        %add3A_451 = arith.addf %get3A_447, %get3A_450 : vector<16xf32>
        %get3A_452 = arith.index_cast %add3A_432 : i32 to index
        %get3A_453 = arith.constant 16 : index
        %get3A_454 = tpu.vector_load %arg13[%get3A_452, %get3A_453] {strides = array<i32>} : memref<128x64xf32, #tpu.memory_space<vmem>>, vector<16xf32>,
        %sub3A_455 = arith.subf %add3A_451, %get3A_454 : vector<16xf32>
        %abs3A_456 = math.absf %sub3A_455 : vector<16xf32>
        %add3A_457 = arith.addf %abs3A_444, %abs3A_456 : vector<16xf32>
        %get3A_458 = arith.index_cast %add3A_432 : i32 to index
        %get3A_459 = arith.constant 32 : index
        %get3A_460 = tpu.vector_load %arg11[%get3A_458, %get3A_459] {strides = array<i32>} : memref<128x64xf32, #tpu.memory_space<vmem>>, vector<16xf32>,
        %get3A_461 = arith.index_cast %add3A_432 : i32 to index
        %get3A_462 = arith.constant 32 : index
        %get3A_463 = tpu.vector_load %arg12[%get3A_461, %get3A_462] {strides = array<i32>} : memref<128x64xf32, #tpu.memory_space<vmem>>, vector<16xf32>,
        %add3A_464 = arith.addf %get3A_460, %get3A_463 : vector<16xf32>
        %get3A_465 = arith.index_cast %add3A_432 : i32 to index
        %get3A_466 = arith.constant 32 : index
        %get3A_467 = tpu.vector_load %arg13[%get3A_465, %get3A_466] {strides = array<i32>} : memref<128x64xf32, #tpu.memory_space<vmem>>, vector<16xf32>,
        %sub3A_468 = arith.subf %add3A_464, %get3A_467 : vector<16xf32>
        %abs3A_469 = math.absf %sub3A_468 : vector<16xf32>
        %add3A_470 = arith.addf %add3A_457, %abs3A_469 : vector<16xf32>
        %get3A_471 = arith.index_cast %add3A_432 : i32 to index
        %get3A_472 = arith.constant 48 : index
        %get3A_473 = tpu.vector_load %arg11[%get3A_471, %get3A_472] {strides = array<i32>} : memref<128x64xf32, #tpu.memory_space<vmem>>, vector<16xf32>,
        %get3A_474 = arith.index_cast %add3A_432 : i32 to index
        %get3A_475 = arith.constant 48 : index
        %get3A_476 = tpu.vector_load %arg12[%get3A_474, %get3A_475] {strides = array<i32>} : memref<128x64xf32, #tpu.memory_space<vmem>>, vector<16xf32>,
        %add3A_477 = arith.addf %get3A_473, %get3A_476 : vector<16xf32>
        %get3A_478 = arith.index_cast %add3A_432 : i32 to index
        %get3A_479 = arith.constant 48 : index
        %get3A_480 = tpu.vector_load %arg13[%get3A_478, %get3A_479] {strides = array<i32>} : memref<128x64xf32, #tpu.memory_space<vmem>>, vector<16xf32>,
        %sub3A_481 = arith.subf %add3A_477, %get3A_480 : vector<16xf32>
        %abs3A_482 = math.absf %sub3A_481 : vector<16xf32>
        %add3A_483 = arith.addf %add3A_470, %abs3A_482 : vector<16xf32>
        %swap3A_484 = arith.constant 112 : index
        %swap3A_485 = tpu.vector_load %arg14[%swap3A_484] {strides = array<i32>} : memref<256xf32, #tpu.memory_space<vmem>>, vector<16xf32>,
        tpu.vector_store %arg14[%swap3A_484], %add3A_483 {strides = array<i32>} : memref<256xf32, #tpu.memory_space<vmem>>, vector<16xf32>,
        %add3A_486 = arith.constant 8 : i32
        %add3A_487 = arith.addi %mul3A_49, %add3A_486 : i32
        %get3A_488 = arith.index_cast %add3A_487 : i32 to index
        %get3A_489 = arith.constant 0 : index
        %get3A_490 = tpu.vector_load %arg11[%get3A_488, %get3A_489] {strides = array<i32>} : memref<128x64xf32, #tpu.memory_space<vmem>>, vector<16xf32>,
        %get3A_491 = arith.index_cast %add3A_487 : i32 to index
        %get3A_492 = arith.constant 0 : index
        %get3A_493 = tpu.vector_load %arg12[%get3A_491, %get3A_492] {strides = array<i32>} : memref<128x64xf32, #tpu.memory_space<vmem>>, vector<16xf32>,
        %add3A_494 = arith.addf %get3A_490, %get3A_493 : vector<16xf32>
        %get3A_495 = arith.index_cast %add3A_487 : i32 to index
        %get3A_496 = arith.constant 0 : index
        %get3A_497 = tpu.vector_load %arg13[%get3A_495, %get3A_496] {strides = array<i32>} : memref<128x64xf32, #tpu.memory_space<vmem>>, vector<16xf32>,
        %sub3A_498 = arith.subf %add3A_494, %get3A_497 : vector<16xf32>
        %abs3A_499 = math.absf %sub3A_498 : vector<16xf32>
        %get3A_500 = arith.index_cast %add3A_487 : i32 to index
        %get3A_501 = arith.constant 16 : index
        %get3A_502 = tpu.vector_load %arg11[%get3A_500, %get3A_501] {strides = array<i32>} : memref<128x64xf32, #tpu.memory_space<vmem>>, vector<16xf32>,
        %get3A_503 = arith.index_cast %add3A_487 : i32 to index
        %get3A_504 = arith.constant 16 : index
        %get3A_505 = tpu.vector_load %arg12[%get3A_503, %get3A_504] {strides = array<i32>} : memref<128x64xf32, #tpu.memory_space<vmem>>, vector<16xf32>,
        %add3A_506 = arith.addf %get3A_502, %get3A_505 : vector<16xf32>
        %get3A_507 = arith.index_cast %add3A_487 : i32 to index
        %get3A_508 = arith.constant 16 : index
        %get3A_509 = tpu.vector_load %arg13[%get3A_507, %get3A_508] {strides = array<i32>} : memref<128x64xf32, #tpu.memory_space<vmem>>, vector<16xf32>,
        %sub3A_510 = arith.subf %add3A_506, %get3A_509 : vector<16xf32>
        %abs3A_511 = math.absf %sub3A_510 : vector<16xf32>
        %add3A_512 = arith.addf %abs3A_499, %abs3A_511 : vector<16xf32>
        %get3A_513 = arith.index_cast %add3A_487 : i32 to index
        %get3A_514 = arith.constant 32 : index
        %get3A_515 = tpu.vector_load %arg11[%get3A_513, %get3A_514] {strides = array<i32>} : memref<128x64xf32, #tpu.memory_space<vmem>>, vector<16xf32>,
        %get3A_516 = arith.index_cast %add3A_487 : i32 to index
        %get3A_517 = arith.constant 32 : index
        %get3A_518 = tpu.vector_load %arg12[%get3A_516, %get3A_517] {strides = array<i32>} : memref<128x64xf32, #tpu.memory_space<vmem>>, vector<16xf32>,
        %add3A_519 = arith.addf %get3A_515, %get3A_518 : vector<16xf32>
        %get3A_520 = arith.index_cast %add3A_487 : i32 to index
        %get3A_521 = arith.constant 32 : index
        %get3A_522 = tpu.vector_load %arg13[%get3A_520, %get3A_521] {strides = array<i32>} : memref<128x64xf32, #tpu.memory_space<vmem>>, vector<16xf32>,
        %sub3A_523 = arith.subf %add3A_519, %get3A_522 : vector<16xf32>
        %abs3A_524 = math.absf %sub3A_523 : vector<16xf32>
        %add3A_525 = arith.addf %add3A_512, %abs3A_524 : vector<16xf32>
        %get3A_526 = arith.index_cast %add3A_487 : i32 to index
        %get3A_527 = arith.constant 48 : index
        %get3A_528 = tpu.vector_load %arg11[%get3A_526, %get3A_527] {strides = array<i32>} : memref<128x64xf32, #tpu.memory_space<vmem>>, vector<16xf32>,
        %get3A_529 = arith.index_cast %add3A_487 : i32 to index
        %get3A_530 = arith.constant 48 : index
        %get3A_531 = tpu.vector_load %arg12[%get3A_529, %get3A_530] {strides = array<i32>} : memref<128x64xf32, #tpu.memory_space<vmem>>, vector<16xf32>,
        %add3A_532 = arith.addf %get3A_528, %get3A_531 : vector<16xf32>
        %get3A_533 = arith.index_cast %add3A_487 : i32 to index
        %get3A_534 = arith.constant 48 : index
        %get3A_535 = tpu.vector_load %arg13[%get3A_533, %get3A_534] {strides = array<i32>} : memref<128x64xf32, #tpu.memory_space<vmem>>, vector<16xf32>,
        %sub3A_536 = arith.subf %add3A_532, %get3A_535 : vector<16xf32>
        %abs3A_537 = math.absf %sub3A_536 : vector<16xf32>
        %add3A_538 = arith.addf %add3A_525, %abs3A_537 : vector<16xf32>
        %swap3A_539 = arith.constant 128 : index
        %swap3A_540 = tpu.vector_load %arg14[%swap3A_539] {strides = array<i32>} : memref<256xf32, #tpu.memory_space<vmem>>, vector<16xf32>,
        tpu.vector_store %arg14[%swap3A_539], %add3A_538 {strides = array<i32>} : memref<256xf32, #tpu.memory_space<vmem>>, vector<16xf32>,
        %add3A_541 = arith.constant 9 : i32
        %add3A_542 = arith.addi %mul3A_49, %add3A_541 : i32
        %get3A_543 = arith.index_cast %add3A_542 : i32 to index
        %get3A_544 = arith.constant 0 : index
        %get3A_545 = tpu.vector_load %arg11[%get3A_543, %get3A_544] {strides = array<i32>} : memref<128x64xf32, #tpu.memory_space<vmem>>, vector<16xf32>,
        %get3A_546 = arith.index_cast %add3A_542 : i32 to index
        %get3A_547 = arith.constant 0 : index
        %get3A_548 = tpu.vector_load %arg12[%get3A_546, %get3A_547] {strides = array<i32>} : memref<128x64xf32, #tpu.memory_space<vmem>>, vector<16xf32>,
        %add3A_549 = arith.addf %get3A_545, %get3A_548 : vector<16xf32>
        %get3A_550 = arith.index_cast %add3A_542 : i32 to index
        %get3A_551 = arith.constant 0 : index
        %get3A_552 = tpu.vector_load %arg13[%get3A_550, %get3A_551] {strides = array<i32>} : memref<128x64xf32, #tpu.memory_space<vmem>>, vector<16xf32>,
        %sub3A_553 = arith.subf %add3A_549, %get3A_552 : vector<16xf32>
        %abs3A_554 = math.absf %sub3A_553 : vector<16xf32>
        %get3A_555 = arith.index_cast %add3A_542 : i32 to index
        %get3A_556 = arith.constant 16 : index
        %get3A_557 = tpu.vector_load %arg11[%get3A_555, %get3A_556] {strides = array<i32>} : memref<128x64xf32, #tpu.memory_space<vmem>>, vector<16xf32>,
        %get3A_558 = arith.index_cast %add3A_542 : i32 to index
        %get3A_559 = arith.constant 16 : index
        %get3A_560 = tpu.vector_load %arg12[%get3A_558, %get3A_559] {strides = array<i32>} : memref<128x64xf32, #tpu.memory_space<vmem>>, vector<16xf32>,
        %add3A_561 = arith.addf %get3A_557, %get3A_560 : vector<16xf32>
        %get3A_562 = arith.index_cast %add3A_542 : i32 to index
        %get3A_563 = arith.constant 16 : index
        %get3A_564 = tpu.vector_load %arg13[%get3A_562, %get3A_563] {strides = array<i32>} : memref<128x64xf32, #tpu.memory_space<vmem>>, vector<16xf32>,
        %sub3A_565 = arith.subf %add3A_561, %get3A_564 : vector<16xf32>
        %abs3A_566 = math.absf %sub3A_565 : vector<16xf32>
        %add3A_567 = arith.addf %abs3A_554, %abs3A_566 : vector<16xf32>
        %get3A_568 = arith.index_cast %add3A_542 : i32 to index
        %get3A_569 = arith.constant 32 : index
        %get3A_570 = tpu.vector_load %arg11[%get3A_568, %get3A_569] {strides = array<i32>} : memref<128x64xf32, #tpu.memory_space<vmem>>, vector<16xf32>,
        %get3A_571 = arith.index_cast %add3A_542 : i32 to index
        %get3A_572 = arith.constant 32 : index
        %get3A_573 = tpu.vector_load %arg12[%get3A_571, %get3A_572] {strides = array<i32>} : memref<128x64xf32, #tpu.memory_space<vmem>>, vector<16xf32>,
        %add3A_574 = arith.addf %get3A_570, %get3A_573 : vector<16xf32>
        %get3A_575 = arith.index_cast %add3A_542 : i32 to index
        %get3A_576 = arith.constant 32 : index
        %get3A_577 = tpu.vector_load %arg13[%get3A_575, %get3A_576] {strides = array<i32>} : memref<128x64xf32, #tpu.memory_space<vmem>>, vector<16xf32>,
        %sub3A_578 = arith.subf %add3A_574, %get3A_577 : vector<16xf32>
        %abs3A_579 = math.absf %sub3A_578 : vector<16xf32>
        %add3A_580 = arith.addf %add3A_567, %abs3A_579 : vector<16xf32>
        %get3A_581 = arith.index_cast %add3A_542 : i32 to index
        %get3A_582 = arith.constant 48 : index
        %get3A_583 = tpu.vector_load %arg11[%get3A_581, %get3A_582] {strides = array<i32>} : memref<128x64xf32, #tpu.memory_space<vmem>>, vector<16xf32>,
        %get3A_584 = arith.index_cast %add3A_542 : i32 to index
        %get3A_585 = arith.constant 48 : index
        %get3A_586 = tpu.vector_load %arg12[%get3A_584, %get3A_585] {strides = array<i32>} : memref<128x64xf32, #tpu.memory_space<vmem>>, vector<16xf32>,
        %add3A_587 = arith.addf %get3A_583, %get3A_586 : vector<16xf32>
        %get3A_588 = arith.index_cast %add3A_542 : i32 to index
        %get3A_589 = arith.constant 48 : index
        %get3A_590 = tpu.vector_load %arg13[%get3A_588, %get3A_589] {strides = array<i32>} : memref<128x64xf32, #tpu.memory_space<vmem>>, vector<16xf32>,
        %sub3A_591 = arith.subf %add3A_587, %get3A_590 : vector<16xf32>
        %abs3A_592 = math.absf %sub3A_591 : vector<16xf32>
        %add3A_593 = arith.addf %add3A_580, %abs3A_592 : vector<16xf32>
        %swap3A_594 = arith.constant 144 : index
        %swap3A_595 = tpu.vector_load %arg14[%swap3A_594] {strides = array<i32>} : memref<256xf32, #tpu.memory_space<vmem>>, vector<16xf32>,
        tpu.vector_store %arg14[%swap3A_594], %add3A_593 {strides = array<i32>} : memref<256xf32, #tpu.memory_space<vmem>>, vector<16xf32>,
        %add3A_596 = arith.constant 10 : i32
        %add3A_597 = arith.addi %mul3A_49, %add3A_596 : i32
        %get3A_598 = arith.index_cast %add3A_597 : i32 to index
        %get3A_599 = arith.constant 0 : index
        %get3A_600 = tpu.vector_load %arg11[%get3A_598, %get3A_599] {strides = array<i32>} : memref<128x64xf32, #tpu.memory_space<vmem>>, vector<16xf32>,
        %get3A_601 = arith.index_cast %add3A_597 : i32 to index
        %get3A_602 = arith.constant 0 : index
        %get3A_603 = tpu.vector_load %arg12[%get3A_601, %get3A_602] {strides = array<i32>} : memref<128x64xf32, #tpu.memory_space<vmem>>, vector<16xf32>,
        %add3A_604 = arith.addf %get3A_600, %get3A_603 : vector<16xf32>
        %get3A_605 = arith.index_cast %add3A_597 : i32 to index
        %get3A_606 = arith.constant 0 : index
        %get3A_607 = tpu.vector_load %arg13[%get3A_605, %get3A_606] {strides = array<i32>} : memref<128x64xf32, #tpu.memory_space<vmem>>, vector<16xf32>,
        %sub3A_608 = arith.subf %add3A_604, %get3A_607 : vector<16xf32>
        %abs3A_609 = math.absf %sub3A_608 : vector<16xf32>
        %get3A_610 = arith.index_cast %add3A_597 : i32 to index
        %get3A_611 = arith.constant 16 : index
        %get3A_612 = tpu.vector_load %arg11[%get3A_610, %get3A_611] {strides = array<i32>} : memref<128x64xf32, #tpu.memory_space<vmem>>, vector<16xf32>,
        %get3A_613 = arith.index_cast %add3A_597 : i32 to index
        %get3A_614 = arith.constant 16 : index
        %get3A_615 = tpu.vector_load %arg12[%get3A_613, %get3A_614] {strides = array<i32>} : memref<128x64xf32, #tpu.memory_space<vmem>>, vector<16xf32>,
        %add3A_616 = arith.addf %get3A_612, %get3A_615 : vector<16xf32>
        %get3A_617 = arith.index_cast %add3A_597 : i32 to index
        %get3A_618 = arith.constant 16 : index
        %get3A_619 = tpu.vector_load %arg13[%get3A_617, %get3A_618] {strides = array<i32>} : memref<128x64xf32, #tpu.memory_space<vmem>>, vector<16xf32>,
        %sub3A_620 = arith.subf %add3A_616, %get3A_619 : vector<16xf32>
        %abs3A_621 = math.absf %sub3A_620 : vector<16xf32>
        %add3A_622 = arith.addf %abs3A_609, %abs3A_621 : vector<16xf32>
        %get3A_623 = arith.index_cast %add3A_597 : i32 to index
        %get3A_624 = arith.constant 32 : index
        %get3A_625 = tpu.vector_load %arg11[%get3A_623, %get3A_624] {strides = array<i32>} : memref<128x64xf32, #tpu.memory_space<vmem>>, vector<16xf32>,
        %get3A_626 = arith.index_cast %add3A_597 : i32 to index
        %get3A_627 = arith.constant 32 : index
        %get3A_628 = tpu.vector_load %arg12[%get3A_626, %get3A_627] {strides = array<i32>} : memref<128x64xf32, #tpu.memory_space<vmem>>, vector<16xf32>,
        %add3A_629 = arith.addf %get3A_625, %get3A_628 : vector<16xf32>
        %get3A_630 = arith.index_cast %add3A_597 : i32 to index
        %get3A_631 = arith.constant 32 : index
        %get3A_632 = tpu.vector_load %arg13[%get3A_630, %get3A_631] {strides = array<i32>} : memref<128x64xf32, #tpu.memory_space<vmem>>, vector<16xf32>,
        %sub3A_633 = arith.subf %add3A_629, %get3A_632 : vector<16xf32>
        %abs3A_634 = math.absf %sub3A_633 : vector<16xf32>
        %add3A_635 = arith.addf %add3A_622, %abs3A_634 : vector<16xf32>
        %get3A_636 = arith.index_cast %add3A_597 : i32 to index
        %get3A_637 = arith.constant 48 : index
        %get3A_638 = tpu.vector_load %arg11[%get3A_636, %get3A_637] {strides = array<i32>} : memref<128x64xf32, #tpu.memory_space<vmem>>, vector<16xf32>,
        %get3A_639 = arith.index_cast %add3A_597 : i32 to index
        %get3A_640 = arith.constant 48 : index
        %get3A_641 = tpu.vector_load %arg12[%get3A_639, %get3A_640] {strides = array<i32>} : memref<128x64xf32, #tpu.memory_space<vmem>>, vector<16xf32>,
        %add3A_642 = arith.addf %get3A_638, %get3A_641 : vector<16xf32>
        %get3A_643 = arith.index_cast %add3A_597 : i32 to index
        %get3A_644 = arith.constant 48 : index
        %get3A_645 = tpu.vector_load %arg13[%get3A_643, %get3A_644] {strides = array<i32>} : memref<128x64xf32, #tpu.memory_space<vmem>>, vector<16xf32>,
        %sub3A_646 = arith.subf %add3A_642, %get3A_645 : vector<16xf32>
        %abs3A_647 = math.absf %sub3A_646 : vector<16xf32>
        %add3A_648 = arith.addf %add3A_635, %abs3A_647 : vector<16xf32>
        %swap3A_649 = arith.constant 160 : index
        %swap3A_650 = tpu.vector_load %arg14[%swap3A_649] {strides = array<i32>} : memref<256xf32, #tpu.memory_space<vmem>>, vector<16xf32>,
        tpu.vector_store %arg14[%swap3A_649], %add3A_648 {strides = array<i32>} : memref<256xf32, #tpu.memory_space<vmem>>, vector<16xf32>,
        %add3A_651 = arith.constant 11 : i32
        %add3A_652 = arith.addi %mul3A_49, %add3A_651 : i32
        %get3A_653 = arith.index_cast %add3A_652 : i32 to index
        %get3A_654 = arith.constant 0 : index
        %get3A_655 = tpu.vector_load %arg11[%get3A_653, %get3A_654] {strides = array<i32>} : memref<128x64xf32, #tpu.memory_space<vmem>>, vector<16xf32>,
        %get3A_656 = arith.index_cast %add3A_652 : i32 to index
        %get3A_657 = arith.constant 0 : index
        %get3A_658 = tpu.vector_load %arg12[%get3A_656, %get3A_657] {strides = array<i32>} : memref<128x64xf32, #tpu.memory_space<vmem>>, vector<16xf32>,
        %add3A_659 = arith.addf %get3A_655, %get3A_658 : vector<16xf32>
        %get3A_660 = arith.index_cast %add3A_652 : i32 to index
        %get3A_661 = arith.constant 0 : index
        %get3A_662 = tpu.vector_load %arg13[%get3A_660, %get3A_661] {strides = array<i32>} : memref<128x64xf32, #tpu.memory_space<vmem>>, vector<16xf32>,
        %sub3A_663 = arith.subf %add3A_659, %get3A_662 : vector<16xf32>
        %abs3A_664 = math.absf %sub3A_663 : vector<16xf32>
        %get3A_665 = arith.index_cast %add3A_652 : i32 to index
        %get3A_666 = arith.constant 16 : index
        %get3A_667 = tpu.vector_load %arg11[%get3A_665, %get3A_666] {strides = array<i32>} : memref<128x64xf32, #tpu.memory_space<vmem>>, vector<16xf32>,
        %get3A_668 = arith.index_cast %add3A_652 : i32 to index
        %get3A_669 = arith.constant 16 : index
        %get3A_670 = tpu.vector_load %arg12[%get3A_668, %get3A_669] {strides = array<i32>} : memref<128x64xf32, #tpu.memory_space<vmem>>, vector<16xf32>,
        %add3A_671 = arith.addf %get3A_667, %get3A_670 : vector<16xf32>
        %get3A_672 = arith.index_cast %add3A_652 : i32 to index
        %get3A_673 = arith.constant 16 : index
        %get3A_674 = tpu.vector_load %arg13[%get3A_672, %get3A_673] {strides = array<i32>} : memref<128x64xf32, #tpu.memory_space<vmem>>, vector<16xf32>,
        %sub3A_675 = arith.subf %add3A_671, %get3A_674 : vector<16xf32>
        %abs3A_676 = math.absf %sub3A_675 : vector<16xf32>
        %add3A_677 = arith.addf %abs3A_664, %abs3A_676 : vector<16xf32>
        %get3A_678 = arith.index_cast %add3A_652 : i32 to index
        %get3A_679 = arith.constant 32 : index
        %get3A_680 = tpu.vector_load %arg11[%get3A_678, %get3A_679] {strides = array<i32>} : memref<128x64xf32, #tpu.memory_space<vmem>>, vector<16xf32>,
        %get3A_681 = arith.index_cast %add3A_652 : i32 to index
        %get3A_682 = arith.constant 32 : index
        %get3A_683 = tpu.vector_load %arg12[%get3A_681, %get3A_682] {strides = array<i32>} : memref<128x64xf32, #tpu.memory_space<vmem>>, vector<16xf32>,
        %add3A_684 = arith.addf %get3A_680, %get3A_683 : vector<16xf32>
        %get3A_685 = arith.index_cast %add3A_652 : i32 to index
        %get3A_686 = arith.constant 32 : index
        %get3A_687 = tpu.vector_load %arg13[%get3A_685, %get3A_686] {strides = array<i32>} : memref<128x64xf32, #tpu.memory_space<vmem>>, vector<16xf32>,
        %sub3A_688 = arith.subf %add3A_684, %get3A_687 : vector<16xf32>
        %abs3A_689 = math.absf %sub3A_688 : vector<16xf32>
        %add3A_690 = arith.addf %add3A_677, %abs3A_689 : vector<16xf32>
        %get3A_691 = arith.index_cast %add3A_652 : i32 to index
        %get3A_692 = arith.constant 48 : index
        %get3A_693 = tpu.vector_load %arg11[%get3A_691, %get3A_692] {strides = array<i32>} : memref<128x64xf32, #tpu.memory_space<vmem>>, vector<16xf32>,
        %get3A_694 = arith.index_cast %add3A_652 : i32 to index
        %get3A_695 = arith.constant 48 : index
        %get3A_696 = tpu.vector_load %arg12[%get3A_694, %get3A_695] {strides = array<i32>} : memref<128x64xf32, #tpu.memory_space<vmem>>, vector<16xf32>,
        %add3A_697 = arith.addf %get3A_693, %get3A_696 : vector<16xf32>
        %get3A_698 = arith.index_cast %add3A_652 : i32 to index
        %get3A_699 = arith.constant 48 : index
        %get3A_700 = tpu.vector_load %arg13[%get3A_698, %get3A_699] {strides = array<i32>} : memref<128x64xf32, #tpu.memory_space<vmem>>, vector<16xf32>,
        %sub3A_701 = arith.subf %add3A_697, %get3A_700 : vector<16xf32>
        %abs3A_702 = math.absf %sub3A_701 : vector<16xf32>
        %add3A_703 = arith.addf %add3A_690, %abs3A_702 : vector<16xf32>
        %swap3A_704 = arith.constant 176 : index
        %swap3A_705 = tpu.vector_load %arg14[%swap3A_704] {strides = array<i32>} : memref<256xf32, #tpu.memory_space<vmem>>, vector<16xf32>,
        tpu.vector_store %arg14[%swap3A_704], %add3A_703 {strides = array<i32>} : memref<256xf32, #tpu.memory_space<vmem>>, vector<16xf32>,
        %add3A_706 = arith.constant 12 : i32
        %add3A_707 = arith.addi %mul3A_49, %add3A_706 : i32
        %get3A_708 = arith.index_cast %add3A_707 : i32 to index
        %get3A_709 = arith.constant 0 : index
        %get3A_710 = tpu.vector_load %arg11[%get3A_708, %get3A_709] {strides = array<i32>} : memref<128x64xf32, #tpu.memory_space<vmem>>, vector<16xf32>,
        %get3A_711 = arith.index_cast %add3A_707 : i32 to index
        %get3A_712 = arith.constant 0 : index
        %get3A_713 = tpu.vector_load %arg12[%get3A_711, %get3A_712] {strides = array<i32>} : memref<128x64xf32, #tpu.memory_space<vmem>>, vector<16xf32>,
        %add3A_714 = arith.addf %get3A_710, %get3A_713 : vector<16xf32>
        %get3A_715 = arith.index_cast %add3A_707 : i32 to index
        %get3A_716 = arith.constant 0 : index
        %get3A_717 = tpu.vector_load %arg13[%get3A_715, %get3A_716] {strides = array<i32>} : memref<128x64xf32, #tpu.memory_space<vmem>>, vector<16xf32>,
        %sub3A_718 = arith.subf %add3A_714, %get3A_717 : vector<16xf32>
        %abs3A_719 = math.absf %sub3A_718 : vector<16xf32>
        %get3A_720 = arith.index_cast %add3A_707 : i32 to index
        %get3A_721 = arith.constant 16 : index
        %get3A_722 = tpu.vector_load %arg11[%get3A_720, %get3A_721] {strides = array<i32>} : memref<128x64xf32, #tpu.memory_space<vmem>>, vector<16xf32>,
        %get3A_723 = arith.index_cast %add3A_707 : i32 to index
        %get3A_724 = arith.constant 16 : index
        %get3A_725 = tpu.vector_load %arg12[%get3A_723, %get3A_724] {strides = array<i32>} : memref<128x64xf32, #tpu.memory_space<vmem>>, vector<16xf32>,
        %add3A_726 = arith.addf %get3A_722, %get3A_725 : vector<16xf32>
        %get3A_727 = arith.index_cast %add3A_707 : i32 to index
        %get3A_728 = arith.constant 16 : index
        %get3A_729 = tpu.vector_load %arg13[%get3A_727, %get3A_728] {strides = array<i32>} : memref<128x64xf32, #tpu.memory_space<vmem>>, vector<16xf32>,
        %sub3A_730 = arith.subf %add3A_726, %get3A_729 : vector<16xf32>
        %abs3A_731 = math.absf %sub3A_730 : vector<16xf32>
        %add3A_732 = arith.addf %abs3A_719, %abs3A_731 : vector<16xf32>
        %get3A_733 = arith.index_cast %add3A_707 : i32 to index
        %get3A_734 = arith.constant 32 : index
        %get3A_735 = tpu.vector_load %arg11[%get3A_733, %get3A_734] {strides = array<i32>} : memref<128x64xf32, #tpu.memory_space<vmem>>, vector<16xf32>,
        %get3A_736 = arith.index_cast %add3A_707 : i32 to index
        %get3A_737 = arith.constant 32 : index
        %get3A_738 = tpu.vector_load %arg12[%get3A_736, %get3A_737] {strides = array<i32>} : memref<128x64xf32, #tpu.memory_space<vmem>>, vector<16xf32>,
        %add3A_739 = arith.addf %get3A_735, %get3A_738 : vector<16xf32>
        %get3A_740 = arith.index_cast %add3A_707 : i32 to index
        %get3A_741 = arith.constant 32 : index
        %get3A_742 = tpu.vector_load %arg13[%get3A_740, %get3A_741] {strides = array<i32>} : memref<128x64xf32, #tpu.memory_space<vmem>>, vector<16xf32>,
        %sub3A_743 = arith.subf %add3A_739, %get3A_742 : vector<16xf32>
        %abs3A_744 = math.absf %sub3A_743 : vector<16xf32>
        %add3A_745 = arith.addf %add3A_732, %abs3A_744 : vector<16xf32>
        %get3A_746 = arith.index_cast %add3A_707 : i32 to index
        %get3A_747 = arith.constant 48 : index
        %get3A_748 = tpu.vector_load %arg11[%get3A_746, %get3A_747] {strides = array<i32>} : memref<128x64xf32, #tpu.memory_space<vmem>>, vector<16xf32>,
        %get3A_749 = arith.index_cast %add3A_707 : i32 to index
        %get3A_750 = arith.constant 48 : index
        %get3A_751 = tpu.vector_load %arg12[%get3A_749, %get3A_750] {strides = array<i32>} : memref<128x64xf32, #tpu.memory_space<vmem>>, vector<16xf32>,
        %add3A_752 = arith.addf %get3A_748, %get3A_751 : vector<16xf32>
        %get3A_753 = arith.index_cast %add3A_707 : i32 to index
        %get3A_754 = arith.constant 48 : index
        %get3A_755 = tpu.vector_load %arg13[%get3A_753, %get3A_754] {strides = array<i32>} : memref<128x64xf32, #tpu.memory_space<vmem>>, vector<16xf32>,
        %sub3A_756 = arith.subf %add3A_752, %get3A_755 : vector<16xf32>
        %abs3A_757 = math.absf %sub3A_756 : vector<16xf32>
        %add3A_758 = arith.addf %add3A_745, %abs3A_757 : vector<16xf32>
        %swap3A_759 = arith.constant 192 : index
        %swap3A_760 = tpu.vector_load %arg14[%swap3A_759] {strides = array<i32>} : memref<256xf32, #tpu.memory_space<vmem>>, vector<16xf32>,
        tpu.vector_store %arg14[%swap3A_759], %add3A_758 {strides = array<i32>} : memref<256xf32, #tpu.memory_space<vmem>>, vector<16xf32>,
        %add3A_761 = arith.constant 13 : i32
        %add3A_762 = arith.addi %mul3A_49, %add3A_761 : i32
        %get3A_763 = arith.index_cast %add3A_762 : i32 to index
        %get3A_764 = arith.constant 0 : index
        %get3A_765 = tpu.vector_load %arg11[%get3A_763, %get3A_764] {strides = array<i32>} : memref<128x64xf32, #tpu.memory_space<vmem>>, vector<16xf32>,
        %get3A_766 = arith.index_cast %add3A_762 : i32 to index
        %get3A_767 = arith.constant 0 : index
        %get3A_768 = tpu.vector_load %arg12[%get3A_766, %get3A_767] {strides = array<i32>} : memref<128x64xf32, #tpu.memory_space<vmem>>, vector<16xf32>,
        %add3A_769 = arith.addf %get3A_765, %get3A_768 : vector<16xf32>
        %get3A_770 = arith.index_cast %add3A_762 : i32 to index
        %get3A_771 = arith.constant 0 : index
        %get3A_772 = tpu.vector_load %arg13[%get3A_770, %get3A_771] {strides = array<i32>} : memref<128x64xf32, #tpu.memory_space<vmem>>, vector<16xf32>,
        %sub3A_773 = arith.subf %add3A_769, %get3A_772 : vector<16xf32>
        %abs3A_774 = math.absf %sub3A_773 : vector<16xf32>
        %get3A_775 = arith.index_cast %add3A_762 : i32 to index
        %get3A_776 = arith.constant 16 : index
        %get3A_777 = tpu.vector_load %arg11[%get3A_775, %get3A_776] {strides = array<i32>} : memref<128x64xf32, #tpu.memory_space<vmem>>, vector<16xf32>,
        %get3A_778 = arith.index_cast %add3A_762 : i32 to index
        %get3A_779 = arith.constant 16 : index
        %get3A_780 = tpu.vector_load %arg12[%get3A_778, %get3A_779] {strides = array<i32>} : memref<128x64xf32, #tpu.memory_space<vmem>>, vector<16xf32>,
        %add3A_781 = arith.addf %get3A_777, %get3A_780 : vector<16xf32>
        %get3A_782 = arith.index_cast %add3A_762 : i32 to index
        %get3A_783 = arith.constant 16 : index
        %get3A_784 = tpu.vector_load %arg13[%get3A_782, %get3A_783] {strides = array<i32>} : memref<128x64xf32, #tpu.memory_space<vmem>>, vector<16xf32>,
        %sub3A_785 = arith.subf %add3A_781, %get3A_784 : vector<16xf32>
        %abs3A_786 = math.absf %sub3A_785 : vector<16xf32>
        %add3A_787 = arith.addf %abs3A_774, %abs3A_786 : vector<16xf32>
        %get3A_788 = arith.index_cast %add3A_762 : i32 to index
        %get3A_789 = arith.constant 32 : index
        %get3A_790 = tpu.vector_load %arg11[%get3A_788, %get3A_789] {strides = array<i32>} : memref<128x64xf32, #tpu.memory_space<vmem>>, vector<16xf32>,
        %get3A_791 = arith.index_cast %add3A_762 : i32 to index
        %get3A_792 = arith.constant 32 : index
        %get3A_793 = tpu.vector_load %arg12[%get3A_791, %get3A_792] {strides = array<i32>} : memref<128x64xf32, #tpu.memory_space<vmem>>, vector<16xf32>,
        %add3A_794 = arith.addf %get3A_790, %get3A_793 : vector<16xf32>
        %get3A_795 = arith.index_cast %add3A_762 : i32 to index
        %get3A_796 = arith.constant 32 : index
        %get3A_797 = tpu.vector_load %arg13[%get3A_795, %get3A_796] {strides = array<i32>} : memref<128x64xf32, #tpu.memory_space<vmem>>, vector<16xf32>,
        %sub3A_798 = arith.subf %add3A_794, %get3A_797 : vector<16xf32>
        %abs3A_799 = math.absf %sub3A_798 : vector<16xf32>
        %add3A_800 = arith.addf %add3A_787, %abs3A_799 : vector<16xf32>
        %get3A_801 = arith.index_cast %add3A_762 : i32 to index
        %get3A_802 = arith.constant 48 : index
        %get3A_803 = tpu.vector_load %arg11[%get3A_801, %get3A_802] {strides = array<i32>} : memref<128x64xf32, #tpu.memory_space<vmem>>, vector<16xf32>,
        %get3A_804 = arith.index_cast %add3A_762 : i32 to index
        %get3A_805 = arith.constant 48 : index
        %get3A_806 = tpu.vector_load %arg12[%get3A_804, %get3A_805] {strides = array<i32>} : memref<128x64xf32, #tpu.memory_space<vmem>>, vector<16xf32>,
        %add3A_807 = arith.addf %get3A_803, %get3A_806 : vector<16xf32>
        %get3A_808 = arith.index_cast %add3A_762 : i32 to index
        %get3A_809 = arith.constant 48 : index
        %get3A_810 = tpu.vector_load %arg13[%get3A_808, %get3A_809] {strides = array<i32>} : memref<128x64xf32, #tpu.memory_space<vmem>>, vector<16xf32>,
        %sub3A_811 = arith.subf %add3A_807, %get3A_810 : vector<16xf32>
        %abs3A_812 = math.absf %sub3A_811 : vector<16xf32>
        %add3A_813 = arith.addf %add3A_800, %abs3A_812 : vector<16xf32>
        %swap3A_814 = arith.constant 208 : index
        %swap3A_815 = tpu.vector_load %arg14[%swap3A_814] {strides = array<i32>} : memref<256xf32, #tpu.memory_space<vmem>>, vector<16xf32>,
        tpu.vector_store %arg14[%swap3A_814], %add3A_813 {strides = array<i32>} : memref<256xf32, #tpu.memory_space<vmem>>, vector<16xf32>,
        %add3A_816 = arith.constant 14 : i32
        %add3A_817 = arith.addi %mul3A_49, %add3A_816 : i32
        %get3A_818 = arith.index_cast %add3A_817 : i32 to index
        %get3A_819 = arith.constant 0 : index
        %get3A_820 = tpu.vector_load %arg11[%get3A_818, %get3A_819] {strides = array<i32>} : memref<128x64xf32, #tpu.memory_space<vmem>>, vector<16xf32>,
        %get3A_821 = arith.index_cast %add3A_817 : i32 to index
        %get3A_822 = arith.constant 0 : index
        %get3A_823 = tpu.vector_load %arg12[%get3A_821, %get3A_822] {strides = array<i32>} : memref<128x64xf32, #tpu.memory_space<vmem>>, vector<16xf32>,
        %add3A_824 = arith.addf %get3A_820, %get3A_823 : vector<16xf32>
        %get3A_825 = arith.index_cast %add3A_817 : i32 to index
        %get3A_826 = arith.constant 0 : index
        %get3A_827 = tpu.vector_load %arg13[%get3A_825, %get3A_826] {strides = array<i32>} : memref<128x64xf32, #tpu.memory_space<vmem>>, vector<16xf32>,
        %sub3A_828 = arith.subf %add3A_824, %get3A_827 : vector<16xf32>
        %abs3A_829 = math.absf %sub3A_828 : vector<16xf32>
        %get3A_830 = arith.index_cast %add3A_817 : i32 to index
        %get3A_831 = arith.constant 16 : index
        %get3A_832 = tpu.vector_load %arg11[%get3A_830, %get3A_831] {strides = array<i32>} : memref<128x64xf32, #tpu.memory_space<vmem>>, vector<16xf32>,
        %get3A_833 = arith.index_cast %add3A_817 : i32 to index
        %get3A_834 = arith.constant 16 : index
        %get3A_835 = tpu.vector_load %arg12[%get3A_833, %get3A_834] {strides = array<i32>} : memref<128x64xf32, #tpu.memory_space<vmem>>, vector<16xf32>,
        %add3A_836 = arith.addf %get3A_832, %get3A_835 : vector<16xf32>
        %get3A_837 = arith.index_cast %add3A_817 : i32 to index
        %get3A_838 = arith.constant 16 : index
        %get3A_839 = tpu.vector_load %arg13[%get3A_837, %get3A_838] {strides = array<i32>} : memref<128x64xf32, #tpu.memory_space<vmem>>, vector<16xf32>,
        %sub3A_840 = arith.subf %add3A_836, %get3A_839 : vector<16xf32>
        %abs3A_841 = math.absf %sub3A_840 : vector<16xf32>
        %add3A_842 = arith.addf %abs3A_829, %abs3A_841 : vector<16xf32>
        %get3A_843 = arith.index_cast %add3A_817 : i32 to index
        %get3A_844 = arith.constant 32 : index
        %get3A_845 = tpu.vector_load %arg11[%get3A_843, %get3A_844] {strides = array<i32>} : memref<128x64xf32, #tpu.memory_space<vmem>>, vector<16xf32>,
        %get3A_846 = arith.index_cast %add3A_817 : i32 to index
        %get3A_847 = arith.constant 32 : index
        %get3A_848 = tpu.vector_load %arg12[%get3A_846, %get3A_847] {strides = array<i32>} : memref<128x64xf32, #tpu.memory_space<vmem>>, vector<16xf32>,
        %add3A_849 = arith.addf %get3A_845, %get3A_848 : vector<16xf32>
        %get3A_850 = arith.index_cast %add3A_817 : i32 to index
        %get3A_851 = arith.constant 32 : index
        %get3A_852 = tpu.vector_load %arg13[%get3A_850, %get3A_851] {strides = array<i32>} : memref<128x64xf32, #tpu.memory_space<vmem>>, vector<16xf32>,
        %sub3A_853 = arith.subf %add3A_849, %get3A_852 : vector<16xf32>
        %abs3A_854 = math.absf %sub3A_853 : vector<16xf32>
        %add3A_855 = arith.addf %add3A_842, %abs3A_854 : vector<16xf32>
        %get3A_856 = arith.index_cast %add3A_817 : i32 to index
        %get3A_857 = arith.constant 48 : index
        %get3A_858 = tpu.vector_load %arg11[%get3A_856, %get3A_857] {strides = array<i32>} : memref<128x64xf32, #tpu.memory_space<vmem>>, vector<16xf32>,
        %get3A_859 = arith.index_cast %add3A_817 : i32 to index
        %get3A_860 = arith.constant 48 : index
        %get3A_861 = tpu.vector_load %arg12[%get3A_859, %get3A_860] {strides = array<i32>} : memref<128x64xf32, #tpu.memory_space<vmem>>, vector<16xf32>,
        %add3A_862 = arith.addf %get3A_858, %get3A_861 : vector<16xf32>
        %get3A_863 = arith.index_cast %add3A_817 : i32 to index
        %get3A_864 = arith.constant 48 : index
        %get3A_865 = tpu.vector_load %arg13[%get3A_863, %get3A_864] {strides = array<i32>} : memref<128x64xf32, #tpu.memory_space<vmem>>, vector<16xf32>,
        %sub3A_866 = arith.subf %add3A_862, %get3A_865 : vector<16xf32>
        %abs3A_867 = math.absf %sub3A_866 : vector<16xf32>
        %add3A_868 = arith.addf %add3A_855, %abs3A_867 : vector<16xf32>
        %swap3A_869 = arith.constant 224 : index
        %swap3A_870 = tpu.vector_load %arg14[%swap3A_869] {strides = array<i32>} : memref<256xf32, #tpu.memory_space<vmem>>, vector<16xf32>,
        tpu.vector_store %arg14[%swap3A_869], %add3A_868 {strides = array<i32>} : memref<256xf32, #tpu.memory_space<vmem>>, vector<16xf32>,
        %add3A_871 = arith.constant 15 : i32
        %add3A_872 = arith.addi %mul3A_49, %add3A_871 : i32
        %get3A_873 = arith.index_cast %add3A_872 : i32 to index
        %get3A_874 = arith.constant 0 : index
        %get3A_875 = tpu.vector_load %arg11[%get3A_873, %get3A_874] {strides = array<i32>} : memref<128x64xf32, #tpu.memory_space<vmem>>, vector<16xf32>,
        %get3A_876 = arith.index_cast %add3A_872 : i32 to index
        %get3A_877 = arith.constant 0 : index
        %get3A_878 = tpu.vector_load %arg12[%get3A_876, %get3A_877] {strides = array<i32>} : memref<128x64xf32, #tpu.memory_space<vmem>>, vector<16xf32>,
        %add3A_879 = arith.addf %get3A_875, %get3A_878 : vector<16xf32>
        %get3A_880 = arith.index_cast %add3A_872 : i32 to index
        %get3A_881 = arith.constant 0 : index
        %get3A_882 = tpu.vector_load %arg13[%get3A_880, %get3A_881] {strides = array<i32>} : memref<128x64xf32, #tpu.memory_space<vmem>>, vector<16xf32>,
        %sub3A_883 = arith.subf %add3A_879, %get3A_882 : vector<16xf32>
        %abs3A_884 = math.absf %sub3A_883 : vector<16xf32>
        %get3A_885 = arith.index_cast %add3A_872 : i32 to index
        %get3A_886 = arith.constant 16 : index
        %get3A_887 = tpu.vector_load %arg11[%get3A_885, %get3A_886] {strides = array<i32>} : memref<128x64xf32, #tpu.memory_space<vmem>>, vector<16xf32>,
        %get3A_888 = arith.index_cast %add3A_872 : i32 to index
        %get3A_889 = arith.constant 16 : index
        %get3A_890 = tpu.vector_load %arg12[%get3A_888, %get3A_889] {strides = array<i32>} : memref<128x64xf32, #tpu.memory_space<vmem>>, vector<16xf32>,
        %add3A_891 = arith.addf %get3A_887, %get3A_890 : vector<16xf32>
        %get3A_892 = arith.index_cast %add3A_872 : i32 to index
        %get3A_893 = arith.constant 16 : index
        %get3A_894 = tpu.vector_load %arg13[%get3A_892, %get3A_893] {strides = array<i32>} : memref<128x64xf32, #tpu.memory_space<vmem>>, vector<16xf32>,
        %sub3A_895 = arith.subf %add3A_891, %get3A_894 : vector<16xf32>
        %abs3A_896 = math.absf %sub3A_895 : vector<16xf32>
        %add3A_897 = arith.addf %abs3A_884, %abs3A_896 : vector<16xf32>
        %get3A_898 = arith.index_cast %add3A_872 : i32 to index
        %get3A_899 = arith.constant 32 : index
        %get3A_900 = tpu.vector_load %arg11[%get3A_898, %get3A_899] {strides = array<i32>} : memref<128x64xf32, #tpu.memory_space<vmem>>, vector<16xf32>,
        %get3A_901 = arith.index_cast %add3A_872 : i32 to index
        %get3A_902 = arith.constant 32 : index
        %get3A_903 = tpu.vector_load %arg12[%get3A_901, %get3A_902] {strides = array<i32>} : memref<128x64xf32, #tpu.memory_space<vmem>>, vector<16xf32>,
        %add3A_904 = arith.addf %get3A_900, %get3A_903 : vector<16xf32>
        %get3A_905 = arith.index_cast %add3A_872 : i32 to index
        %get3A_906 = arith.constant 32 : index
        %get3A_907 = tpu.vector_load %arg13[%get3A_905, %get3A_906] {strides = array<i32>} : memref<128x64xf32, #tpu.memory_space<vmem>>, vector<16xf32>,
        %sub3A_908 = arith.subf %add3A_904, %get3A_907 : vector<16xf32>
        %abs3A_909 = math.absf %sub3A_908 : vector<16xf32>
        %add3A_910 = arith.addf %add3A_897, %abs3A_909 : vector<16xf32>
        %get3A_911 = arith.index_cast %add3A_872 : i32 to index
        %get3A_912 = arith.constant 48 : index
        %get3A_913 = tpu.vector_load %arg11[%get3A_911, %get3A_912] {strides = array<i32>} : memref<128x64xf32, #tpu.memory_space<vmem>>, vector<16xf32>,
        %get3A_914 = arith.index_cast %add3A_872 : i32 to index
        %get3A_915 = arith.constant 48 : index
        %get3A_916 = tpu.vector_load %arg12[%get3A_914, %get3A_915] {strides = array<i32>} : memref<128x64xf32, #tpu.memory_space<vmem>>, vector<16xf32>,
        %add3A_917 = arith.addf %get3A_913, %get3A_916 : vector<16xf32>
        %get3A_918 = arith.index_cast %add3A_872 : i32 to index
        %get3A_919 = arith.constant 48 : index
        %get3A_920 = tpu.vector_load %arg13[%get3A_918, %get3A_919] {strides = array<i32>} : memref<128x64xf32, #tpu.memory_space<vmem>>, vector<16xf32>,
        %sub3A_921 = arith.subf %add3A_917, %get3A_920 : vector<16xf32>
        %abs3A_922 = math.absf %sub3A_921 : vector<16xf32>
        %add3A_923 = arith.addf %add3A_910, %abs3A_922 : vector<16xf32>
        %swap3A_924 = arith.constant 240 : index
        %swap3A_925 = tpu.vector_load %arg14[%swap3A_924] {strides = array<i32>} : memref<256xf32, #tpu.memory_space<vmem>>, vector<16xf32>,
        tpu.vector_store %arg14[%swap3A_924], %add3A_923 {strides = array<i32>} : memref<256xf32, #tpu.memory_space<vmem>>, vector<16xf32>,
        %iota3A = tpu.iota {dimensions = array<i32: 0>} : vector<16xi32>
        %mul3A_926 = arith.constant 16 : i32
        %mul3A_927 = vector.broadcast %mul3A_926 : i32 to vector<16xi32>
        %mul3A_928 = arith.muli %iota3A, %mul3A_927 : vector<16xi32>
        %gather3A = tpu.vector_load_idx %arg14[%mul3A_928] : memref<256xf32, #tpu.memory_space<vmem>>[vector<16xi32>], vector<16xf32>,
        %add3A_929 = arith.constant 1 : i32
        %add3A_930 = vector.broadcast %add3A_929 : i32 to vector<16xi32>
        %add3A_931 = arith.addi %mul3A_928, %add3A_930 : vector<16xi32>
        %gather3A_932 = tpu.vector_load_idx %arg14[%add3A_931] : memref<256xf32, #tpu.memory_space<vmem>>[vector<16xi32>], vector<16xf32>,
        %add3A_933 = arith.addf %gather3A, %gather3A_932 : vector<16xf32>
        %add3A_934 = arith.constant 2 : i32
        %add3A_935 = vector.broadcast %add3A_934 : i32 to vector<16xi32>
        %add3A_936 = arith.addi %mul3A_928, %add3A_935 : vector<16xi32>
        %gather3A_937 = tpu.vector_load_idx %arg14[%add3A_936] : memref<256xf32, #tpu.memory_space<vmem>>[vector<16xi32>], vector<16xf32>,
        %add3A_938 = arith.addf %add3A_933, %gather3A_937 : vector<16xf32>
        %add3A_939 = arith.constant 3 : i32
        %add3A_940 = vector.broadcast %add3A_939 : i32 to vector<16xi32>
        %add3A_941 = arith.addi %mul3A_928, %add3A_940 : vector<16xi32>
        %gather3A_942 = tpu.vector_load_idx %arg14[%add3A_941] : memref<256xf32, #tpu.memory_space<vmem>>[vector<16xi32>], vector<16xf32>,
        %add3A_943 = arith.addf %add3A_938, %gather3A_942 : vector<16xf32>
        %add3A_944 = arith.constant 4 : i32
        %add3A_945 = vector.broadcast %add3A_944 : i32 to vector<16xi32>
        %add3A_946 = arith.addi %mul3A_928, %add3A_945 : vector<16xi32>
        %gather3A_947 = tpu.vector_load_idx %arg14[%add3A_946] : memref<256xf32, #tpu.memory_space<vmem>>[vector<16xi32>], vector<16xf32>,
        %add3A_948 = arith.addf %add3A_943, %gather3A_947 : vector<16xf32>
        %add3A_949 = arith.constant 5 : i32
        %add3A_950 = vector.broadcast %add3A_949 : i32 to vector<16xi32>
        %add3A_951 = arith.addi %mul3A_928, %add3A_950 : vector<16xi32>
        %gather3A_952 = tpu.vector_load_idx %arg14[%add3A_951] : memref<256xf32, #tpu.memory_space<vmem>>[vector<16xi32>], vector<16xf32>,
        %add3A_953 = arith.addf %add3A_948, %gather3A_952 : vector<16xf32>
        %add3A_954 = arith.constant 6 : i32
        %add3A_955 = vector.broadcast %add3A_954 : i32 to vector<16xi32>
        %add3A_956 = arith.addi %mul3A_928, %add3A_955 : vector<16xi32>
        %gather3A_957 = tpu.vector_load_idx %arg14[%add3A_956] : memref<256xf32, #tpu.memory_space<vmem>>[vector<16xi32>], vector<16xf32>,
        %add3A_958 = arith.addf %add3A_953, %gather3A_957 : vector<16xf32>
        %add3A_959 = arith.constant 7 : i32
        %add3A_960 = vector.broadcast %add3A_959 : i32 to vector<16xi32>
        %add3A_961 = arith.addi %mul3A_928, %add3A_960 : vector<16xi32>
        %gather3A_962 = tpu.vector_load_idx %arg14[%add3A_961] : memref<256xf32, #tpu.memory_space<vmem>>[vector<16xi32>], vector<16xf32>,
        %add3A_963 = arith.addf %add3A_958, %gather3A_962 : vector<16xf32>
        %add3A_964 = arith.constant 8 : i32
        %add3A_965 = vector.broadcast %add3A_964 : i32 to vector<16xi32>
        %add3A_966 = arith.addi %mul3A_928, %add3A_965 : vector<16xi32>
        %gather3A_967 = tpu.vector_load_idx %arg14[%add3A_966] : memref<256xf32, #tpu.memory_space<vmem>>[vector<16xi32>], vector<16xf32>,
        %add3A_968 = arith.addf %add3A_963, %gather3A_967 : vector<16xf32>
        %add3A_969 = arith.constant 9 : i32
        %add3A_970 = vector.broadcast %add3A_969 : i32 to vector<16xi32>
        %add3A_971 = arith.addi %mul3A_928, %add3A_970 : vector<16xi32>
        %gather3A_972 = tpu.vector_load_idx %arg14[%add3A_971] : memref<256xf32, #tpu.memory_space<vmem>>[vector<16xi32>], vector<16xf32>,
        %add3A_973 = arith.addf %add3A_968, %gather3A_972 : vector<16xf32>
        %add3A_974 = arith.constant 10 : i32
        %add3A_975 = vector.broadcast %add3A_974 : i32 to vector<16xi32>
        %add3A_976 = arith.addi %mul3A_928, %add3A_975 : vector<16xi32>
        %gather3A_977 = tpu.vector_load_idx %arg14[%add3A_976] : memref<256xf32, #tpu.memory_space<vmem>>[vector<16xi32>], vector<16xf32>,
        %add3A_978 = arith.addf %add3A_973, %gather3A_977 : vector<16xf32>
        %add3A_979 = arith.constant 11 : i32
        %add3A_980 = vector.broadcast %add3A_979 : i32 to vector<16xi32>
        %add3A_981 = arith.addi %mul3A_928, %add3A_980 : vector<16xi32>
        %gather3A_982 = tpu.vector_load_idx %arg14[%add3A_981] : memref<256xf32, #tpu.memory_space<vmem>>[vector<16xi32>], vector<16xf32>,
        %add3A_983 = arith.addf %add3A_978, %gather3A_982 : vector<16xf32>
        %add3A_984 = arith.constant 12 : i32
        %add3A_985 = vector.broadcast %add3A_984 : i32 to vector<16xi32>
        %add3A_986 = arith.addi %mul3A_928, %add3A_985 : vector<16xi32>
        %gather3A_987 = tpu.vector_load_idx %arg14[%add3A_986] : memref<256xf32, #tpu.memory_space<vmem>>[vector<16xi32>], vector<16xf32>,
        %add3A_988 = arith.addf %add3A_983, %gather3A_987 : vector<16xf32>
        %add3A_989 = arith.constant 13 : i32
        %add3A_990 = vector.broadcast %add3A_989 : i32 to vector<16xi32>
        %add3A_991 = arith.addi %mul3A_928, %add3A_990 : vector<16xi32>
        %gather3A_992 = tpu.vector_load_idx %arg14[%add3A_991] : memref<256xf32, #tpu.memory_space<vmem>>[vector<16xi32>], vector<16xf32>,
        %add3A_993 = arith.addf %add3A_988, %gather3A_992 : vector<16xf32>
        %add3A_994 = arith.constant 14 : i32
        %add3A_995 = vector.broadcast %add3A_994 : i32 to vector<16xi32>
        %add3A_996 = arith.addi %mul3A_928, %add3A_995 : vector<16xi32>
        %gather3A_997 = tpu.vector_load_idx %arg14[%add3A_996] : memref<256xf32, #tpu.memory_space<vmem>>[vector<16xi32>], vector<16xf32>,
        %add3A_998 = arith.addf %add3A_993, %gather3A_997 : vector<16xf32>
        %add3A_999 = arith.constant 15 : i32
        %add3A_1000 = vector.broadcast %add3A_999 : i32 to vector<16xi32>
        %add3A_1001 = arith.addi %mul3A_928, %add3A_1000 : vector<16xi32>
        %gather3A_1002 = tpu.vector_load_idx %arg14[%add3A_1001] : memref<256xf32, #tpu.memory_space<vmem>>[vector<16xi32>], vector<16xf32>,
        %add3A_1003 = arith.addf %add3A_998, %gather3A_1002 : vector<16xf32>
        %swap3A_1004 = arith.index_cast %mul3A_49 : i32 to index
        %swap3A_1005 = tpu.vector_load %arg15[%swap3A_1004] {strides = array<i32>} : memref<128xf32, #tpu.memory_space<vmem>>, vector<16xf32>,
        tpu.vector_store %arg15[%swap3A_1004], %add3A_1003 {strides = array<i32>} : memref<128xf32, #tpu.memory_space<vmem>>, vector<16xf32>,
      }
      %scan3A_42 = arith.constant 8 : i32
      "tpu.region"() ({
        %run_scoped3A_43 = tpu.sem_alloc : memref<!tpu.dma_semaphore, #tpu.memory_space<semaphore_mem>>
        %dma_start3A_44 = tpu.memref_slice %arg6[%add3A_19] : memref<16384xf32, #tpu.memory_space<hbm>> -> memref<128xf32, #tpu.memory_space<hbm>>
        %dma_start3A_45 = tpu.memref_slice %arg6[%add3A_19] : memref<16384xf32, #tpu.memory_space<hbm>> -> memref<128xf32, #tpu.memory_space<hbm>>
        tpu.enqueue_dma source(%arg15 : memref<128xf32, #tpu.memory_space<vmem>>) target(%dma_start3A_45 : memref<128xf32, #tpu.memory_space<hbm>>) target_semaphore(%run_scoped3A_43 : memref<!tpu.dma_semaphore, #tpu.memory_space<semaphore_mem>>)
        %dma_wait3A_46 = tpu.memref_slice %arg6[%add3A_19] : memref<16384xf32, #tpu.memory_space<hbm>> -> memref<128xf32, #tpu.memory_space<hbm>>
        %dma_wait3A_47 = tpu.memref_slice %arg6[%add3A_19] : memref<16384xf32, #tpu.memory_space<hbm>> -> memref<128xf32, #tpu.memory_space<hbm>>
        tpu.wait_dma2 semaphore(%run_scoped3A_43 : memref<!tpu.dma_semaphore, #tpu.memory_space<semaphore_mem>>) src(%arg15 : memref<128xf32, #tpu.memory_space<vmem>>) dst(%dma_wait3A_47 : memref<128xf32, #tpu.memory_space<hbm>>)
        tpu.yield
      }) : () -> ()
    }
    %scan3A_6 = arith.constant 4 : i32
    %scan3A_7 = arith.constant 0 : i32
    %scan3A_8 = arith.constant 4 : i32
    %scan3A_9 = arith.addi %scan3A_7, %scan3A_8 : i32
    %scan3A_10 = arith.constant 1 : i32
    scf.for %scan3A_12 = %scan3A_7 to %scan3A_9 step %scan3A_10  : i32 {
      %mul3A_13 = arith.constant 1 : i32
      %mul3A_14 = arith.muli %scan3A_12, %mul3A_13 : i32
      %add3A_15 = arith.constant 0 : i32
      %add3A_16 = arith.addi %add3A_15, %mul3A_14 : i32
      %mul3A_17 = arith.constant 128 : i32
      %mul3A_18 = arith.muli %add3A_16, %mul3A_17 : i32
      %add3A_19 = arith.addi %mul3A_2, %mul3A_18 : i32
      %run_scoped3A = arith.constant 0 : i32
      "tpu.region"() ({
        %run_scoped3A_43 = tpu.sem_alloc : memref<!tpu.dma_semaphore, #tpu.memory_space<semaphore_mem>>
        %dma_start3A_44 = tpu.memref_slice %arg3[%run_scoped3A, %add3A_19] : memref<3x16384xi32, #tpu.memory_space<hbm>> -> memref<1x128xi32, #tpu.memory_space<hbm>>
        %dma_start3A_45 = tpu.memref_squeeze %dma_start3A_44 : memref<1x128xi32, #tpu.memory_space<hbm>> -> memref<128xi32, #tpu.memory_space<hbm>>
        %dma_start3A_46 = tpu.memref_slice %arg3[%run_scoped3A, %add3A_19] : memref<3x16384xi32, #tpu.memory_space<hbm>> -> memref<1x128xi32, #tpu.memory_space<hbm>>
        %dma_start3A_47 = tpu.memref_squeeze %dma_start3A_46 : memref<1x128xi32, #tpu.memory_space<hbm>> -> memref<128xi32, #tpu.memory_space<hbm>>
        tpu.enqueue_dma source(%dma_start3A_47 : memref<128xi32, #tpu.memory_space<hbm>>) target(%arg8 : memref<128xi32, #tpu.memory_space<vmem>>) target_semaphore(%run_scoped3A_43 : memref<!tpu.dma_semaphore, #tpu.memory_space<semaphore_mem>>)
        %dma_wait3A_48 = tpu.memref_slice %arg3[%run_scoped3A, %add3A_19] : memref<3x16384xi32, #tpu.memory_space<hbm>> -> memref<1x128xi32, #tpu.memory_space<hbm>>
        %dma_wait3A_49 = tpu.memref_squeeze %dma_wait3A_48 : memref<1x128xi32, #tpu.memory_space<hbm>> -> memref<128xi32, #tpu.memory_space<hbm>>
        %dma_wait3A_50 = tpu.memref_slice %arg3[%run_scoped3A, %add3A_19] : memref<3x16384xi32, #tpu.memory_space<hbm>> -> memref<1x128xi32, #tpu.memory_space<hbm>>
        %dma_wait3A_51 = tpu.memref_squeeze %dma_wait3A_50 : memref<1x128xi32, #tpu.memory_space<hbm>> -> memref<128xi32, #tpu.memory_space<hbm>>
        tpu.wait_dma2 semaphore(%run_scoped3A_43 : memref<!tpu.dma_semaphore, #tpu.memory_space<semaphore_mem>>) src(%dma_wait3A_51 : memref<128xi32, #tpu.memory_space<hbm>>) dst(%arg8 : memref<128xi32, #tpu.memory_space<vmem>>)
        tpu.yield
      }) : () -> ()
      %run_scoped3A_20 = arith.constant 1 : i32
      "tpu.region"() ({
        %run_scoped3A_43 = tpu.sem_alloc : memref<!tpu.dma_semaphore, #tpu.memory_space<semaphore_mem>>
        %dma_start3A_44 = tpu.memref_slice %arg3[%run_scoped3A_20, %add3A_19] : memref<3x16384xi32, #tpu.memory_space<hbm>> -> memref<1x128xi32, #tpu.memory_space<hbm>>
        %dma_start3A_45 = tpu.memref_squeeze %dma_start3A_44 : memref<1x128xi32, #tpu.memory_space<hbm>> -> memref<128xi32, #tpu.memory_space<hbm>>
        %dma_start3A_46 = tpu.memref_slice %arg3[%run_scoped3A_20, %add3A_19] : memref<3x16384xi32, #tpu.memory_space<hbm>> -> memref<1x128xi32, #tpu.memory_space<hbm>>
        %dma_start3A_47 = tpu.memref_squeeze %dma_start3A_46 : memref<1x128xi32, #tpu.memory_space<hbm>> -> memref<128xi32, #tpu.memory_space<hbm>>
        tpu.enqueue_dma source(%dma_start3A_47 : memref<128xi32, #tpu.memory_space<hbm>>) target(%arg9 : memref<128xi32, #tpu.memory_space<vmem>>) target_semaphore(%run_scoped3A_43 : memref<!tpu.dma_semaphore, #tpu.memory_space<semaphore_mem>>)
        %dma_wait3A_48 = tpu.memref_slice %arg3[%run_scoped3A_20, %add3A_19] : memref<3x16384xi32, #tpu.memory_space<hbm>> -> memref<1x128xi32, #tpu.memory_space<hbm>>
        %dma_wait3A_49 = tpu.memref_squeeze %dma_wait3A_48 : memref<1x128xi32, #tpu.memory_space<hbm>> -> memref<128xi32, #tpu.memory_space<hbm>>
        %dma_wait3A_50 = tpu.memref_slice %arg3[%run_scoped3A_20, %add3A_19] : memref<3x16384xi32, #tpu.memory_space<hbm>> -> memref<1x128xi32, #tpu.memory_space<hbm>>
        %dma_wait3A_51 = tpu.memref_squeeze %dma_wait3A_50 : memref<1x128xi32, #tpu.memory_space<hbm>> -> memref<128xi32, #tpu.memory_space<hbm>>
        tpu.wait_dma2 semaphore(%run_scoped3A_43 : memref<!tpu.dma_semaphore, #tpu.memory_space<semaphore_mem>>) src(%dma_wait3A_51 : memref<128xi32, #tpu.memory_space<hbm>>) dst(%arg9 : memref<128xi32, #tpu.memory_space<vmem>>)
        tpu.yield
      }) : () -> ()
      %run_scoped3A_21 = arith.constant 2 : i32
      "tpu.region"() ({
        %run_scoped3A_43 = tpu.sem_alloc : memref<!tpu.dma_semaphore, #tpu.memory_space<semaphore_mem>>
        %dma_start3A_44 = tpu.memref_slice %arg3[%run_scoped3A_21, %add3A_19] : memref<3x16384xi32, #tpu.memory_space<hbm>> -> memref<1x128xi32, #tpu.memory_space<hbm>>
        %dma_start3A_45 = tpu.memref_squeeze %dma_start3A_44 : memref<1x128xi32, #tpu.memory_space<hbm>> -> memref<128xi32, #tpu.memory_space<hbm>>
        %dma_start3A_46 = tpu.memref_slice %arg3[%run_scoped3A_21, %add3A_19] : memref<3x16384xi32, #tpu.memory_space<hbm>> -> memref<1x128xi32, #tpu.memory_space<hbm>>
        %dma_start3A_47 = tpu.memref_squeeze %dma_start3A_46 : memref<1x128xi32, #tpu.memory_space<hbm>> -> memref<128xi32, #tpu.memory_space<hbm>>
        tpu.enqueue_dma source(%dma_start3A_47 : memref<128xi32, #tpu.memory_space<hbm>>) target(%arg10 : memref<128xi32, #tpu.memory_space<vmem>>) target_semaphore(%run_scoped3A_43 : memref<!tpu.dma_semaphore, #tpu.memory_space<semaphore_mem>>)
        %dma_wait3A_48 = tpu.memref_slice %arg3[%run_scoped3A_21, %add3A_19] : memref<3x16384xi32, #tpu.memory_space<hbm>> -> memref<1x128xi32, #tpu.memory_space<hbm>>
        %dma_wait3A_49 = tpu.memref_squeeze %dma_wait3A_48 : memref<1x128xi32, #tpu.memory_space<hbm>> -> memref<128xi32, #tpu.memory_space<hbm>>
        %dma_wait3A_50 = tpu.memref_slice %arg3[%run_scoped3A_21, %add3A_19] : memref<3x16384xi32, #tpu.memory_space<hbm>> -> memref<1x128xi32, #tpu.memory_space<hbm>>
        %dma_wait3A_51 = tpu.memref_squeeze %dma_wait3A_50 : memref<1x128xi32, #tpu.memory_space<hbm>> -> memref<128xi32, #tpu.memory_space<hbm>>
        tpu.wait_dma2 semaphore(%run_scoped3A_43 : memref<!tpu.dma_semaphore, #tpu.memory_space<semaphore_mem>>) src(%dma_wait3A_51 : memref<128xi32, #tpu.memory_space<hbm>>) dst(%arg10 : memref<128xi32, #tpu.memory_space<vmem>>)
        tpu.yield
      }) : () -> ()
      %dma_start3A = arith.constant 0 : i32
      %dma_start3A_22 = arith.constant 0 : i32
      %dma_start3A_23 = tpu.memref_slice %arg4[%dma_start3A, %dma_start3A_22] : memref<1000000x64xf32, #tpu.memory_space<hbm>> -> memref<1000000x64xf32, #tpu.memory_space<hbm>>
      tpu.enqueue_indirect_dma source(%dma_start3A_23 : memref<1000000x64xf32, #tpu.memory_space<hbm>>) target(%arg11 : memref<128x64xf32, #tpu.memory_space<vmem>>) offsets(%arg8 : memref<128xi32, #tpu.memory_space<vmem>>) semaphore(%arg16 : memref<!tpu.dma_semaphore, #tpu.memory_space<semaphore_mem>>)
      %dma_start3A_24 = arith.constant 0 : i32
      %dma_start3A_25 = arith.constant 0 : i32
      %dma_start3A_26 = tpu.memref_slice %arg5[%dma_start3A_24, %dma_start3A_25] : memref<1000000x64xf32, #tpu.memory_space<hbm>> -> memref<1000000x64xf32, #tpu.memory_space<hbm>>
      tpu.enqueue_indirect_dma source(%dma_start3A_26 : memref<1000000x64xf32, #tpu.memory_space<hbm>>) target(%arg12 : memref<128x64xf32, #tpu.memory_space<vmem>>) offsets(%arg9 : memref<128xi32, #tpu.memory_space<vmem>>) semaphore(%arg16 : memref<!tpu.dma_semaphore, #tpu.memory_space<semaphore_mem>>)
      %dma_start3A_27 = arith.constant 0 : i32
      %dma_start3A_28 = arith.constant 0 : i32
      %dma_start3A_29 = tpu.memref_slice %arg4[%dma_start3A_27, %dma_start3A_28] : memref<1000000x64xf32, #tpu.memory_space<hbm>> -> memref<1000000x64xf32, #tpu.memory_space<hbm>>
      tpu.enqueue_indirect_dma source(%dma_start3A_29 : memref<1000000x64xf32, #tpu.memory_space<hbm>>) target(%arg13 : memref<128x64xf32, #tpu.memory_space<vmem>>) offsets(%arg10 : memref<128xi32, #tpu.memory_space<vmem>>) semaphore(%arg16 : memref<!tpu.dma_semaphore, #tpu.memory_space<semaphore_mem>>)
      %dma_wait3A = arith.constant 0 : i32
      %dma_wait3A_30 = arith.constant 0 : i32
      %dma_wait3A_31 = tpu.memref_slice %arg4[%dma_wait3A, %dma_wait3A_30] : memref<1000000x64xf32, #tpu.memory_space<hbm>> -> memref<1000000x64xf32, #tpu.memory_space<hbm>>
      tpu.wait_indirect_dma semaphore(%arg16 : memref<!tpu.dma_semaphore, #tpu.memory_space<semaphore_mem>>) src(%dma_wait3A_31 : memref<1000000x64xf32, #tpu.memory_space<hbm>>) dst(%arg11 : memref<128x64xf32, #tpu.memory_space<vmem>>)
      %dma_wait3A_32 = arith.constant 0 : i32
      %dma_wait3A_33 = arith.constant 0 : i32
      %dma_wait3A_34 = tpu.memref_slice %arg5[%dma_wait3A_32, %dma_wait3A_33] : memref<1000000x64xf32, #tpu.memory_space<hbm>> -> memref<1000000x64xf32, #tpu.memory_space<hbm>>
      tpu.wait_indirect_dma semaphore(%arg16 : memref<!tpu.dma_semaphore, #tpu.memory_space<semaphore_mem>>) src(%dma_wait3A_34 : memref<1000000x64xf32, #tpu.memory_space<hbm>>) dst(%arg12 : memref<128x64xf32, #tpu.memory_space<vmem>>)
      %dma_wait3A_35 = arith.constant 0 : i32
      %dma_wait3A_36 = arith.constant 0 : i32
      %dma_wait3A_37 = tpu.memref_slice %arg4[%dma_wait3A_35, %dma_wait3A_36] : memref<1000000x64xf32, #tpu.memory_space<hbm>> -> memref<1000000x64xf32, #tpu.memory_space<hbm>>
      tpu.wait_indirect_dma semaphore(%arg16 : memref<!tpu.dma_semaphore, #tpu.memory_space<semaphore_mem>>) src(%dma_wait3A_37 : memref<1000000x64xf32, #tpu.memory_space<hbm>>) dst(%arg13 : memref<128x64xf32, #tpu.memory_space<vmem>>)
      %scan3A_38 = arith.constant 0 : i32
      %scan3A_39 = arith.constant 8 : i32
      %scan3A_40 = arith.addi %scan3A_38, %scan3A_39 : i32
      %scan3A_41 = arith.constant 1 : i32
      scf.for %scan3A_43 = %scan3A_38 to %scan3A_40 step %scan3A_41  : i32 {
        %mul3A_44 = arith.constant 1 : i32
        %mul3A_45 = arith.muli %scan3A_43, %mul3A_44 : i32
        %add3A_46 = arith.constant 0 : i32
        %add3A_47 = arith.addi %add3A_46, %mul3A_45 : i32
        %mul3A_48 = arith.constant 16 : i32
        %mul3A_49 = arith.muli %add3A_47, %mul3A_48 : i32
        %add3A_50 = arith.constant 0 : i32
        %add3A_51 = arith.addi %mul3A_49, %add3A_50 : i32
        %get3A = arith.index_cast %add3A_51 : i32 to index
        %get3A_52 = arith.constant 0 : index
        %get3A_53 = tpu.vector_load %arg11[%get3A, %get3A_52] {strides = array<i32>} : memref<128x64xf32, #tpu.memory_space<vmem>>, vector<16xf32>,
        %get3A_54 = arith.index_cast %add3A_51 : i32 to index
        %get3A_55 = arith.constant 0 : index
        %get3A_56 = tpu.vector_load %arg12[%get3A_54, %get3A_55] {strides = array<i32>} : memref<128x64xf32, #tpu.memory_space<vmem>>, vector<16xf32>,
        %add3A_57 = arith.addf %get3A_53, %get3A_56 : vector<16xf32>
        %get3A_58 = arith.index_cast %add3A_51 : i32 to index
        %get3A_59 = arith.constant 0 : index
        %get3A_60 = tpu.vector_load %arg13[%get3A_58, %get3A_59] {strides = array<i32>} : memref<128x64xf32, #tpu.memory_space<vmem>>, vector<16xf32>,
        %sub3A = arith.subf %add3A_57, %get3A_60 : vector<16xf32>
        %abs3A = math.absf %sub3A : vector<16xf32>
        %get3A_61 = arith.index_cast %add3A_51 : i32 to index
        %get3A_62 = arith.constant 16 : index
        %get3A_63 = tpu.vector_load %arg11[%get3A_61, %get3A_62] {strides = array<i32>} : memref<128x64xf32, #tpu.memory_space<vmem>>, vector<16xf32>,
        %get3A_64 = arith.index_cast %add3A_51 : i32 to index
        %get3A_65 = arith.constant 16 : index
        %get3A_66 = tpu.vector_load %arg12[%get3A_64, %get3A_65] {strides = array<i32>} : memref<128x64xf32, #tpu.memory_space<vmem>>, vector<16xf32>,
        %add3A_67 = arith.addf %get3A_63, %get3A_66 : vector<16xf32>
        %get3A_68 = arith.index_cast %add3A_51 : i32 to index
        %get3A_69 = arith.constant 16 : index
        %get3A_70 = tpu.vector_load %arg13[%get3A_68, %get3A_69] {strides = array<i32>} : memref<128x64xf32, #tpu.memory_space<vmem>>, vector<16xf32>,
        %sub3A_71 = arith.subf %add3A_67, %get3A_70 : vector<16xf32>
        %abs3A_72 = math.absf %sub3A_71 : vector<16xf32>
        %add3A_73 = arith.addf %abs3A, %abs3A_72 : vector<16xf32>
        %get3A_74 = arith.index_cast %add3A_51 : i32 to index
        %get3A_75 = arith.constant 32 : index
        %get3A_76 = tpu.vector_load %arg11[%get3A_74, %get3A_75] {strides = array<i32>} : memref<128x64xf32, #tpu.memory_space<vmem>>, vector<16xf32>,
        %get3A_77 = arith.index_cast %add3A_51 : i32 to index
        %get3A_78 = arith.constant 32 : index
        %get3A_79 = tpu.vector_load %arg12[%get3A_77, %get3A_78] {strides = array<i32>} : memref<128x64xf32, #tpu.memory_space<vmem>>, vector<16xf32>,
        %add3A_80 = arith.addf %get3A_76, %get3A_79 : vector<16xf32>
        %get3A_81 = arith.index_cast %add3A_51 : i32 to index
        %get3A_82 = arith.constant 32 : index
        %get3A_83 = tpu.vector_load %arg13[%get3A_81, %get3A_82] {strides = array<i32>} : memref<128x64xf32, #tpu.memory_space<vmem>>, vector<16xf32>,
        %sub3A_84 = arith.subf %add3A_80, %get3A_83 : vector<16xf32>
        %abs3A_85 = math.absf %sub3A_84 : vector<16xf32>
        %add3A_86 = arith.addf %add3A_73, %abs3A_85 : vector<16xf32>
        %get3A_87 = arith.index_cast %add3A_51 : i32 to index
        %get3A_88 = arith.constant 48 : index
        %get3A_89 = tpu.vector_load %arg11[%get3A_87, %get3A_88] {strides = array<i32>} : memref<128x64xf32, #tpu.memory_space<vmem>>, vector<16xf32>,
        %get3A_90 = arith.index_cast %add3A_51 : i32 to index
        %get3A_91 = arith.constant 48 : index
        %get3A_92 = tpu.vector_load %arg12[%get3A_90, %get3A_91] {strides = array<i32>} : memref<128x64xf32, #tpu.memory_space<vmem>>, vector<16xf32>,
        %add3A_93 = arith.addf %get3A_89, %get3A_92 : vector<16xf32>
        %get3A_94 = arith.index_cast %add3A_51 : i32 to index
        %get3A_95 = arith.constant 48 : index
        %get3A_96 = tpu.vector_load %arg13[%get3A_94, %get3A_95] {strides = array<i32>} : memref<128x64xf32, #tpu.memory_space<vmem>>, vector<16xf32>,
        %sub3A_97 = arith.subf %add3A_93, %get3A_96 : vector<16xf32>
        %abs3A_98 = math.absf %sub3A_97 : vector<16xf32>
        %add3A_99 = arith.addf %add3A_86, %abs3A_98 : vector<16xf32>
        %swap3A = arith.constant 0 : index
        %swap3A_100 = tpu.vector_load %arg14[%swap3A] {strides = array<i32>} : memref<256xf32, #tpu.memory_space<vmem>>, vector<16xf32>,
        tpu.vector_store %arg14[%swap3A], %add3A_99 {strides = array<i32>} : memref<256xf32, #tpu.memory_space<vmem>>, vector<16xf32>,
        %add3A_101 = arith.constant 1 : i32
        %add3A_102 = arith.addi %mul3A_49, %add3A_101 : i32
        %get3A_103 = arith.index_cast %add3A_102 : i32 to index
        %get3A_104 = arith.constant 0 : index
        %get3A_105 = tpu.vector_load %arg11[%get3A_103, %get3A_104] {strides = array<i32>} : memref<128x64xf32, #tpu.memory_space<vmem>>, vector<16xf32>,
        %get3A_106 = arith.index_cast %add3A_102 : i32 to index
        %get3A_107 = arith.constant 0 : index
        %get3A_108 = tpu.vector_load %arg12[%get3A_106, %get3A_107] {strides = array<i32>} : memref<128x64xf32, #tpu.memory_space<vmem>>, vector<16xf32>,
        %add3A_109 = arith.addf %get3A_105, %get3A_108 : vector<16xf32>
        %get3A_110 = arith.index_cast %add3A_102 : i32 to index
        %get3A_111 = arith.constant 0 : index
        %get3A_112 = tpu.vector_load %arg13[%get3A_110, %get3A_111] {strides = array<i32>} : memref<128x64xf32, #tpu.memory_space<vmem>>, vector<16xf32>,
        %sub3A_113 = arith.subf %add3A_109, %get3A_112 : vector<16xf32>
        %abs3A_114 = math.absf %sub3A_113 : vector<16xf32>
        %get3A_115 = arith.index_cast %add3A_102 : i32 to index
        %get3A_116 = arith.constant 16 : index
        %get3A_117 = tpu.vector_load %arg11[%get3A_115, %get3A_116] {strides = array<i32>} : memref<128x64xf32, #tpu.memory_space<vmem>>, vector<16xf32>,
        %get3A_118 = arith.index_cast %add3A_102 : i32 to index
        %get3A_119 = arith.constant 16 : index
        %get3A_120 = tpu.vector_load %arg12[%get3A_118, %get3A_119] {strides = array<i32>} : memref<128x64xf32, #tpu.memory_space<vmem>>, vector<16xf32>,
        %add3A_121 = arith.addf %get3A_117, %get3A_120 : vector<16xf32>
        %get3A_122 = arith.index_cast %add3A_102 : i32 to index
        %get3A_123 = arith.constant 16 : index
        %get3A_124 = tpu.vector_load %arg13[%get3A_122, %get3A_123] {strides = array<i32>} : memref<128x64xf32, #tpu.memory_space<vmem>>, vector<16xf32>,
        %sub3A_125 = arith.subf %add3A_121, %get3A_124 : vector<16xf32>
        %abs3A_126 = math.absf %sub3A_125 : vector<16xf32>
        %add3A_127 = arith.addf %abs3A_114, %abs3A_126 : vector<16xf32>
        %get3A_128 = arith.index_cast %add3A_102 : i32 to index
        %get3A_129 = arith.constant 32 : index
        %get3A_130 = tpu.vector_load %arg11[%get3A_128, %get3A_129] {strides = array<i32>} : memref<128x64xf32, #tpu.memory_space<vmem>>, vector<16xf32>,
        %get3A_131 = arith.index_cast %add3A_102 : i32 to index
        %get3A_132 = arith.constant 32 : index
        %get3A_133 = tpu.vector_load %arg12[%get3A_131, %get3A_132] {strides = array<i32>} : memref<128x64xf32, #tpu.memory_space<vmem>>, vector<16xf32>,
        %add3A_134 = arith.addf %get3A_130, %get3A_133 : vector<16xf32>
        %get3A_135 = arith.index_cast %add3A_102 : i32 to index
        %get3A_136 = arith.constant 32 : index
        %get3A_137 = tpu.vector_load %arg13[%get3A_135, %get3A_136] {strides = array<i32>} : memref<128x64xf32, #tpu.memory_space<vmem>>, vector<16xf32>,
        %sub3A_138 = arith.subf %add3A_134, %get3A_137 : vector<16xf32>
        %abs3A_139 = math.absf %sub3A_138 : vector<16xf32>
        %add3A_140 = arith.addf %add3A_127, %abs3A_139 : vector<16xf32>
        %get3A_141 = arith.index_cast %add3A_102 : i32 to index
        %get3A_142 = arith.constant 48 : index
        %get3A_143 = tpu.vector_load %arg11[%get3A_141, %get3A_142] {strides = array<i32>} : memref<128x64xf32, #tpu.memory_space<vmem>>, vector<16xf32>,
        %get3A_144 = arith.index_cast %add3A_102 : i32 to index
        %get3A_145 = arith.constant 48 : index
        %get3A_146 = tpu.vector_load %arg12[%get3A_144, %get3A_145] {strides = array<i32>} : memref<128x64xf32, #tpu.memory_space<vmem>>, vector<16xf32>,
        %add3A_147 = arith.addf %get3A_143, %get3A_146 : vector<16xf32>
        %get3A_148 = arith.index_cast %add3A_102 : i32 to index
        %get3A_149 = arith.constant 48 : index
        %get3A_150 = tpu.vector_load %arg13[%get3A_148, %get3A_149] {strides = array<i32>} : memref<128x64xf32, #tpu.memory_space<vmem>>, vector<16xf32>,
        %sub3A_151 = arith.subf %add3A_147, %get3A_150 : vector<16xf32>
        %abs3A_152 = math.absf %sub3A_151 : vector<16xf32>
        %add3A_153 = arith.addf %add3A_140, %abs3A_152 : vector<16xf32>
        %swap3A_154 = arith.constant 16 : index
        %swap3A_155 = tpu.vector_load %arg14[%swap3A_154] {strides = array<i32>} : memref<256xf32, #tpu.memory_space<vmem>>, vector<16xf32>,
        tpu.vector_store %arg14[%swap3A_154], %add3A_153 {strides = array<i32>} : memref<256xf32, #tpu.memory_space<vmem>>, vector<16xf32>,
        %add3A_156 = arith.constant 2 : i32
        %add3A_157 = arith.addi %mul3A_49, %add3A_156 : i32
        %get3A_158 = arith.index_cast %add3A_157 : i32 to index
        %get3A_159 = arith.constant 0 : index
        %get3A_160 = tpu.vector_load %arg11[%get3A_158, %get3A_159] {strides = array<i32>} : memref<128x64xf32, #tpu.memory_space<vmem>>, vector<16xf32>,
        %get3A_161 = arith.index_cast %add3A_157 : i32 to index
        %get3A_162 = arith.constant 0 : index
        %get3A_163 = tpu.vector_load %arg12[%get3A_161, %get3A_162] {strides = array<i32>} : memref<128x64xf32, #tpu.memory_space<vmem>>, vector<16xf32>,
        %add3A_164 = arith.addf %get3A_160, %get3A_163 : vector<16xf32>
        %get3A_165 = arith.index_cast %add3A_157 : i32 to index
        %get3A_166 = arith.constant 0 : index
        %get3A_167 = tpu.vector_load %arg13[%get3A_165, %get3A_166] {strides = array<i32>} : memref<128x64xf32, #tpu.memory_space<vmem>>, vector<16xf32>,
        %sub3A_168 = arith.subf %add3A_164, %get3A_167 : vector<16xf32>
        %abs3A_169 = math.absf %sub3A_168 : vector<16xf32>
        %get3A_170 = arith.index_cast %add3A_157 : i32 to index
        %get3A_171 = arith.constant 16 : index
        %get3A_172 = tpu.vector_load %arg11[%get3A_170, %get3A_171] {strides = array<i32>} : memref<128x64xf32, #tpu.memory_space<vmem>>, vector<16xf32>,
        %get3A_173 = arith.index_cast %add3A_157 : i32 to index
        %get3A_174 = arith.constant 16 : index
        %get3A_175 = tpu.vector_load %arg12[%get3A_173, %get3A_174] {strides = array<i32>} : memref<128x64xf32, #tpu.memory_space<vmem>>, vector<16xf32>,
        %add3A_176 = arith.addf %get3A_172, %get3A_175 : vector<16xf32>
        %get3A_177 = arith.index_cast %add3A_157 : i32 to index
        %get3A_178 = arith.constant 16 : index
        %get3A_179 = tpu.vector_load %arg13[%get3A_177, %get3A_178] {strides = array<i32>} : memref<128x64xf32, #tpu.memory_space<vmem>>, vector<16xf32>,
        %sub3A_180 = arith.subf %add3A_176, %get3A_179 : vector<16xf32>
        %abs3A_181 = math.absf %sub3A_180 : vector<16xf32>
        %add3A_182 = arith.addf %abs3A_169, %abs3A_181 : vector<16xf32>
        %get3A_183 = arith.index_cast %add3A_157 : i32 to index
        %get3A_184 = arith.constant 32 : index
        %get3A_185 = tpu.vector_load %arg11[%get3A_183, %get3A_184] {strides = array<i32>} : memref<128x64xf32, #tpu.memory_space<vmem>>, vector<16xf32>,
        %get3A_186 = arith.index_cast %add3A_157 : i32 to index
        %get3A_187 = arith.constant 32 : index
        %get3A_188 = tpu.vector_load %arg12[%get3A_186, %get3A_187] {strides = array<i32>} : memref<128x64xf32, #tpu.memory_space<vmem>>, vector<16xf32>,
        %add3A_189 = arith.addf %get3A_185, %get3A_188 : vector<16xf32>
        %get3A_190 = arith.index_cast %add3A_157 : i32 to index
        %get3A_191 = arith.constant 32 : index
        %get3A_192 = tpu.vector_load %arg13[%get3A_190, %get3A_191] {strides = array<i32>} : memref<128x64xf32, #tpu.memory_space<vmem>>, vector<16xf32>,
        %sub3A_193 = arith.subf %add3A_189, %get3A_192 : vector<16xf32>
        %abs3A_194 = math.absf %sub3A_193 : vector<16xf32>
        %add3A_195 = arith.addf %add3A_182, %abs3A_194 : vector<16xf32>
        %get3A_196 = arith.index_cast %add3A_157 : i32 to index
        %get3A_197 = arith.constant 48 : index
        %get3A_198 = tpu.vector_load %arg11[%get3A_196, %get3A_197] {strides = array<i32>} : memref<128x64xf32, #tpu.memory_space<vmem>>, vector<16xf32>,
        %get3A_199 = arith.index_cast %add3A_157 : i32 to index
        %get3A_200 = arith.constant 48 : index
        %get3A_201 = tpu.vector_load %arg12[%get3A_199, %get3A_200] {strides = array<i32>} : memref<128x64xf32, #tpu.memory_space<vmem>>, vector<16xf32>,
        %add3A_202 = arith.addf %get3A_198, %get3A_201 : vector<16xf32>
        %get3A_203 = arith.index_cast %add3A_157 : i32 to index
        %get3A_204 = arith.constant 48 : index
        %get3A_205 = tpu.vector_load %arg13[%get3A_203, %get3A_204] {strides = array<i32>} : memref<128x64xf32, #tpu.memory_space<vmem>>, vector<16xf32>,
        %sub3A_206 = arith.subf %add3A_202, %get3A_205 : vector<16xf32>
        %abs3A_207 = math.absf %sub3A_206 : vector<16xf32>
        %add3A_208 = arith.addf %add3A_195, %abs3A_207 : vector<16xf32>
        %swap3A_209 = arith.constant 32 : index
        %swap3A_210 = tpu.vector_load %arg14[%swap3A_209] {strides = array<i32>} : memref<256xf32, #tpu.memory_space<vmem>>, vector<16xf32>,
        tpu.vector_store %arg14[%swap3A_209], %add3A_208 {strides = array<i32>} : memref<256xf32, #tpu.memory_space<vmem>>, vector<16xf32>,
        %add3A_211 = arith.constant 3 : i32
        %add3A_212 = arith.addi %mul3A_49, %add3A_211 : i32
        %get3A_213 = arith.index_cast %add3A_212 : i32 to index
        %get3A_214 = arith.constant 0 : index
        %get3A_215 = tpu.vector_load %arg11[%get3A_213, %get3A_214] {strides = array<i32>} : memref<128x64xf32, #tpu.memory_space<vmem>>, vector<16xf32>,
        %get3A_216 = arith.index_cast %add3A_212 : i32 to index
        %get3A_217 = arith.constant 0 : index
        %get3A_218 = tpu.vector_load %arg12[%get3A_216, %get3A_217] {strides = array<i32>} : memref<128x64xf32, #tpu.memory_space<vmem>>, vector<16xf32>,
        %add3A_219 = arith.addf %get3A_215, %get3A_218 : vector<16xf32>
        %get3A_220 = arith.index_cast %add3A_212 : i32 to index
        %get3A_221 = arith.constant 0 : index
        %get3A_222 = tpu.vector_load %arg13[%get3A_220, %get3A_221] {strides = array<i32>} : memref<128x64xf32, #tpu.memory_space<vmem>>, vector<16xf32>,
        %sub3A_223 = arith.subf %add3A_219, %get3A_222 : vector<16xf32>
        %abs3A_224 = math.absf %sub3A_223 : vector<16xf32>
        %get3A_225 = arith.index_cast %add3A_212 : i32 to index
        %get3A_226 = arith.constant 16 : index
        %get3A_227 = tpu.vector_load %arg11[%get3A_225, %get3A_226] {strides = array<i32>} : memref<128x64xf32, #tpu.memory_space<vmem>>, vector<16xf32>,
        %get3A_228 = arith.index_cast %add3A_212 : i32 to index
        %get3A_229 = arith.constant 16 : index
        %get3A_230 = tpu.vector_load %arg12[%get3A_228, %get3A_229] {strides = array<i32>} : memref<128x64xf32, #tpu.memory_space<vmem>>, vector<16xf32>,
        %add3A_231 = arith.addf %get3A_227, %get3A_230 : vector<16xf32>
        %get3A_232 = arith.index_cast %add3A_212 : i32 to index
        %get3A_233 = arith.constant 16 : index
        %get3A_234 = tpu.vector_load %arg13[%get3A_232, %get3A_233] {strides = array<i32>} : memref<128x64xf32, #tpu.memory_space<vmem>>, vector<16xf32>,
        %sub3A_235 = arith.subf %add3A_231, %get3A_234 : vector<16xf32>
        %abs3A_236 = math.absf %sub3A_235 : vector<16xf32>
        %add3A_237 = arith.addf %abs3A_224, %abs3A_236 : vector<16xf32>
        %get3A_238 = arith.index_cast %add3A_212 : i32 to index
        %get3A_239 = arith.constant 32 : index
        %get3A_240 = tpu.vector_load %arg11[%get3A_238, %get3A_239] {strides = array<i32>} : memref<128x64xf32, #tpu.memory_space<vmem>>, vector<16xf32>,
        %get3A_241 = arith.index_cast %add3A_212 : i32 to index
        %get3A_242 = arith.constant 32 : index
        %get3A_243 = tpu.vector_load %arg12[%get3A_241, %get3A_242] {strides = array<i32>} : memref<128x64xf32, #tpu.memory_space<vmem>>, vector<16xf32>,
        %add3A_244 = arith.addf %get3A_240, %get3A_243 : vector<16xf32>
        %get3A_245 = arith.index_cast %add3A_212 : i32 to index
        %get3A_246 = arith.constant 32 : index
        %get3A_247 = tpu.vector_load %arg13[%get3A_245, %get3A_246] {strides = array<i32>} : memref<128x64xf32, #tpu.memory_space<vmem>>, vector<16xf32>,
        %sub3A_248 = arith.subf %add3A_244, %get3A_247 : vector<16xf32>
        %abs3A_249 = math.absf %sub3A_248 : vector<16xf32>
        %add3A_250 = arith.addf %add3A_237, %abs3A_249 : vector<16xf32>
        %get3A_251 = arith.index_cast %add3A_212 : i32 to index
        %get3A_252 = arith.constant 48 : index
        %get3A_253 = tpu.vector_load %arg11[%get3A_251, %get3A_252] {strides = array<i32>} : memref<128x64xf32, #tpu.memory_space<vmem>>, vector<16xf32>,
        %get3A_254 = arith.index_cast %add3A_212 : i32 to index
        %get3A_255 = arith.constant 48 : index
        %get3A_256 = tpu.vector_load %arg12[%get3A_254, %get3A_255] {strides = array<i32>} : memref<128x64xf32, #tpu.memory_space<vmem>>, vector<16xf32>,
        %add3A_257 = arith.addf %get3A_253, %get3A_256 : vector<16xf32>
        %get3A_258 = arith.index_cast %add3A_212 : i32 to index
        %get3A_259 = arith.constant 48 : index
        %get3A_260 = tpu.vector_load %arg13[%get3A_258, %get3A_259] {strides = array<i32>} : memref<128x64xf32, #tpu.memory_space<vmem>>, vector<16xf32>,
        %sub3A_261 = arith.subf %add3A_257, %get3A_260 : vector<16xf32>
        %abs3A_262 = math.absf %sub3A_261 : vector<16xf32>
        %add3A_263 = arith.addf %add3A_250, %abs3A_262 : vector<16xf32>
        %swap3A_264 = arith.constant 48 : index
        %swap3A_265 = tpu.vector_load %arg14[%swap3A_264] {strides = array<i32>} : memref<256xf32, #tpu.memory_space<vmem>>, vector<16xf32>,
        tpu.vector_store %arg14[%swap3A_264], %add3A_263 {strides = array<i32>} : memref<256xf32, #tpu.memory_space<vmem>>, vector<16xf32>,
        %add3A_266 = arith.constant 4 : i32
        %add3A_267 = arith.addi %mul3A_49, %add3A_266 : i32
        %get3A_268 = arith.index_cast %add3A_267 : i32 to index
        %get3A_269 = arith.constant 0 : index
        %get3A_270 = tpu.vector_load %arg11[%get3A_268, %get3A_269] {strides = array<i32>} : memref<128x64xf32, #tpu.memory_space<vmem>>, vector<16xf32>,
        %get3A_271 = arith.index_cast %add3A_267 : i32 to index
        %get3A_272 = arith.constant 0 : index
        %get3A_273 = tpu.vector_load %arg12[%get3A_271, %get3A_272] {strides = array<i32>} : memref<128x64xf32, #tpu.memory_space<vmem>>, vector<16xf32>,
        %add3A_274 = arith.addf %get3A_270, %get3A_273 : vector<16xf32>
        %get3A_275 = arith.index_cast %add3A_267 : i32 to index
        %get3A_276 = arith.constant 0 : index
        %get3A_277 = tpu.vector_load %arg13[%get3A_275, %get3A_276] {strides = array<i32>} : memref<128x64xf32, #tpu.memory_space<vmem>>, vector<16xf32>,
        %sub3A_278 = arith.subf %add3A_274, %get3A_277 : vector<16xf32>
        %abs3A_279 = math.absf %sub3A_278 : vector<16xf32>
        %get3A_280 = arith.index_cast %add3A_267 : i32 to index
        %get3A_281 = arith.constant 16 : index
        %get3A_282 = tpu.vector_load %arg11[%get3A_280, %get3A_281] {strides = array<i32>} : memref<128x64xf32, #tpu.memory_space<vmem>>, vector<16xf32>,
        %get3A_283 = arith.index_cast %add3A_267 : i32 to index
        %get3A_284 = arith.constant 16 : index
        %get3A_285 = tpu.vector_load %arg12[%get3A_283, %get3A_284] {strides = array<i32>} : memref<128x64xf32, #tpu.memory_space<vmem>>, vector<16xf32>,
        %add3A_286 = arith.addf %get3A_282, %get3A_285 : vector<16xf32>
        %get3A_287 = arith.index_cast %add3A_267 : i32 to index
        %get3A_288 = arith.constant 16 : index
        %get3A_289 = tpu.vector_load %arg13[%get3A_287, %get3A_288] {strides = array<i32>} : memref<128x64xf32, #tpu.memory_space<vmem>>, vector<16xf32>,
        %sub3A_290 = arith.subf %add3A_286, %get3A_289 : vector<16xf32>
        %abs3A_291 = math.absf %sub3A_290 : vector<16xf32>
        %add3A_292 = arith.addf %abs3A_279, %abs3A_291 : vector<16xf32>
        %get3A_293 = arith.index_cast %add3A_267 : i32 to index
        %get3A_294 = arith.constant 32 : index
        %get3A_295 = tpu.vector_load %arg11[%get3A_293, %get3A_294] {strides = array<i32>} : memref<128x64xf32, #tpu.memory_space<vmem>>, vector<16xf32>,
        %get3A_296 = arith.index_cast %add3A_267 : i32 to index
        %get3A_297 = arith.constant 32 : index
        %get3A_298 = tpu.vector_load %arg12[%get3A_296, %get3A_297] {strides = array<i32>} : memref<128x64xf32, #tpu.memory_space<vmem>>, vector<16xf32>,
        %add3A_299 = arith.addf %get3A_295, %get3A_298 : vector<16xf32>
        %get3A_300 = arith.index_cast %add3A_267 : i32 to index
        %get3A_301 = arith.constant 32 : index
        %get3A_302 = tpu.vector_load %arg13[%get3A_300, %get3A_301] {strides = array<i32>} : memref<128x64xf32, #tpu.memory_space<vmem>>, vector<16xf32>,
        %sub3A_303 = arith.subf %add3A_299, %get3A_302 : vector<16xf32>
        %abs3A_304 = math.absf %sub3A_303 : vector<16xf32>
        %add3A_305 = arith.addf %add3A_292, %abs3A_304 : vector<16xf32>
        %get3A_306 = arith.index_cast %add3A_267 : i32 to index
        %get3A_307 = arith.constant 48 : index
        %get3A_308 = tpu.vector_load %arg11[%get3A_306, %get3A_307] {strides = array<i32>} : memref<128x64xf32, #tpu.memory_space<vmem>>, vector<16xf32>,
        %get3A_309 = arith.index_cast %add3A_267 : i32 to index
        %get3A_310 = arith.constant 48 : index
        %get3A_311 = tpu.vector_load %arg12[%get3A_309, %get3A_310] {strides = array<i32>} : memref<128x64xf32, #tpu.memory_space<vmem>>, vector<16xf32>,
        %add3A_312 = arith.addf %get3A_308, %get3A_311 : vector<16xf32>
        %get3A_313 = arith.index_cast %add3A_267 : i32 to index
        %get3A_314 = arith.constant 48 : index
        %get3A_315 = tpu.vector_load %arg13[%get3A_313, %get3A_314] {strides = array<i32>} : memref<128x64xf32, #tpu.memory_space<vmem>>, vector<16xf32>,
        %sub3A_316 = arith.subf %add3A_312, %get3A_315 : vector<16xf32>
        %abs3A_317 = math.absf %sub3A_316 : vector<16xf32>
        %add3A_318 = arith.addf %add3A_305, %abs3A_317 : vector<16xf32>
        %swap3A_319 = arith.constant 64 : index
        %swap3A_320 = tpu.vector_load %arg14[%swap3A_319] {strides = array<i32>} : memref<256xf32, #tpu.memory_space<vmem>>, vector<16xf32>,
        tpu.vector_store %arg14[%swap3A_319], %add3A_318 {strides = array<i32>} : memref<256xf32, #tpu.memory_space<vmem>>, vector<16xf32>,
        %add3A_321 = arith.constant 5 : i32
        %add3A_322 = arith.addi %mul3A_49, %add3A_321 : i32
        %get3A_323 = arith.index_cast %add3A_322 : i32 to index
        %get3A_324 = arith.constant 0 : index
        %get3A_325 = tpu.vector_load %arg11[%get3A_323, %get3A_324] {strides = array<i32>} : memref<128x64xf32, #tpu.memory_space<vmem>>, vector<16xf32>,
        %get3A_326 = arith.index_cast %add3A_322 : i32 to index
        %get3A_327 = arith.constant 0 : index
        %get3A_328 = tpu.vector_load %arg12[%get3A_326, %get3A_327] {strides = array<i32>} : memref<128x64xf32, #tpu.memory_space<vmem>>, vector<16xf32>,
        %add3A_329 = arith.addf %get3A_325, %get3A_328 : vector<16xf32>
        %get3A_330 = arith.index_cast %add3A_322 : i32 to index
        %get3A_331 = arith.constant 0 : index
        %get3A_332 = tpu.vector_load %arg13[%get3A_330, %get3A_331] {strides = array<i32>} : memref<128x64xf32, #tpu.memory_space<vmem>>, vector<16xf32>,
        %sub3A_333 = arith.subf %add3A_329, %get3A_332 : vector<16xf32>
        %abs3A_334 = math.absf %sub3A_333 : vector<16xf32>
        %get3A_335 = arith.index_cast %add3A_322 : i32 to index
        %get3A_336 = arith.constant 16 : index
        %get3A_337 = tpu.vector_load %arg11[%get3A_335, %get3A_336] {strides = array<i32>} : memref<128x64xf32, #tpu.memory_space<vmem>>, vector<16xf32>,
        %get3A_338 = arith.index_cast %add3A_322 : i32 to index
        %get3A_339 = arith.constant 16 : index
        %get3A_340 = tpu.vector_load %arg12[%get3A_338, %get3A_339] {strides = array<i32>} : memref<128x64xf32, #tpu.memory_space<vmem>>, vector<16xf32>,
        %add3A_341 = arith.addf %get3A_337, %get3A_340 : vector<16xf32>
        %get3A_342 = arith.index_cast %add3A_322 : i32 to index
        %get3A_343 = arith.constant 16 : index
        %get3A_344 = tpu.vector_load %arg13[%get3A_342, %get3A_343] {strides = array<i32>} : memref<128x64xf32, #tpu.memory_space<vmem>>, vector<16xf32>,
        %sub3A_345 = arith.subf %add3A_341, %get3A_344 : vector<16xf32>
        %abs3A_346 = math.absf %sub3A_345 : vector<16xf32>
        %add3A_347 = arith.addf %abs3A_334, %abs3A_346 : vector<16xf32>
        %get3A_348 = arith.index_cast %add3A_322 : i32 to index
        %get3A_349 = arith.constant 32 : index
        %get3A_350 = tpu.vector_load %arg11[%get3A_348, %get3A_349] {strides = array<i32>} : memref<128x64xf32, #tpu.memory_space<vmem>>, vector<16xf32>,
        %get3A_351 = arith.index_cast %add3A_322 : i32 to index
        %get3A_352 = arith.constant 32 : index
        %get3A_353 = tpu.vector_load %arg12[%get3A_351, %get3A_352] {strides = array<i32>} : memref<128x64xf32, #tpu.memory_space<vmem>>, vector<16xf32>,
        %add3A_354 = arith.addf %get3A_350, %get3A_353 : vector<16xf32>
        %get3A_355 = arith.index_cast %add3A_322 : i32 to index
        %get3A_356 = arith.constant 32 : index
        %get3A_357 = tpu.vector_load %arg13[%get3A_355, %get3A_356] {strides = array<i32>} : memref<128x64xf32, #tpu.memory_space<vmem>>, vector<16xf32>,
        %sub3A_358 = arith.subf %add3A_354, %get3A_357 : vector<16xf32>
        %abs3A_359 = math.absf %sub3A_358 : vector<16xf32>
        %add3A_360 = arith.addf %add3A_347, %abs3A_359 : vector<16xf32>
        %get3A_361 = arith.index_cast %add3A_322 : i32 to index
        %get3A_362 = arith.constant 48 : index
        %get3A_363 = tpu.vector_load %arg11[%get3A_361, %get3A_362] {strides = array<i32>} : memref<128x64xf32, #tpu.memory_space<vmem>>, vector<16xf32>,
        %get3A_364 = arith.index_cast %add3A_322 : i32 to index
        %get3A_365 = arith.constant 48 : index
        %get3A_366 = tpu.vector_load %arg12[%get3A_364, %get3A_365] {strides = array<i32>} : memref<128x64xf32, #tpu.memory_space<vmem>>, vector<16xf32>,
        %add3A_367 = arith.addf %get3A_363, %get3A_366 : vector<16xf32>
        %get3A_368 = arith.index_cast %add3A_322 : i32 to index
        %get3A_369 = arith.constant 48 : index
        %get3A_370 = tpu.vector_load %arg13[%get3A_368, %get3A_369] {strides = array<i32>} : memref<128x64xf32, #tpu.memory_space<vmem>>, vector<16xf32>,
        %sub3A_371 = arith.subf %add3A_367, %get3A_370 : vector<16xf32>
        %abs3A_372 = math.absf %sub3A_371 : vector<16xf32>
        %add3A_373 = arith.addf %add3A_360, %abs3A_372 : vector<16xf32>
        %swap3A_374 = arith.constant 80 : index
        %swap3A_375 = tpu.vector_load %arg14[%swap3A_374] {strides = array<i32>} : memref<256xf32, #tpu.memory_space<vmem>>, vector<16xf32>,
        tpu.vector_store %arg14[%swap3A_374], %add3A_373 {strides = array<i32>} : memref<256xf32, #tpu.memory_space<vmem>>, vector<16xf32>,
        %add3A_376 = arith.constant 6 : i32
        %add3A_377 = arith.addi %mul3A_49, %add3A_376 : i32
        %get3A_378 = arith.index_cast %add3A_377 : i32 to index
        %get3A_379 = arith.constant 0 : index
        %get3A_380 = tpu.vector_load %arg11[%get3A_378, %get3A_379] {strides = array<i32>} : memref<128x64xf32, #tpu.memory_space<vmem>>, vector<16xf32>,
        %get3A_381 = arith.index_cast %add3A_377 : i32 to index
        %get3A_382 = arith.constant 0 : index
        %get3A_383 = tpu.vector_load %arg12[%get3A_381, %get3A_382] {strides = array<i32>} : memref<128x64xf32, #tpu.memory_space<vmem>>, vector<16xf32>,
        %add3A_384 = arith.addf %get3A_380, %get3A_383 : vector<16xf32>
        %get3A_385 = arith.index_cast %add3A_377 : i32 to index
        %get3A_386 = arith.constant 0 : index
        %get3A_387 = tpu.vector_load %arg13[%get3A_385, %get3A_386] {strides = array<i32>} : memref<128x64xf32, #tpu.memory_space<vmem>>, vector<16xf32>,
        %sub3A_388 = arith.subf %add3A_384, %get3A_387 : vector<16xf32>
        %abs3A_389 = math.absf %sub3A_388 : vector<16xf32>
        %get3A_390 = arith.index_cast %add3A_377 : i32 to index
        %get3A_391 = arith.constant 16 : index
        %get3A_392 = tpu.vector_load %arg11[%get3A_390, %get3A_391] {strides = array<i32>} : memref<128x64xf32, #tpu.memory_space<vmem>>, vector<16xf32>,
        %get3A_393 = arith.index_cast %add3A_377 : i32 to index
        %get3A_394 = arith.constant 16 : index
        %get3A_395 = tpu.vector_load %arg12[%get3A_393, %get3A_394] {strides = array<i32>} : memref<128x64xf32, #tpu.memory_space<vmem>>, vector<16xf32>,
        %add3A_396 = arith.addf %get3A_392, %get3A_395 : vector<16xf32>
        %get3A_397 = arith.index_cast %add3A_377 : i32 to index
        %get3A_398 = arith.constant 16 : index
        %get3A_399 = tpu.vector_load %arg13[%get3A_397, %get3A_398] {strides = array<i32>} : memref<128x64xf32, #tpu.memory_space<vmem>>, vector<16xf32>,
        %sub3A_400 = arith.subf %add3A_396, %get3A_399 : vector<16xf32>
        %abs3A_401 = math.absf %sub3A_400 : vector<16xf32>
        %add3A_402 = arith.addf %abs3A_389, %abs3A_401 : vector<16xf32>
        %get3A_403 = arith.index_cast %add3A_377 : i32 to index
        %get3A_404 = arith.constant 32 : index
        %get3A_405 = tpu.vector_load %arg11[%get3A_403, %get3A_404] {strides = array<i32>} : memref<128x64xf32, #tpu.memory_space<vmem>>, vector<16xf32>,
        %get3A_406 = arith.index_cast %add3A_377 : i32 to index
        %get3A_407 = arith.constant 32 : index
        %get3A_408 = tpu.vector_load %arg12[%get3A_406, %get3A_407] {strides = array<i32>} : memref<128x64xf32, #tpu.memory_space<vmem>>, vector<16xf32>,
        %add3A_409 = arith.addf %get3A_405, %get3A_408 : vector<16xf32>
        %get3A_410 = arith.index_cast %add3A_377 : i32 to index
        %get3A_411 = arith.constant 32 : index
        %get3A_412 = tpu.vector_load %arg13[%get3A_410, %get3A_411] {strides = array<i32>} : memref<128x64xf32, #tpu.memory_space<vmem>>, vector<16xf32>,
        %sub3A_413 = arith.subf %add3A_409, %get3A_412 : vector<16xf32>
        %abs3A_414 = math.absf %sub3A_413 : vector<16xf32>
        %add3A_415 = arith.addf %add3A_402, %abs3A_414 : vector<16xf32>
        %get3A_416 = arith.index_cast %add3A_377 : i32 to index
        %get3A_417 = arith.constant 48 : index
        %get3A_418 = tpu.vector_load %arg11[%get3A_416, %get3A_417] {strides = array<i32>} : memref<128x64xf32, #tpu.memory_space<vmem>>, vector<16xf32>,
        %get3A_419 = arith.index_cast %add3A_377 : i32 to index
        %get3A_420 = arith.constant 48 : index
        %get3A_421 = tpu.vector_load %arg12[%get3A_419, %get3A_420] {strides = array<i32>} : memref<128x64xf32, #tpu.memory_space<vmem>>, vector<16xf32>,
        %add3A_422 = arith.addf %get3A_418, %get3A_421 : vector<16xf32>
        %get3A_423 = arith.index_cast %add3A_377 : i32 to index
        %get3A_424 = arith.constant 48 : index
        %get3A_425 = tpu.vector_load %arg13[%get3A_423, %get3A_424] {strides = array<i32>} : memref<128x64xf32, #tpu.memory_space<vmem>>, vector<16xf32>,
        %sub3A_426 = arith.subf %add3A_422, %get3A_425 : vector<16xf32>
        %abs3A_427 = math.absf %sub3A_426 : vector<16xf32>
        %add3A_428 = arith.addf %add3A_415, %abs3A_427 : vector<16xf32>
        %swap3A_429 = arith.constant 96 : index
        %swap3A_430 = tpu.vector_load %arg14[%swap3A_429] {strides = array<i32>} : memref<256xf32, #tpu.memory_space<vmem>>, vector<16xf32>,
        tpu.vector_store %arg14[%swap3A_429], %add3A_428 {strides = array<i32>} : memref<256xf32, #tpu.memory_space<vmem>>, vector<16xf32>,
        %add3A_431 = arith.constant 7 : i32
        %add3A_432 = arith.addi %mul3A_49, %add3A_431 : i32
        %get3A_433 = arith.index_cast %add3A_432 : i32 to index
        %get3A_434 = arith.constant 0 : index
        %get3A_435 = tpu.vector_load %arg11[%get3A_433, %get3A_434] {strides = array<i32>} : memref<128x64xf32, #tpu.memory_space<vmem>>, vector<16xf32>,
        %get3A_436 = arith.index_cast %add3A_432 : i32 to index
        %get3A_437 = arith.constant 0 : index
        %get3A_438 = tpu.vector_load %arg12[%get3A_436, %get3A_437] {strides = array<i32>} : memref<128x64xf32, #tpu.memory_space<vmem>>, vector<16xf32>,
        %add3A_439 = arith.addf %get3A_435, %get3A_438 : vector<16xf32>
        %get3A_440 = arith.index_cast %add3A_432 : i32 to index
        %get3A_441 = arith.constant 0 : index
        %get3A_442 = tpu.vector_load %arg13[%get3A_440, %get3A_441] {strides = array<i32>} : memref<128x64xf32, #tpu.memory_space<vmem>>, vector<16xf32>,
        %sub3A_443 = arith.subf %add3A_439, %get3A_442 : vector<16xf32>
        %abs3A_444 = math.absf %sub3A_443 : vector<16xf32>
        %get3A_445 = arith.index_cast %add3A_432 : i32 to index
        %get3A_446 = arith.constant 16 : index
        %get3A_447 = tpu.vector_load %arg11[%get3A_445, %get3A_446] {strides = array<i32>} : memref<128x64xf32, #tpu.memory_space<vmem>>, vector<16xf32>,
        %get3A_448 = arith.index_cast %add3A_432 : i32 to index
        %get3A_449 = arith.constant 16 : index
        %get3A_450 = tpu.vector_load %arg12[%get3A_448, %get3A_449] {strides = array<i32>} : memref<128x64xf32, #tpu.memory_space<vmem>>, vector<16xf32>,
        %add3A_451 = arith.addf %get3A_447, %get3A_450 : vector<16xf32>
        %get3A_452 = arith.index_cast %add3A_432 : i32 to index
        %get3A_453 = arith.constant 16 : index
        %get3A_454 = tpu.vector_load %arg13[%get3A_452, %get3A_453] {strides = array<i32>} : memref<128x64xf32, #tpu.memory_space<vmem>>, vector<16xf32>,
        %sub3A_455 = arith.subf %add3A_451, %get3A_454 : vector<16xf32>
        %abs3A_456 = math.absf %sub3A_455 : vector<16xf32>
        %add3A_457 = arith.addf %abs3A_444, %abs3A_456 : vector<16xf32>
        %get3A_458 = arith.index_cast %add3A_432 : i32 to index
        %get3A_459 = arith.constant 32 : index
        %get3A_460 = tpu.vector_load %arg11[%get3A_458, %get3A_459] {strides = array<i32>} : memref<128x64xf32, #tpu.memory_space<vmem>>, vector<16xf32>,
        %get3A_461 = arith.index_cast %add3A_432 : i32 to index
        %get3A_462 = arith.constant 32 : index
        %get3A_463 = tpu.vector_load %arg12[%get3A_461, %get3A_462] {strides = array<i32>} : memref<128x64xf32, #tpu.memory_space<vmem>>, vector<16xf32>,
        %add3A_464 = arith.addf %get3A_460, %get3A_463 : vector<16xf32>
        %get3A_465 = arith.index_cast %add3A_432 : i32 to index
        %get3A_466 = arith.constant 32 : index
        %get3A_467 = tpu.vector_load %arg13[%get3A_465, %get3A_466] {strides = array<i32>} : memref<128x64xf32, #tpu.memory_space<vmem>>, vector<16xf32>,
        %sub3A_468 = arith.subf %add3A_464, %get3A_467 : vector<16xf32>
        %abs3A_469 = math.absf %sub3A_468 : vector<16xf32>
        %add3A_470 = arith.addf %add3A_457, %abs3A_469 : vector<16xf32>
        %get3A_471 = arith.index_cast %add3A_432 : i32 to index
        %get3A_472 = arith.constant 48 : index
        %get3A_473 = tpu.vector_load %arg11[%get3A_471, %get3A_472] {strides = array<i32>} : memref<128x64xf32, #tpu.memory_space<vmem>>, vector<16xf32>,
        %get3A_474 = arith.index_cast %add3A_432 : i32 to index
        %get3A_475 = arith.constant 48 : index
        %get3A_476 = tpu.vector_load %arg12[%get3A_474, %get3A_475] {strides = array<i32>} : memref<128x64xf32, #tpu.memory_space<vmem>>, vector<16xf32>,
        %add3A_477 = arith.addf %get3A_473, %get3A_476 : vector<16xf32>
        %get3A_478 = arith.index_cast %add3A_432 : i32 to index
        %get3A_479 = arith.constant 48 : index
        %get3A_480 = tpu.vector_load %arg13[%get3A_478, %get3A_479] {strides = array<i32>} : memref<128x64xf32, #tpu.memory_space<vmem>>, vector<16xf32>,
        %sub3A_481 = arith.subf %add3A_477, %get3A_480 : vector<16xf32>
        %abs3A_482 = math.absf %sub3A_481 : vector<16xf32>
        %add3A_483 = arith.addf %add3A_470, %abs3A_482 : vector<16xf32>
        %swap3A_484 = arith.constant 112 : index
        %swap3A_485 = tpu.vector_load %arg14[%swap3A_484] {strides = array<i32>} : memref<256xf32, #tpu.memory_space<vmem>>, vector<16xf32>,
        tpu.vector_store %arg14[%swap3A_484], %add3A_483 {strides = array<i32>} : memref<256xf32, #tpu.memory_space<vmem>>, vector<16xf32>,
        %add3A_486 = arith.constant 8 : i32
        %add3A_487 = arith.addi %mul3A_49, %add3A_486 : i32
        %get3A_488 = arith.index_cast %add3A_487 : i32 to index
        %get3A_489 = arith.constant 0 : index
        %get3A_490 = tpu.vector_load %arg11[%get3A_488, %get3A_489] {strides = array<i32>} : memref<128x64xf32, #tpu.memory_space<vmem>>, vector<16xf32>,
        %get3A_491 = arith.index_cast %add3A_487 : i32 to index
        %get3A_492 = arith.constant 0 : index
        %get3A_493 = tpu.vector_load %arg12[%get3A_491, %get3A_492] {strides = array<i32>} : memref<128x64xf32, #tpu.memory_space<vmem>>, vector<16xf32>,
        %add3A_494 = arith.addf %get3A_490, %get3A_493 : vector<16xf32>
        %get3A_495 = arith.index_cast %add3A_487 : i32 to index
        %get3A_496 = arith.constant 0 : index
        %get3A_497 = tpu.vector_load %arg13[%get3A_495, %get3A_496] {strides = array<i32>} : memref<128x64xf32, #tpu.memory_space<vmem>>, vector<16xf32>,
        %sub3A_498 = arith.subf %add3A_494, %get3A_497 : vector<16xf32>
        %abs3A_499 = math.absf %sub3A_498 : vector<16xf32>
        %get3A_500 = arith.index_cast %add3A_487 : i32 to index
        %get3A_501 = arith.constant 16 : index
        %get3A_502 = tpu.vector_load %arg11[%get3A_500, %get3A_501] {strides = array<i32>} : memref<128x64xf32, #tpu.memory_space<vmem>>, vector<16xf32>,
        %get3A_503 = arith.index_cast %add3A_487 : i32 to index
        %get3A_504 = arith.constant 16 : index
        %get3A_505 = tpu.vector_load %arg12[%get3A_503, %get3A_504] {strides = array<i32>} : memref<128x64xf32, #tpu.memory_space<vmem>>, vector<16xf32>,
        %add3A_506 = arith.addf %get3A_502, %get3A_505 : vector<16xf32>
        %get3A_507 = arith.index_cast %add3A_487 : i32 to index
        %get3A_508 = arith.constant 16 : index
        %get3A_509 = tpu.vector_load %arg13[%get3A_507, %get3A_508] {strides = array<i32>} : memref<128x64xf32, #tpu.memory_space<vmem>>, vector<16xf32>,
        %sub3A_510 = arith.subf %add3A_506, %get3A_509 : vector<16xf32>
        %abs3A_511 = math.absf %sub3A_510 : vector<16xf32>
        %add3A_512 = arith.addf %abs3A_499, %abs3A_511 : vector<16xf32>
        %get3A_513 = arith.index_cast %add3A_487 : i32 to index
        %get3A_514 = arith.constant 32 : index
        %get3A_515 = tpu.vector_load %arg11[%get3A_513, %get3A_514] {strides = array<i32>} : memref<128x64xf32, #tpu.memory_space<vmem>>, vector<16xf32>,
        %get3A_516 = arith.index_cast %add3A_487 : i32 to index
        %get3A_517 = arith.constant 32 : index
        %get3A_518 = tpu.vector_load %arg12[%get3A_516, %get3A_517] {strides = array<i32>} : memref<128x64xf32, #tpu.memory_space<vmem>>, vector<16xf32>,
        %add3A_519 = arith.addf %get3A_515, %get3A_518 : vector<16xf32>
        %get3A_520 = arith.index_cast %add3A_487 : i32 to index
        %get3A_521 = arith.constant 32 : index
        %get3A_522 = tpu.vector_load %arg13[%get3A_520, %get3A_521] {strides = array<i32>} : memref<128x64xf32, #tpu.memory_space<vmem>>, vector<16xf32>,
        %sub3A_523 = arith.subf %add3A_519, %get3A_522 : vector<16xf32>
        %abs3A_524 = math.absf %sub3A_523 : vector<16xf32>
        %add3A_525 = arith.addf %add3A_512, %abs3A_524 : vector<16xf32>
        %get3A_526 = arith.index_cast %add3A_487 : i32 to index
        %get3A_527 = arith.constant 48 : index
        %get3A_528 = tpu.vector_load %arg11[%get3A_526, %get3A_527] {strides = array<i32>} : memref<128x64xf32, #tpu.memory_space<vmem>>, vector<16xf32>,
        %get3A_529 = arith.index_cast %add3A_487 : i32 to index
        %get3A_530 = arith.constant 48 : index
        %get3A_531 = tpu.vector_load %arg12[%get3A_529, %get3A_530] {strides = array<i32>} : memref<128x64xf32, #tpu.memory_space<vmem>>, vector<16xf32>,
        %add3A_532 = arith.addf %get3A_528, %get3A_531 : vector<16xf32>
        %get3A_533 = arith.index_cast %add3A_487 : i32 to index
        %get3A_534 = arith.constant 48 : index
        %get3A_535 = tpu.vector_load %arg13[%get3A_533, %get3A_534] {strides = array<i32>} : memref<128x64xf32, #tpu.memory_space<vmem>>, vector<16xf32>,
        %sub3A_536 = arith.subf %add3A_532, %get3A_535 : vector<16xf32>
        %abs3A_537 = math.absf %sub3A_536 : vector<16xf32>
        %add3A_538 = arith.addf %add3A_525, %abs3A_537 : vector<16xf32>
        %swap3A_539 = arith.constant 128 : index
        %swap3A_540 = tpu.vector_load %arg14[%swap3A_539] {strides = array<i32>} : memref<256xf32, #tpu.memory_space<vmem>>, vector<16xf32>,
        tpu.vector_store %arg14[%swap3A_539], %add3A_538 {strides = array<i32>} : memref<256xf32, #tpu.memory_space<vmem>>, vector<16xf32>,
        %add3A_541 = arith.constant 9 : i32
        %add3A_542 = arith.addi %mul3A_49, %add3A_541 : i32
        %get3A_543 = arith.index_cast %add3A_542 : i32 to index
        %get3A_544 = arith.constant 0 : index
        %get3A_545 = tpu.vector_load %arg11[%get3A_543, %get3A_544] {strides = array<i32>} : memref<128x64xf32, #tpu.memory_space<vmem>>, vector<16xf32>,
        %get3A_546 = arith.index_cast %add3A_542 : i32 to index
        %get3A_547 = arith.constant 0 : index
        %get3A_548 = tpu.vector_load %arg12[%get3A_546, %get3A_547] {strides = array<i32>} : memref<128x64xf32, #tpu.memory_space<vmem>>, vector<16xf32>,
        %add3A_549 = arith.addf %get3A_545, %get3A_548 : vector<16xf32>
        %get3A_550 = arith.index_cast %add3A_542 : i32 to index
        %get3A_551 = arith.constant 0 : index
        %get3A_552 = tpu.vector_load %arg13[%get3A_550, %get3A_551] {strides = array<i32>} : memref<128x64xf32, #tpu.memory_space<vmem>>, vector<16xf32>,
        %sub3A_553 = arith.subf %add3A_549, %get3A_552 : vector<16xf32>
        %abs3A_554 = math.absf %sub3A_553 : vector<16xf32>
        %get3A_555 = arith.index_cast %add3A_542 : i32 to index
        %get3A_556 = arith.constant 16 : index
        %get3A_557 = tpu.vector_load %arg11[%get3A_555, %get3A_556] {strides = array<i32>} : memref<128x64xf32, #tpu.memory_space<vmem>>, vector<16xf32>,
        %get3A_558 = arith.index_cast %add3A_542 : i32 to index
        %get3A_559 = arith.constant 16 : index
        %get3A_560 = tpu.vector_load %arg12[%get3A_558, %get3A_559] {strides = array<i32>} : memref<128x64xf32, #tpu.memory_space<vmem>>, vector<16xf32>,
        %add3A_561 = arith.addf %get3A_557, %get3A_560 : vector<16xf32>
        %get3A_562 = arith.index_cast %add3A_542 : i32 to index
        %get3A_563 = arith.constant 16 : index
        %get3A_564 = tpu.vector_load %arg13[%get3A_562, %get3A_563] {strides = array<i32>} : memref<128x64xf32, #tpu.memory_space<vmem>>, vector<16xf32>,
        %sub3A_565 = arith.subf %add3A_561, %get3A_564 : vector<16xf32>
        %abs3A_566 = math.absf %sub3A_565 : vector<16xf32>
        %add3A_567 = arith.addf %abs3A_554, %abs3A_566 : vector<16xf32>
        %get3A_568 = arith.index_cast %add3A_542 : i32 to index
        %get3A_569 = arith.constant 32 : index
        %get3A_570 = tpu.vector_load %arg11[%get3A_568, %get3A_569] {strides = array<i32>} : memref<128x64xf32, #tpu.memory_space<vmem>>, vector<16xf32>,
        %get3A_571 = arith.index_cast %add3A_542 : i32 to index
        %get3A_572 = arith.constant 32 : index
        %get3A_573 = tpu.vector_load %arg12[%get3A_571, %get3A_572] {strides = array<i32>} : memref<128x64xf32, #tpu.memory_space<vmem>>, vector<16xf32>,
        %add3A_574 = arith.addf %get3A_570, %get3A_573 : vector<16xf32>
        %get3A_575 = arith.index_cast %add3A_542 : i32 to index
        %get3A_576 = arith.constant 32 : index
        %get3A_577 = tpu.vector_load %arg13[%get3A_575, %get3A_576] {strides = array<i32>} : memref<128x64xf32, #tpu.memory_space<vmem>>, vector<16xf32>,
        %sub3A_578 = arith.subf %add3A_574, %get3A_577 : vector<16xf32>
        %abs3A_579 = math.absf %sub3A_578 : vector<16xf32>
        %add3A_580 = arith.addf %add3A_567, %abs3A_579 : vector<16xf32>
        %get3A_581 = arith.index_cast %add3A_542 : i32 to index
        %get3A_582 = arith.constant 48 : index
        %get3A_583 = tpu.vector_load %arg11[%get3A_581, %get3A_582] {strides = array<i32>} : memref<128x64xf32, #tpu.memory_space<vmem>>, vector<16xf32>,
        %get3A_584 = arith.index_cast %add3A_542 : i32 to index
        %get3A_585 = arith.constant 48 : index
        %get3A_586 = tpu.vector_load %arg12[%get3A_584, %get3A_585] {strides = array<i32>} : memref<128x64xf32, #tpu.memory_space<vmem>>, vector<16xf32>,
        %add3A_587 = arith.addf %get3A_583, %get3A_586 : vector<16xf32>
        %get3A_588 = arith.index_cast %add3A_542 : i32 to index
        %get3A_589 = arith.constant 48 : index
        %get3A_590 = tpu.vector_load %arg13[%get3A_588, %get3A_589] {strides = array<i32>} : memref<128x64xf32, #tpu.memory_space<vmem>>, vector<16xf32>,
        %sub3A_591 = arith.subf %add3A_587, %get3A_590 : vector<16xf32>
        %abs3A_592 = math.absf %sub3A_591 : vector<16xf32>
        %add3A_593 = arith.addf %add3A_580, %abs3A_592 : vector<16xf32>
        %swap3A_594 = arith.constant 144 : index
        %swap3A_595 = tpu.vector_load %arg14[%swap3A_594] {strides = array<i32>} : memref<256xf32, #tpu.memory_space<vmem>>, vector<16xf32>,
        tpu.vector_store %arg14[%swap3A_594], %add3A_593 {strides = array<i32>} : memref<256xf32, #tpu.memory_space<vmem>>, vector<16xf32>,
        %add3A_596 = arith.constant 10 : i32
        %add3A_597 = arith.addi %mul3A_49, %add3A_596 : i32
        %get3A_598 = arith.index_cast %add3A_597 : i32 to index
        %get3A_599 = arith.constant 0 : index
        %get3A_600 = tpu.vector_load %arg11[%get3A_598, %get3A_599] {strides = array<i32>} : memref<128x64xf32, #tpu.memory_space<vmem>>, vector<16xf32>,
        %get3A_601 = arith.index_cast %add3A_597 : i32 to index
        %get3A_602 = arith.constant 0 : index
        %get3A_603 = tpu.vector_load %arg12[%get3A_601, %get3A_602] {strides = array<i32>} : memref<128x64xf32, #tpu.memory_space<vmem>>, vector<16xf32>,
        %add3A_604 = arith.addf %get3A_600, %get3A_603 : vector<16xf32>
        %get3A_605 = arith.index_cast %add3A_597 : i32 to index
        %get3A_606 = arith.constant 0 : index
        %get3A_607 = tpu.vector_load %arg13[%get3A_605, %get3A_606] {strides = array<i32>} : memref<128x64xf32, #tpu.memory_space<vmem>>, vector<16xf32>,
        %sub3A_608 = arith.subf %add3A_604, %get3A_607 : vector<16xf32>
        %abs3A_609 = math.absf %sub3A_608 : vector<16xf32>
        %get3A_610 = arith.index_cast %add3A_597 : i32 to index
        %get3A_611 = arith.constant 16 : index
        %get3A_612 = tpu.vector_load %arg11[%get3A_610, %get3A_611] {strides = array<i32>} : memref<128x64xf32, #tpu.memory_space<vmem>>, vector<16xf32>,
        %get3A_613 = arith.index_cast %add3A_597 : i32 to index
        %get3A_614 = arith.constant 16 : index
        %get3A_615 = tpu.vector_load %arg12[%get3A_613, %get3A_614] {strides = array<i32>} : memref<128x64xf32, #tpu.memory_space<vmem>>, vector<16xf32>,
        %add3A_616 = arith.addf %get3A_612, %get3A_615 : vector<16xf32>
        %get3A_617 = arith.index_cast %add3A_597 : i32 to index
        %get3A_618 = arith.constant 16 : index
        %get3A_619 = tpu.vector_load %arg13[%get3A_617, %get3A_618] {strides = array<i32>} : memref<128x64xf32, #tpu.memory_space<vmem>>, vector<16xf32>,
        %sub3A_620 = arith.subf %add3A_616, %get3A_619 : vector<16xf32>
        %abs3A_621 = math.absf %sub3A_620 : vector<16xf32>
        %add3A_622 = arith.addf %abs3A_609, %abs3A_621 : vector<16xf32>
        %get3A_623 = arith.index_cast %add3A_597 : i32 to index
        %get3A_624 = arith.constant 32 : index
        %get3A_625 = tpu.vector_load %arg11[%get3A_623, %get3A_624] {strides = array<i32>} : memref<128x64xf32, #tpu.memory_space<vmem>>, vector<16xf32>,
        %get3A_626 = arith.index_cast %add3A_597 : i32 to index
        %get3A_627 = arith.constant 32 : index
        %get3A_628 = tpu.vector_load %arg12[%get3A_626, %get3A_627] {strides = array<i32>} : memref<128x64xf32, #tpu.memory_space<vmem>>, vector<16xf32>,
        %add3A_629 = arith.addf %get3A_625, %get3A_628 : vector<16xf32>
        %get3A_630 = arith.index_cast %add3A_597 : i32 to index
        %get3A_631 = arith.constant 32 : index
        %get3A_632 = tpu.vector_load %arg13[%get3A_630, %get3A_631] {strides = array<i32>} : memref<128x64xf32, #tpu.memory_space<vmem>>, vector<16xf32>,
        %sub3A_633 = arith.subf %add3A_629, %get3A_632 : vector<16xf32>
        %abs3A_634 = math.absf %sub3A_633 : vector<16xf32>
        %add3A_635 = arith.addf %add3A_622, %abs3A_634 : vector<16xf32>
        %get3A_636 = arith.index_cast %add3A_597 : i32 to index
        %get3A_637 = arith.constant 48 : index
        %get3A_638 = tpu.vector_load %arg11[%get3A_636, %get3A_637] {strides = array<i32>} : memref<128x64xf32, #tpu.memory_space<vmem>>, vector<16xf32>,
        %get3A_639 = arith.index_cast %add3A_597 : i32 to index
        %get3A_640 = arith.constant 48 : index
        %get3A_641 = tpu.vector_load %arg12[%get3A_639, %get3A_640] {strides = array<i32>} : memref<128x64xf32, #tpu.memory_space<vmem>>, vector<16xf32>,
        %add3A_642 = arith.addf %get3A_638, %get3A_641 : vector<16xf32>
        %get3A_643 = arith.index_cast %add3A_597 : i32 to index
        %get3A_644 = arith.constant 48 : index
        %get3A_645 = tpu.vector_load %arg13[%get3A_643, %get3A_644] {strides = array<i32>} : memref<128x64xf32, #tpu.memory_space<vmem>>, vector<16xf32>,
        %sub3A_646 = arith.subf %add3A_642, %get3A_645 : vector<16xf32>
        %abs3A_647 = math.absf %sub3A_646 : vector<16xf32>
        %add3A_648 = arith.addf %add3A_635, %abs3A_647 : vector<16xf32>
        %swap3A_649 = arith.constant 160 : index
        %swap3A_650 = tpu.vector_load %arg14[%swap3A_649] {strides = array<i32>} : memref<256xf32, #tpu.memory_space<vmem>>, vector<16xf32>,
        tpu.vector_store %arg14[%swap3A_649], %add3A_648 {strides = array<i32>} : memref<256xf32, #tpu.memory_space<vmem>>, vector<16xf32>,
        %add3A_651 = arith.constant 11 : i32
        %add3A_652 = arith.addi %mul3A_49, %add3A_651 : i32
        %get3A_653 = arith.index_cast %add3A_652 : i32 to index
        %get3A_654 = arith.constant 0 : index
        %get3A_655 = tpu.vector_load %arg11[%get3A_653, %get3A_654] {strides = array<i32>} : memref<128x64xf32, #tpu.memory_space<vmem>>, vector<16xf32>,
        %get3A_656 = arith.index_cast %add3A_652 : i32 to index
        %get3A_657 = arith.constant 0 : index
        %get3A_658 = tpu.vector_load %arg12[%get3A_656, %get3A_657] {strides = array<i32>} : memref<128x64xf32, #tpu.memory_space<vmem>>, vector<16xf32>,
        %add3A_659 = arith.addf %get3A_655, %get3A_658 : vector<16xf32>
        %get3A_660 = arith.index_cast %add3A_652 : i32 to index
        %get3A_661 = arith.constant 0 : index
        %get3A_662 = tpu.vector_load %arg13[%get3A_660, %get3A_661] {strides = array<i32>} : memref<128x64xf32, #tpu.memory_space<vmem>>, vector<16xf32>,
        %sub3A_663 = arith.subf %add3A_659, %get3A_662 : vector<16xf32>
        %abs3A_664 = math.absf %sub3A_663 : vector<16xf32>
        %get3A_665 = arith.index_cast %add3A_652 : i32 to index
        %get3A_666 = arith.constant 16 : index
        %get3A_667 = tpu.vector_load %arg11[%get3A_665, %get3A_666] {strides = array<i32>} : memref<128x64xf32, #tpu.memory_space<vmem>>, vector<16xf32>,
        %get3A_668 = arith.index_cast %add3A_652 : i32 to index
        %get3A_669 = arith.constant 16 : index
        %get3A_670 = tpu.vector_load %arg12[%get3A_668, %get3A_669] {strides = array<i32>} : memref<128x64xf32, #tpu.memory_space<vmem>>, vector<16xf32>,
        %add3A_671 = arith.addf %get3A_667, %get3A_670 : vector<16xf32>
        %get3A_672 = arith.index_cast %add3A_652 : i32 to index
        %get3A_673 = arith.constant 16 : index
        %get3A_674 = tpu.vector_load %arg13[%get3A_672, %get3A_673] {strides = array<i32>} : memref<128x64xf32, #tpu.memory_space<vmem>>, vector<16xf32>,
        %sub3A_675 = arith.subf %add3A_671, %get3A_674 : vector<16xf32>
        %abs3A_676 = math.absf %sub3A_675 : vector<16xf32>
        %add3A_677 = arith.addf %abs3A_664, %abs3A_676 : vector<16xf32>
        %get3A_678 = arith.index_cast %add3A_652 : i32 to index
        %get3A_679 = arith.constant 32 : index
        %get3A_680 = tpu.vector_load %arg11[%get3A_678, %get3A_679] {strides = array<i32>} : memref<128x64xf32, #tpu.memory_space<vmem>>, vector<16xf32>,
        %get3A_681 = arith.index_cast %add3A_652 : i32 to index
        %get3A_682 = arith.constant 32 : index
        %get3A_683 = tpu.vector_load %arg12[%get3A_681, %get3A_682] {strides = array<i32>} : memref<128x64xf32, #tpu.memory_space<vmem>>, vector<16xf32>,
        %add3A_684 = arith.addf %get3A_680, %get3A_683 : vector<16xf32>
        %get3A_685 = arith.index_cast %add3A_652 : i32 to index
        %get3A_686 = arith.constant 32 : index
        %get3A_687 = tpu.vector_load %arg13[%get3A_685, %get3A_686] {strides = array<i32>} : memref<128x64xf32, #tpu.memory_space<vmem>>, vector<16xf32>,
        %sub3A_688 = arith.subf %add3A_684, %get3A_687 : vector<16xf32>
        %abs3A_689 = math.absf %sub3A_688 : vector<16xf32>
        %add3A_690 = arith.addf %add3A_677, %abs3A_689 : vector<16xf32>
        %get3A_691 = arith.index_cast %add3A_652 : i32 to index
        %get3A_692 = arith.constant 48 : index
        %get3A_693 = tpu.vector_load %arg11[%get3A_691, %get3A_692] {strides = array<i32>} : memref<128x64xf32, #tpu.memory_space<vmem>>, vector<16xf32>,
        %get3A_694 = arith.index_cast %add3A_652 : i32 to index
        %get3A_695 = arith.constant 48 : index
        %get3A_696 = tpu.vector_load %arg12[%get3A_694, %get3A_695] {strides = array<i32>} : memref<128x64xf32, #tpu.memory_space<vmem>>, vector<16xf32>,
        %add3A_697 = arith.addf %get3A_693, %get3A_696 : vector<16xf32>
        %get3A_698 = arith.index_cast %add3A_652 : i32 to index
        %get3A_699 = arith.constant 48 : index
        %get3A_700 = tpu.vector_load %arg13[%get3A_698, %get3A_699] {strides = array<i32>} : memref<128x64xf32, #tpu.memory_space<vmem>>, vector<16xf32>,
        %sub3A_701 = arith.subf %add3A_697, %get3A_700 : vector<16xf32>
        %abs3A_702 = math.absf %sub3A_701 : vector<16xf32>
        %add3A_703 = arith.addf %add3A_690, %abs3A_702 : vector<16xf32>
        %swap3A_704 = arith.constant 176 : index
        %swap3A_705 = tpu.vector_load %arg14[%swap3A_704] {strides = array<i32>} : memref<256xf32, #tpu.memory_space<vmem>>, vector<16xf32>,
        tpu.vector_store %arg14[%swap3A_704], %add3A_703 {strides = array<i32>} : memref<256xf32, #tpu.memory_space<vmem>>, vector<16xf32>,
        %add3A_706 = arith.constant 12 : i32
        %add3A_707 = arith.addi %mul3A_49, %add3A_706 : i32
        %get3A_708 = arith.index_cast %add3A_707 : i32 to index
        %get3A_709 = arith.constant 0 : index
        %get3A_710 = tpu.vector_load %arg11[%get3A_708, %get3A_709] {strides = array<i32>} : memref<128x64xf32, #tpu.memory_space<vmem>>, vector<16xf32>,
        %get3A_711 = arith.index_cast %add3A_707 : i32 to index
        %get3A_712 = arith.constant 0 : index
        %get3A_713 = tpu.vector_load %arg12[%get3A_711, %get3A_712] {strides = array<i32>} : memref<128x64xf32, #tpu.memory_space<vmem>>, vector<16xf32>,
        %add3A_714 = arith.addf %get3A_710, %get3A_713 : vector<16xf32>
        %get3A_715 = arith.index_cast %add3A_707 : i32 to index
        %get3A_716 = arith.constant 0 : index
        %get3A_717 = tpu.vector_load %arg13[%get3A_715, %get3A_716] {strides = array<i32>} : memref<128x64xf32, #tpu.memory_space<vmem>>, vector<16xf32>,
        %sub3A_718 = arith.subf %add3A_714, %get3A_717 : vector<16xf32>
        %abs3A_719 = math.absf %sub3A_718 : vector<16xf32>
        %get3A_720 = arith.index_cast %add3A_707 : i32 to index
        %get3A_721 = arith.constant 16 : index
        %get3A_722 = tpu.vector_load %arg11[%get3A_720, %get3A_721] {strides = array<i32>} : memref<128x64xf32, #tpu.memory_space<vmem>>, vector<16xf32>,
        %get3A_723 = arith.index_cast %add3A_707 : i32 to index
        %get3A_724 = arith.constant 16 : index
        %get3A_725 = tpu.vector_load %arg12[%get3A_723, %get3A_724] {strides = array<i32>} : memref<128x64xf32, #tpu.memory_space<vmem>>, vector<16xf32>,
        %add3A_726 = arith.addf %get3A_722, %get3A_725 : vector<16xf32>
        %get3A_727 = arith.index_cast %add3A_707 : i32 to index
        %get3A_728 = arith.constant 16 : index
        %get3A_729 = tpu.vector_load %arg13[%get3A_727, %get3A_728] {strides = array<i32>} : memref<128x64xf32, #tpu.memory_space<vmem>>, vector<16xf32>,
        %sub3A_730 = arith.subf %add3A_726, %get3A_729 : vector<16xf32>
        %abs3A_731 = math.absf %sub3A_730 : vector<16xf32>
        %add3A_732 = arith.addf %abs3A_719, %abs3A_731 : vector<16xf32>
        %get3A_733 = arith.index_cast %add3A_707 : i32 to index
        %get3A_734 = arith.constant 32 : index
        %get3A_735 = tpu.vector_load %arg11[%get3A_733, %get3A_734] {strides = array<i32>} : memref<128x64xf32, #tpu.memory_space<vmem>>, vector<16xf32>,
        %get3A_736 = arith.index_cast %add3A_707 : i32 to index
        %get3A_737 = arith.constant 32 : index
        %get3A_738 = tpu.vector_load %arg12[%get3A_736, %get3A_737] {strides = array<i32>} : memref<128x64xf32, #tpu.memory_space<vmem>>, vector<16xf32>,
        %add3A_739 = arith.addf %get3A_735, %get3A_738 : vector<16xf32>
        %get3A_740 = arith.index_cast %add3A_707 : i32 to index
        %get3A_741 = arith.constant 32 : index
        %get3A_742 = tpu.vector_load %arg13[%get3A_740, %get3A_741] {strides = array<i32>} : memref<128x64xf32, #tpu.memory_space<vmem>>, vector<16xf32>,
        %sub3A_743 = arith.subf %add3A_739, %get3A_742 : vector<16xf32>
        %abs3A_744 = math.absf %sub3A_743 : vector<16xf32>
        %add3A_745 = arith.addf %add3A_732, %abs3A_744 : vector<16xf32>
        %get3A_746 = arith.index_cast %add3A_707 : i32 to index
        %get3A_747 = arith.constant 48 : index
        %get3A_748 = tpu.vector_load %arg11[%get3A_746, %get3A_747] {strides = array<i32>} : memref<128x64xf32, #tpu.memory_space<vmem>>, vector<16xf32>,
        %get3A_749 = arith.index_cast %add3A_707 : i32 to index
        %get3A_750 = arith.constant 48 : index
        %get3A_751 = tpu.vector_load %arg12[%get3A_749, %get3A_750] {strides = array<i32>} : memref<128x64xf32, #tpu.memory_space<vmem>>, vector<16xf32>,
        %add3A_752 = arith.addf %get3A_748, %get3A_751 : vector<16xf32>
        %get3A_753 = arith.index_cast %add3A_707 : i32 to index
        %get3A_754 = arith.constant 48 : index
        %get3A_755 = tpu.vector_load %arg13[%get3A_753, %get3A_754] {strides = array<i32>} : memref<128x64xf32, #tpu.memory_space<vmem>>, vector<16xf32>,
        %sub3A_756 = arith.subf %add3A_752, %get3A_755 : vector<16xf32>
        %abs3A_757 = math.absf %sub3A_756 : vector<16xf32>
        %add3A_758 = arith.addf %add3A_745, %abs3A_757 : vector<16xf32>
        %swap3A_759 = arith.constant 192 : index
        %swap3A_760 = tpu.vector_load %arg14[%swap3A_759] {strides = array<i32>} : memref<256xf32, #tpu.memory_space<vmem>>, vector<16xf32>,
        tpu.vector_store %arg14[%swap3A_759], %add3A_758 {strides = array<i32>} : memref<256xf32, #tpu.memory_space<vmem>>, vector<16xf32>,
        %add3A_761 = arith.constant 13 : i32
        %add3A_762 = arith.addi %mul3A_49, %add3A_761 : i32
        %get3A_763 = arith.index_cast %add3A_762 : i32 to index
        %get3A_764 = arith.constant 0 : index
        %get3A_765 = tpu.vector_load %arg11[%get3A_763, %get3A_764] {strides = array<i32>} : memref<128x64xf32, #tpu.memory_space<vmem>>, vector<16xf32>,
        %get3A_766 = arith.index_cast %add3A_762 : i32 to index
        %get3A_767 = arith.constant 0 : index
        %get3A_768 = tpu.vector_load %arg12[%get3A_766, %get3A_767] {strides = array<i32>} : memref<128x64xf32, #tpu.memory_space<vmem>>, vector<16xf32>,
        %add3A_769 = arith.addf %get3A_765, %get3A_768 : vector<16xf32>
        %get3A_770 = arith.index_cast %add3A_762 : i32 to index
        %get3A_771 = arith.constant 0 : index
        %get3A_772 = tpu.vector_load %arg13[%get3A_770, %get3A_771] {strides = array<i32>} : memref<128x64xf32, #tpu.memory_space<vmem>>, vector<16xf32>,
        %sub3A_773 = arith.subf %add3A_769, %get3A_772 : vector<16xf32>
        %abs3A_774 = math.absf %sub3A_773 : vector<16xf32>
        %get3A_775 = arith.index_cast %add3A_762 : i32 to index
        %get3A_776 = arith.constant 16 : index
        %get3A_777 = tpu.vector_load %arg11[%get3A_775, %get3A_776] {strides = array<i32>} : memref<128x64xf32, #tpu.memory_space<vmem>>, vector<16xf32>,
        %get3A_778 = arith.index_cast %add3A_762 : i32 to index
        %get3A_779 = arith.constant 16 : index
        %get3A_780 = tpu.vector_load %arg12[%get3A_778, %get3A_779] {strides = array<i32>} : memref<128x64xf32, #tpu.memory_space<vmem>>, vector<16xf32>,
        %add3A_781 = arith.addf %get3A_777, %get3A_780 : vector<16xf32>
        %get3A_782 = arith.index_cast %add3A_762 : i32 to index
        %get3A_783 = arith.constant 16 : index
        %get3A_784 = tpu.vector_load %arg13[%get3A_782, %get3A_783] {strides = array<i32>} : memref<128x64xf32, #tpu.memory_space<vmem>>, vector<16xf32>,
        %sub3A_785 = arith.subf %add3A_781, %get3A_784 : vector<16xf32>
        %abs3A_786 = math.absf %sub3A_785 : vector<16xf32>
        %add3A_787 = arith.addf %abs3A_774, %abs3A_786 : vector<16xf32>
        %get3A_788 = arith.index_cast %add3A_762 : i32 to index
        %get3A_789 = arith.constant 32 : index
        %get3A_790 = tpu.vector_load %arg11[%get3A_788, %get3A_789] {strides = array<i32>} : memref<128x64xf32, #tpu.memory_space<vmem>>, vector<16xf32>,
        %get3A_791 = arith.index_cast %add3A_762 : i32 to index
        %get3A_792 = arith.constant 32 : index
        %get3A_793 = tpu.vector_load %arg12[%get3A_791, %get3A_792] {strides = array<i32>} : memref<128x64xf32, #tpu.memory_space<vmem>>, vector<16xf32>,
        %add3A_794 = arith.addf %get3A_790, %get3A_793 : vector<16xf32>
        %get3A_795 = arith.index_cast %add3A_762 : i32 to index
        %get3A_796 = arith.constant 32 : index
        %get3A_797 = tpu.vector_load %arg13[%get3A_795, %get3A_796] {strides = array<i32>} : memref<128x64xf32, #tpu.memory_space<vmem>>, vector<16xf32>,
        %sub3A_798 = arith.subf %add3A_794, %get3A_797 : vector<16xf32>
        %abs3A_799 = math.absf %sub3A_798 : vector<16xf32>
        %add3A_800 = arith.addf %add3A_787, %abs3A_799 : vector<16xf32>
        %get3A_801 = arith.index_cast %add3A_762 : i32 to index
        %get3A_802 = arith.constant 48 : index
        %get3A_803 = tpu.vector_load %arg11[%get3A_801, %get3A_802] {strides = array<i32>} : memref<128x64xf32, #tpu.memory_space<vmem>>, vector<16xf32>,
        %get3A_804 = arith.index_cast %add3A_762 : i32 to index
        %get3A_805 = arith.constant 48 : index
        %get3A_806 = tpu.vector_load %arg12[%get3A_804, %get3A_805] {strides = array<i32>} : memref<128x64xf32, #tpu.memory_space<vmem>>, vector<16xf32>,
        %add3A_807 = arith.addf %get3A_803, %get3A_806 : vector<16xf32>
        %get3A_808 = arith.index_cast %add3A_762 : i32 to index
        %get3A_809 = arith.constant 48 : index
        %get3A_810 = tpu.vector_load %arg13[%get3A_808, %get3A_809] {strides = array<i32>} : memref<128x64xf32, #tpu.memory_space<vmem>>, vector<16xf32>,
        %sub3A_811 = arith.subf %add3A_807, %get3A_810 : vector<16xf32>
        %abs3A_812 = math.absf %sub3A_811 : vector<16xf32>
        %add3A_813 = arith.addf %add3A_800, %abs3A_812 : vector<16xf32>
        %swap3A_814 = arith.constant 208 : index
        %swap3A_815 = tpu.vector_load %arg14[%swap3A_814] {strides = array<i32>} : memref<256xf32, #tpu.memory_space<vmem>>, vector<16xf32>,
        tpu.vector_store %arg14[%swap3A_814], %add3A_813 {strides = array<i32>} : memref<256xf32, #tpu.memory_space<vmem>>, vector<16xf32>,
        %add3A_816 = arith.constant 14 : i32
        %add3A_817 = arith.addi %mul3A_49, %add3A_816 : i32
        %get3A_818 = arith.index_cast %add3A_817 : i32 to index
        %get3A_819 = arith.constant 0 : index
        %get3A_820 = tpu.vector_load %arg11[%get3A_818, %get3A_819] {strides = array<i32>} : memref<128x64xf32, #tpu.memory_space<vmem>>, vector<16xf32>,
        %get3A_821 = arith.index_cast %add3A_817 : i32 to index
        %get3A_822 = arith.constant 0 : index
        %get3A_823 = tpu.vector_load %arg12[%get3A_821, %get3A_822] {strides = array<i32>} : memref<128x64xf32, #tpu.memory_space<vmem>>, vector<16xf32>,
        %add3A_824 = arith.addf %get3A_820, %get3A_823 : vector<16xf32>
        %get3A_825 = arith.index_cast %add3A_817 : i32 to index
        %get3A_826 = arith.constant 0 : index
        %get3A_827 = tpu.vector_load %arg13[%get3A_825, %get3A_826] {strides = array<i32>} : memref<128x64xf32, #tpu.memory_space<vmem>>, vector<16xf32>,
        %sub3A_828 = arith.subf %add3A_824, %get3A_827 : vector<16xf32>
        %abs3A_829 = math.absf %sub3A_828 : vector<16xf32>
        %get3A_830 = arith.index_cast %add3A_817 : i32 to index
        %get3A_831 = arith.constant 16 : index
        %get3A_832 = tpu.vector_load %arg11[%get3A_830, %get3A_831] {strides = array<i32>} : memref<128x64xf32, #tpu.memory_space<vmem>>, vector<16xf32>,
        %get3A_833 = arith.index_cast %add3A_817 : i32 to index
        %get3A_834 = arith.constant 16 : index
        %get3A_835 = tpu.vector_load %arg12[%get3A_833, %get3A_834] {strides = array<i32>} : memref<128x64xf32, #tpu.memory_space<vmem>>, vector<16xf32>,
        %add3A_836 = arith.addf %get3A_832, %get3A_835 : vector<16xf32>
        %get3A_837 = arith.index_cast %add3A_817 : i32 to index
        %get3A_838 = arith.constant 16 : index
        %get3A_839 = tpu.vector_load %arg13[%get3A_837, %get3A_838] {strides = array<i32>} : memref<128x64xf32, #tpu.memory_space<vmem>>, vector<16xf32>,
        %sub3A_840 = arith.subf %add3A_836, %get3A_839 : vector<16xf32>
        %abs3A_841 = math.absf %sub3A_840 : vector<16xf32>
        %add3A_842 = arith.addf %abs3A_829, %abs3A_841 : vector<16xf32>
        %get3A_843 = arith.index_cast %add3A_817 : i32 to index
        %get3A_844 = arith.constant 32 : index
        %get3A_845 = tpu.vector_load %arg11[%get3A_843, %get3A_844] {strides = array<i32>} : memref<128x64xf32, #tpu.memory_space<vmem>>, vector<16xf32>,
        %get3A_846 = arith.index_cast %add3A_817 : i32 to index
        %get3A_847 = arith.constant 32 : index
        %get3A_848 = tpu.vector_load %arg12[%get3A_846, %get3A_847] {strides = array<i32>} : memref<128x64xf32, #tpu.memory_space<vmem>>, vector<16xf32>,
        %add3A_849 = arith.addf %get3A_845, %get3A_848 : vector<16xf32>
        %get3A_850 = arith.index_cast %add3A_817 : i32 to index
        %get3A_851 = arith.constant 32 : index
        %get3A_852 = tpu.vector_load %arg13[%get3A_850, %get3A_851] {strides = array<i32>} : memref<128x64xf32, #tpu.memory_space<vmem>>, vector<16xf32>,
        %sub3A_853 = arith.subf %add3A_849, %get3A_852 : vector<16xf32>
        %abs3A_854 = math.absf %sub3A_853 : vector<16xf32>
        %add3A_855 = arith.addf %add3A_842, %abs3A_854 : vector<16xf32>
        %get3A_856 = arith.index_cast %add3A_817 : i32 to index
        %get3A_857 = arith.constant 48 : index
        %get3A_858 = tpu.vector_load %arg11[%get3A_856, %get3A_857] {strides = array<i32>} : memref<128x64xf32, #tpu.memory_space<vmem>>, vector<16xf32>,
        %get3A_859 = arith.index_cast %add3A_817 : i32 to index
        %get3A_860 = arith.constant 48 : index
        %get3A_861 = tpu.vector_load %arg12[%get3A_859, %get3A_860] {strides = array<i32>} : memref<128x64xf32, #tpu.memory_space<vmem>>, vector<16xf32>,
        %add3A_862 = arith.addf %get3A_858, %get3A_861 : vector<16xf32>
        %get3A_863 = arith.index_cast %add3A_817 : i32 to index
        %get3A_864 = arith.constant 48 : index
        %get3A_865 = tpu.vector_load %arg13[%get3A_863, %get3A_864] {strides = array<i32>} : memref<128x64xf32, #tpu.memory_space<vmem>>, vector<16xf32>,
        %sub3A_866 = arith.subf %add3A_862, %get3A_865 : vector<16xf32>
        %abs3A_867 = math.absf %sub3A_866 : vector<16xf32>
        %add3A_868 = arith.addf %add3A_855, %abs3A_867 : vector<16xf32>
        %swap3A_869 = arith.constant 224 : index
        %swap3A_870 = tpu.vector_load %arg14[%swap3A_869] {strides = array<i32>} : memref<256xf32, #tpu.memory_space<vmem>>, vector<16xf32>,
        tpu.vector_store %arg14[%swap3A_869], %add3A_868 {strides = array<i32>} : memref<256xf32, #tpu.memory_space<vmem>>, vector<16xf32>,
        %add3A_871 = arith.constant 15 : i32
        %add3A_872 = arith.addi %mul3A_49, %add3A_871 : i32
        %get3A_873 = arith.index_cast %add3A_872 : i32 to index
        %get3A_874 = arith.constant 0 : index
        %get3A_875 = tpu.vector_load %arg11[%get3A_873, %get3A_874] {strides = array<i32>} : memref<128x64xf32, #tpu.memory_space<vmem>>, vector<16xf32>,
        %get3A_876 = arith.index_cast %add3A_872 : i32 to index
        %get3A_877 = arith.constant 0 : index
        %get3A_878 = tpu.vector_load %arg12[%get3A_876, %get3A_877] {strides = array<i32>} : memref<128x64xf32, #tpu.memory_space<vmem>>, vector<16xf32>,
        %add3A_879 = arith.addf %get3A_875, %get3A_878 : vector<16xf32>
        %get3A_880 = arith.index_cast %add3A_872 : i32 to index
        %get3A_881 = arith.constant 0 : index
        %get3A_882 = tpu.vector_load %arg13[%get3A_880, %get3A_881] {strides = array<i32>} : memref<128x64xf32, #tpu.memory_space<vmem>>, vector<16xf32>,
        %sub3A_883 = arith.subf %add3A_879, %get3A_882 : vector<16xf32>
        %abs3A_884 = math.absf %sub3A_883 : vector<16xf32>
        %get3A_885 = arith.index_cast %add3A_872 : i32 to index
        %get3A_886 = arith.constant 16 : index
        %get3A_887 = tpu.vector_load %arg11[%get3A_885, %get3A_886] {strides = array<i32>} : memref<128x64xf32, #tpu.memory_space<vmem>>, vector<16xf32>,
        %get3A_888 = arith.index_cast %add3A_872 : i32 to index
        %get3A_889 = arith.constant 16 : index
        %get3A_890 = tpu.vector_load %arg12[%get3A_888, %get3A_889] {strides = array<i32>} : memref<128x64xf32, #tpu.memory_space<vmem>>, vector<16xf32>,
        %add3A_891 = arith.addf %get3A_887, %get3A_890 : vector<16xf32>
        %get3A_892 = arith.index_cast %add3A_872 : i32 to index
        %get3A_893 = arith.constant 16 : index
        %get3A_894 = tpu.vector_load %arg13[%get3A_892, %get3A_893] {strides = array<i32>} : memref<128x64xf32, #tpu.memory_space<vmem>>, vector<16xf32>,
        %sub3A_895 = arith.subf %add3A_891, %get3A_894 : vector<16xf32>
        %abs3A_896 = math.absf %sub3A_895 : vector<16xf32>
        %add3A_897 = arith.addf %abs3A_884, %abs3A_896 : vector<16xf32>
        %get3A_898 = arith.index_cast %add3A_872 : i32 to index
        %get3A_899 = arith.constant 32 : index
        %get3A_900 = tpu.vector_load %arg11[%get3A_898, %get3A_899] {strides = array<i32>} : memref<128x64xf32, #tpu.memory_space<vmem>>, vector<16xf32>,
        %get3A_901 = arith.index_cast %add3A_872 : i32 to index
        %get3A_902 = arith.constant 32 : index
        %get3A_903 = tpu.vector_load %arg12[%get3A_901, %get3A_902] {strides = array<i32>} : memref<128x64xf32, #tpu.memory_space<vmem>>, vector<16xf32>,
        %add3A_904 = arith.addf %get3A_900, %get3A_903 : vector<16xf32>
        %get3A_905 = arith.index_cast %add3A_872 : i32 to index
        %get3A_906 = arith.constant 32 : index
        %get3A_907 = tpu.vector_load %arg13[%get3A_905, %get3A_906] {strides = array<i32>} : memref<128x64xf32, #tpu.memory_space<vmem>>, vector<16xf32>,
        %sub3A_908 = arith.subf %add3A_904, %get3A_907 : vector<16xf32>
        %abs3A_909 = math.absf %sub3A_908 : vector<16xf32>
        %add3A_910 = arith.addf %add3A_897, %abs3A_909 : vector<16xf32>
        %get3A_911 = arith.index_cast %add3A_872 : i32 to index
        %get3A_912 = arith.constant 48 : index
        %get3A_913 = tpu.vector_load %arg11[%get3A_911, %get3A_912] {strides = array<i32>} : memref<128x64xf32, #tpu.memory_space<vmem>>, vector<16xf32>,
        %get3A_914 = arith.index_cast %add3A_872 : i32 to index
        %get3A_915 = arith.constant 48 : index
        %get3A_916 = tpu.vector_load %arg12[%get3A_914, %get3A_915] {strides = array<i32>} : memref<128x64xf32, #tpu.memory_space<vmem>>, vector<16xf32>,
        %add3A_917 = arith.addf %get3A_913, %get3A_916 : vector<16xf32>
        %get3A_918 = arith.index_cast %add3A_872 : i32 to index
        %get3A_919 = arith.constant 48 : index
        %get3A_920 = tpu.vector_load %arg13[%get3A_918, %get3A_919] {strides = array<i32>} : memref<128x64xf32, #tpu.memory_space<vmem>>, vector<16xf32>,
        %sub3A_921 = arith.subf %add3A_917, %get3A_920 : vector<16xf32>
        %abs3A_922 = math.absf %sub3A_921 : vector<16xf32>
        %add3A_923 = arith.addf %add3A_910, %abs3A_922 : vector<16xf32>
        %swap3A_924 = arith.constant 240 : index
        %swap3A_925 = tpu.vector_load %arg14[%swap3A_924] {strides = array<i32>} : memref<256xf32, #tpu.memory_space<vmem>>, vector<16xf32>,
        tpu.vector_store %arg14[%swap3A_924], %add3A_923 {strides = array<i32>} : memref<256xf32, #tpu.memory_space<vmem>>, vector<16xf32>,
        %iota3A = tpu.iota {dimensions = array<i32: 0>} : vector<16xi32>
        %mul3A_926 = arith.constant 16 : i32
        %mul3A_927 = vector.broadcast %mul3A_926 : i32 to vector<16xi32>
        %mul3A_928 = arith.muli %iota3A, %mul3A_927 : vector<16xi32>
        %gather3A = tpu.vector_load_idx %arg14[%mul3A_928] : memref<256xf32, #tpu.memory_space<vmem>>[vector<16xi32>], vector<16xf32>,
        %add3A_929 = arith.constant 1 : i32
        %add3A_930 = vector.broadcast %add3A_929 : i32 to vector<16xi32>
        %add3A_931 = arith.addi %mul3A_928, %add3A_930 : vector<16xi32>
        %gather3A_932 = tpu.vector_load_idx %arg14[%add3A_931] : memref<256xf32, #tpu.memory_space<vmem>>[vector<16xi32>], vector<16xf32>,
        %add3A_933 = arith.addf %gather3A, %gather3A_932 : vector<16xf32>
        %add3A_934 = arith.constant 2 : i32
        %add3A_935 = vector.broadcast %add3A_934 : i32 to vector<16xi32>
        %add3A_936 = arith.addi %mul3A_928, %add3A_935 : vector<16xi32>
        %gather3A_937 = tpu.vector_load_idx %arg14[%add3A_936] : memref<256xf32, #tpu.memory_space<vmem>>[vector<16xi32>], vector<16xf32>,
        %add3A_938 = arith.addf %add3A_933, %gather3A_937 : vector<16xf32>
        %add3A_939 = arith.constant 3 : i32
        %add3A_940 = vector.broadcast %add3A_939 : i32 to vector<16xi32>
        %add3A_941 = arith.addi %mul3A_928, %add3A_940 : vector<16xi32>
        %gather3A_942 = tpu.vector_load_idx %arg14[%add3A_941] : memref<256xf32, #tpu.memory_space<vmem>>[vector<16xi32>], vector<16xf32>,
        %add3A_943 = arith.addf %add3A_938, %gather3A_942 : vector<16xf32>
        %add3A_944 = arith.constant 4 : i32
        %add3A_945 = vector.broadcast %add3A_944 : i32 to vector<16xi32>
        %add3A_946 = arith.addi %mul3A_928, %add3A_945 : vector<16xi32>
        %gather3A_947 = tpu.vector_load_idx %arg14[%add3A_946] : memref<256xf32, #tpu.memory_space<vmem>>[vector<16xi32>], vector<16xf32>,
        %add3A_948 = arith.addf %add3A_943, %gather3A_947 : vector<16xf32>
        %add3A_949 = arith.constant 5 : i32
        %add3A_950 = vector.broadcast %add3A_949 : i32 to vector<16xi32>
        %add3A_951 = arith.addi %mul3A_928, %add3A_950 : vector<16xi32>
        %gather3A_952 = tpu.vector_load_idx %arg14[%add3A_951] : memref<256xf32, #tpu.memory_space<vmem>>[vector<16xi32>], vector<16xf32>,
        %add3A_953 = arith.addf %add3A_948, %gather3A_952 : vector<16xf32>
        %add3A_954 = arith.constant 6 : i32
        %add3A_955 = vector.broadcast %add3A_954 : i32 to vector<16xi32>
        %add3A_956 = arith.addi %mul3A_928, %add3A_955 : vector<16xi32>
        %gather3A_957 = tpu.vector_load_idx %arg14[%add3A_956] : memref<256xf32, #tpu.memory_space<vmem>>[vector<16xi32>], vector<16xf32>,
        %add3A_958 = arith.addf %add3A_953, %gather3A_957 : vector<16xf32>
        %add3A_959 = arith.constant 7 : i32
        %add3A_960 = vector.broadcast %add3A_959 : i32 to vector<16xi32>
        %add3A_961 = arith.addi %mul3A_928, %add3A_960 : vector<16xi32>
        %gather3A_962 = tpu.vector_load_idx %arg14[%add3A_961] : memref<256xf32, #tpu.memory_space<vmem>>[vector<16xi32>], vector<16xf32>,
        %add3A_963 = arith.addf %add3A_958, %gather3A_962 : vector<16xf32>
        %add3A_964 = arith.constant 8 : i32
        %add3A_965 = vector.broadcast %add3A_964 : i32 to vector<16xi32>
        %add3A_966 = arith.addi %mul3A_928, %add3A_965 : vector<16xi32>
        %gather3A_967 = tpu.vector_load_idx %arg14[%add3A_966] : memref<256xf32, #tpu.memory_space<vmem>>[vector<16xi32>], vector<16xf32>,
        %add3A_968 = arith.addf %add3A_963, %gather3A_967 : vector<16xf32>
        %add3A_969 = arith.constant 9 : i32
        %add3A_970 = vector.broadcast %add3A_969 : i32 to vector<16xi32>
        %add3A_971 = arith.addi %mul3A_928, %add3A_970 : vector<16xi32>
        %gather3A_972 = tpu.vector_load_idx %arg14[%add3A_971] : memref<256xf32, #tpu.memory_space<vmem>>[vector<16xi32>], vector<16xf32>,
        %add3A_973 = arith.addf %add3A_968, %gather3A_972 : vector<16xf32>
        %add3A_974 = arith.constant 10 : i32
        %add3A_975 = vector.broadcast %add3A_974 : i32 to vector<16xi32>
        %add3A_976 = arith.addi %mul3A_928, %add3A_975 : vector<16xi32>
        %gather3A_977 = tpu.vector_load_idx %arg14[%add3A_976] : memref<256xf32, #tpu.memory_space<vmem>>[vector<16xi32>], vector<16xf32>,
        %add3A_978 = arith.addf %add3A_973, %gather3A_977 : vector<16xf32>
        %add3A_979 = arith.constant 11 : i32
        %add3A_980 = vector.broadcast %add3A_979 : i32 to vector<16xi32>
        %add3A_981 = arith.addi %mul3A_928, %add3A_980 : vector<16xi32>
        %gather3A_982 = tpu.vector_load_idx %arg14[%add3A_981] : memref<256xf32, #tpu.memory_space<vmem>>[vector<16xi32>], vector<16xf32>,
        %add3A_983 = arith.addf %add3A_978, %gather3A_982 : vector<16xf32>
        %add3A_984 = arith.constant 12 : i32
        %add3A_985 = vector.broadcast %add3A_984 : i32 to vector<16xi32>
        %add3A_986 = arith.addi %mul3A_928, %add3A_985 : vector<16xi32>
        %gather3A_987 = tpu.vector_load_idx %arg14[%add3A_986] : memref<256xf32, #tpu.memory_space<vmem>>[vector<16xi32>], vector<16xf32>,
        %add3A_988 = arith.addf %add3A_983, %gather3A_987 : vector<16xf32>
        %add3A_989 = arith.constant 13 : i32
        %add3A_990 = vector.broadcast %add3A_989 : i32 to vector<16xi32>
        %add3A_991 = arith.addi %mul3A_928, %add3A_990 : vector<16xi32>
        %gather3A_992 = tpu.vector_load_idx %arg14[%add3A_991] : memref<256xf32, #tpu.memory_space<vmem>>[vector<16xi32>], vector<16xf32>,
        %add3A_993 = arith.addf %add3A_988, %gather3A_992 : vector<16xf32>
        %add3A_994 = arith.constant 14 : i32
        %add3A_995 = vector.broadcast %add3A_994 : i32 to vector<16xi32>
        %add3A_996 = arith.addi %mul3A_928, %add3A_995 : vector<16xi32>
        %gather3A_997 = tpu.vector_load_idx %arg14[%add3A_996] : memref<256xf32, #tpu.memory_space<vmem>>[vector<16xi32>], vector<16xf32>,
        %add3A_998 = arith.addf %add3A_993, %gather3A_997 : vector<16xf32>
        %add3A_999 = arith.constant 15 : i32
        %add3A_1000 = vector.broadcast %add3A_999 : i32 to vector<16xi32>
        %add3A_1001 = arith.addi %mul3A_928, %add3A_1000 : vector<16xi32>
        %gather3A_1002 = tpu.vector_load_idx %arg14[%add3A_1001] : memref<256xf32, #tpu.memory_space<vmem>>[vector<16xi32>], vector<16xf32>,
        %add3A_1003 = arith.addf %add3A_998, %gather3A_1002 : vector<16xf32>
        %swap3A_1004 = arith.index_cast %mul3A_49 : i32 to index
        %swap3A_1005 = tpu.vector_load %arg15[%swap3A_1004] {strides = array<i32>} : memref<128xf32, #tpu.memory_space<vmem>>, vector<16xf32>,
        tpu.vector_store %arg15[%swap3A_1004], %add3A_1003 {strides = array<i32>} : memref<128xf32, #tpu.memory_space<vmem>>, vector<16xf32>,
      }
      %scan3A_42 = arith.constant 8 : i32
      "tpu.region"() ({
        %run_scoped3A_43 = tpu.sem_alloc : memref<!tpu.dma_semaphore, #tpu.memory_space<semaphore_mem>>
        %dma_start3A_44 = tpu.memref_slice %arg7[%add3A_19] : memref<16384xf32, #tpu.memory_space<hbm>> -> memref<128xf32, #tpu.memory_space<hbm>>
        %dma_start3A_45 = tpu.memref_slice %arg7[%add3A_19] : memref<16384xf32, #tpu.memory_space<hbm>> -> memref<128xf32, #tpu.memory_space<hbm>>
        tpu.enqueue_dma source(%arg15 : memref<128xf32, #tpu.memory_space<vmem>>) target(%dma_start3A_45 : memref<128xf32, #tpu.memory_space<hbm>>) target_semaphore(%run_scoped3A_43 : memref<!tpu.dma_semaphore, #tpu.memory_space<semaphore_mem>>)
        %dma_wait3A_46 = tpu.memref_slice %arg7[%add3A_19] : memref<16384xf32, #tpu.memory_space<hbm>> -> memref<128xf32, #tpu.memory_space<hbm>>
        %dma_wait3A_47 = tpu.memref_slice %arg7[%add3A_19] : memref<16384xf32, #tpu.memory_space<hbm>> -> memref<128xf32, #tpu.memory_space<hbm>>
        tpu.wait_dma2 semaphore(%run_scoped3A_43 : memref<!tpu.dma_semaphore, #tpu.memory_space<semaphore_mem>>) src(%arg15 : memref<128xf32, #tpu.memory_space<vmem>>) dst(%dma_wait3A_47 : memref<128xf32, #tpu.memory_space<hbm>>)
        tpu.yield
      }) : () -> ()
    }
    %scan3A_11 = arith.constant 4 : i32
    return
  }
}

module attributes {stable_mosaic.version = 14 : i64} {
  func.func @_transpose_body(%arg0: i32, %arg1: memref<256x512xf32, #tpu.memory_space<vmem>>, %arg2: memref<256x512xf32, #tpu.memory_space<vmem>>, %arg3: memref<64x512xf32, #tpu.memory_space<vmem>>, %arg4: memref<256x128xf32, #tpu.memory_space<vmem>>) attributes {dimension_semantics = [#tpu.dimension_semantics<arbitrary>], iteration_bounds = array<i64: 1954>, scalar_prefetch = 0 : i64, scratch_operands = 0 : i64, tpu.core_type = #tpu.core_type<tc>, window_params = [{pipeline_mode = #tpu.pipeline_mode<synchronous>, transform_indices = @transform_0, window_bounds = array<i64: 256, 512>}, {pipeline_mode = #tpu.pipeline_mode<synchronous>, transform_indices = @transform_1, window_bounds = array<i64: 256, 512>}, {transform_indices = @transform_2, window_bounds = array<i64: 64, 512>}, {transform_indices = @transform_3, window_bounds = array<i64: 256, 128>}]} {
    %get3A = arith.constant 0 : index
    %get3A_0 = arith.constant 0 : index
    %get3A_1 = vector.load %arg3[%get3A, %get3A_0] : memref<64x512xf32, #tpu.memory_space<vmem>>, vector<64x512xf32>
    %mul3A = arith.constant 512 : i32
    %mul3A_2 = arith.muli %arg0, %mul3A : i32
    %sub3A = arith.constant 1000000 : i32
    %sub3A_3 = arith.subi %sub3A, %mul3A_2 : i32
    %iota3A = tpu.iota {dimensions = array<i32: 1>} : vector<64x512xi32>
    %lt3A = vector.broadcast %sub3A_3 : i32 to vector<64x512xi32>
    %lt3A_4 = arith.cmpi slt, %iota3A, %lt3A : vector<64x512xi32>
    %jit3A = arith.constant 0.000000e+00 : f32
    %broadcast_in_dim3A = vector.broadcast %jit3A : f32 to vector<64x512xf32>
    %select_n3A = arith.select %lt3A_4, %get3A_1, %broadcast_in_dim3A : vector<64x512xi1>, vector<64x512xf32>
    %get3A_5 = arith.constant 0 : index
    %get3A_6 = arith.constant 0 : index
    %get3A_7 = vector.load %arg1[%get3A_5, %get3A_6] : memref<256x512xf32, #tpu.memory_space<vmem>>, vector<256x512xf32>
    %dot_general3A = arith.constant dense<0.000000e+00> : vector<256x64xf32>
    %dot_general3A_8 = tpu.matmul %get3A_7, %select_n3A, %dot_general3A {dimension_numbers = #tpu.dot_dimension_numbers<[1], [1], [0], [0], [0, 0, 1, 0], [], []>, precision = #tpu.contract_precision<fp32>, transpose_lhs_hint = false} : vector<256x512xf32>, vector<64x512xf32>, vector<256x64xf32> -> vector<256x64xf32>
    %get3A_9 = arith.constant 0 : index
    %get3A_10 = arith.constant 0 : index
    %get3A_11 = vector.load %arg2[%get3A_9, %get3A_10] : memref<256x512xf32, #tpu.memory_space<vmem>>, vector<256x512xf32>
    %dot_general3A_12 = arith.constant dense<0.000000e+00> : vector<256x64xf32>
    %dot_general3A_13 = tpu.matmul %get3A_11, %select_n3A, %dot_general3A_12 {dimension_numbers = #tpu.dot_dimension_numbers<[1], [1], [0], [0], [0, 0, 1, 0], [], []>, precision = #tpu.contract_precision<fp32>, transpose_lhs_hint = false} : vector<256x512xf32>, vector<64x512xf32>, vector<256x64xf32> -> vector<256x64xf32>
    %swap3A = arith.constant 0 : index
    %swap3A_14 = arith.constant 0 : index
    %swap3A_15 = vector.load %arg4[%swap3A, %swap3A_14] : memref<256x128xf32, #tpu.memory_space<vmem>>, vector<256x64xf32>
    tpu.vector_store %arg4[%swap3A, %swap3A_14], %dot_general3A_8 {strides = array<i32>} : memref<256x128xf32, #tpu.memory_space<vmem>>, vector<256x64xf32>,
    %swap3A_16 = arith.constant 0 : index
    %swap3A_17 = arith.constant 64 : index
    %swap3A_18 = vector.load %arg4[%swap3A_16, %swap3A_17] : memref<256x128xf32, #tpu.memory_space<vmem>>, vector<256x64xf32>
    tpu.vector_store %arg4[%swap3A_16, %swap3A_17], %dot_general3A_13 {strides = array<i32>} : memref<256x128xf32, #tpu.memory_space<vmem>>, vector<256x64xf32>,
    return
  }
  func.func @transform_0(%arg0: i32) -> (i32, i32) {
    %c0_i32 = arith.constant 0 : i32
    %c0_i32_0 = arith.constant 0 : i32
    %c0_i32_1 = arith.constant 0 : i32
    return %c0_i32, %c0_i32_0 : i32, i32
  }
  func.func @transform_1(%arg0: i32) -> (i32, i32) {
    %c0_i32 = arith.constant 0 : i32
    %c0_i32_0 = arith.constant 0 : i32
    %c0_i32_1 = arith.constant 0 : i32
    return %c0_i32, %c0_i32_0 : i32, i32
  }
  func.func @transform_2(%arg0: i32) -> (i32, i32) {
    %c0_i32 = arith.constant 0 : i32
    %c0_i32_0 = arith.constant 0 : i32
    return %c0_i32, %arg0 : i32, i32
  }
  func.func @transform_3(%arg0: i32) -> (i32, i32) {
    %c0_i32 = arith.constant 0 : i32
    %c0_i32_0 = arith.constant 0 : i32
    return %arg0, %c0_i32 : i32, i32
  }
}

</mosaic_0001>

<sc_bundles>
// kernel: kernel.5.cloned.1.call-start
scs
__scs_entry_jumppad:
0x0: {  	(pc) =	sbr.rel $0x88, $3  }
0x1: {  	(tag) =	ssettag $0x0;
	lr =	simm.s32 $0x1  }
0x2: {  	[smem:$0x3F9D] =	sst lr;
	_ =	strace $0xD0000000  }
0x3: {  	_ = 	snop  }
0x4: {  	_ = 	snop  }
0x5: {  	_ = 	snop  }
0x6: {  	_ = 	snop  }
0x7: {  	_ = 	snop  }
__scs_overlays_trampoline_lowered:
0x8: {  	[smem:$0x3FAC] =	sst s0  }
0x9: {  	[smem:$0x3FAD] =	sst s1  }
0xa: {  	[smem:$0x3FAE] =	sst s2  }
0xb: {  	[smem:$0x3FAF] =	sst s3  }
0xc: {  	[smem:$0x3FB0] =	sst s4  }
0xd: {  	[smem:$0x3FB1] =	sst s5  }
0xe: {  	[smem:$0x3FB2] =	sst s6  }
0xf: {  	[smem:$0x3FB3] =	sst s7  }
0x10: {  	[smem:$0x3FB4] =	sst s8  }
0x11: {  	[smem:$0x3FB5] =	sst s9;
	s0 =	simm.s32 @!p0 $0x0  }
0x12: {  	s1 =	sld [smem:$0x3F9B];
	s0 =	simm.s32 @p0 $0x1  }
0x13: {  	[smem:$0x3FB6] =	sst s0;
	s0 =	simm.s32 @!p1 $0x0  }
0x14: {  	s2 =	sld [smem:$0x3F9A];
	s0 =	simm.s32 @p1 $0x1  }
0x15: {  	[smem:$0x3FB7] =	sst s0;
	s0 =	simm.s32 @!p2 $0x0  }
0x16: {  	s3 =	sld [smem:$0x3FDB];
	s0 =	simm.s32 @p2 $0x1  }
0x17: {  	s4 =	simm.s32 $0x1BF5;
	[smem:$0x3FB9] =	sst s0  }
0x18: {  	s0 =	sld [smem:$0x3F9C];
	_ =	swait.ge [sflag:s4], $0x0  }
0x19: {  	s7 =	sld [smem:$0x3F9D]  }
0x1a: {  	s8 =	sadd.s32 $0xFFFFE003, lr  }
0x1b: {  	s9 =	sadd.s32 $0xFFFFFEF7, lr;
	s5 =	simm.s32 $0xFFFFFFFF;
	p2 =	slt.u32 s8, $0xFFFFF086  }
0x1c: {  	p1 =	slt.u32 s9, $0xF7A;
	s5 =	simm.s32 @!p2 $0x0  }
0x1d: {  	s5 =	simm.s32 @p1 $0x1;
	p0 =	seq.s32 s7, s2  }
0x1e: {  	s7 =	smul.u32 @!p0 $0xF7A, s2;
	p2 =	seq.s32 @!p0 s5, $0x0  }
0x1f: {  	s9 =	smul.u32 $0xF7A, s1;
	s8 =	simm.s32 @!p0 $0x1BF5;
	p2 =	por !p2, p0  }
0x20: {  	[sflag:s8] =	ssyncset.s32 @!p0 $0xFFFFF086;
	s6 =	sadd.s32 @!p0 s3, s7;
	s7 =	simm.s32 @!p0 $0x108  }
0x21: {  	s3 =	sadd.s32 s3, s9;
	s6 =	sadd.s32 @!p0 $0x88, s6;
	s7 =	simm.s32 @p2 $0x1082  }
0x22: {  	[simem:s7], [sflag:s8] =	dma.local @!p0 [hbm:s6], $0xF7A  }
0x23: {  	s9 =	sor.u32 $0xD0000000, s2;
	s6 =	simm.s32 $0x108;
	_ =	swait.ge @!p0 [sflag:s8], $0x0  }
0x24: {  	s3 =	sadd.s32 $0x88, s3;
	s6 =	simm.s32 @!p1 $0x1082;
	[sflag:s4] =	ssyncset.s32 $0xFFFFF086  }
0x25: {  	[simem:s6], [sflag:s4] =	dma.local [hbm:s3], $0xF7A  }
0x26: {  	[smem:$0x3F9D] =	sst s1;
	(tag) =	ssettag s2;
	_ =	strace s9  }
0x27: {  	s1 =	sld [smem:$0x3FAD]  }
0x28: {  	s2 =	sld [smem:$0x3FAE]  }
0x29: {  	s4 =	sld [smem:$0x3FB0]  }
0x2a: {  	p0 =	seq.s32 s5, $0x0;
	s5 =	sld [smem:$0x3FB1]  }
0x2b: {  	s6 =	sld [smem:$0x3FB2]  }
0x2c: {  	s7 =	sld [smem:$0x3FB3]  }
0x2d: {  	s3 =	simm.s32 $0x108;
	s8 =	sld [smem:$0x3FB4]  }
0x2e: {  	s3 =	simm.s32 @!p0 $0x1082;
	s9 =	sld [smem:$0x3FB5]  }
0x2f: {  	lr =	sadd.s32 s0, s3;
	s0 =	sld [smem:$0x3FAC]  }
0x30: {  	s3 =	sld [smem:$0x3FAF]  }
0x31: {  	[smem:$0x3FB8] =	sst s10  }
0x32: {  	s10 =	sld [smem:$0x3FB6];
	_ =	sdelay $0x3  }
0x33: {  	p0 =	seq.s32 s10, $0x1;
	s10 =	sld [smem:$0x3FB8];
	_ =	sdelay $0x3  }
0x34: {  	[smem:$0x3FB8] =	sst s10  }
0x35: {  	s10 =	sld [smem:$0x3FB7];
	_ =	sdelay $0x3  }
0x36: {  	p1 =	seq.s32 s10, $0x1;
	s10 =	sld [smem:$0x3FB8];
	_ =	sdelay $0x3  }
0x37: {  	[smem:$0x3FB8] =	sst s10  }
0x38: {  	s10 =	sld [smem:$0x3FB9]  }
0x39: {  	_ = 	snop;
	(pc) =	sbr.ind lr, $3  }
0x3a: {  	_ = 	snop  }
0x3b: {  	_ = 	snop  }
0x3c: {  	p2 =	seq.s32 s10, $0x1;
	s10 =	sld [smem:$0x3FB8]  }
0x3d: {  	_ =	shalt  }
0x3e: {  	_ =	shalt  }
0x3f: {  	_ =	shalt  }
0x40: {  	_ =	shalt  }
0x41: {  	_ =	shalt  }
0x42: {  	_ =	shalt  }
0x43: {  	_ =	shalt  }
0x44: {  	_ =	shalt  }
0x45: {  	_ =	shalt  }
0x46: {  	_ =	shalt  }
0x47: {  	_ =	shalt  }
0x48: {  	_ =	shalt  }
0x49: {  	_ =	shalt  }
0x4a: {  	_ =	shalt  }
0x4b: {  	_ =	shalt  }
0x4c: {  	_ =	shalt  }
0x4d: {  	_ =	shalt  }
0x4e: {  	_ =	shalt  }
0x4f: {  	_ =	shalt  }
0x50: {  	_ =	shalt  }
0x51: {  	_ =	shalt  }
0x52: {  	_ =	shalt  }
0x53: {  	_ =	shalt  }
0x54: {  	_ =	shalt  }
0x55: {  	_ =	shalt  }
0x56: {  	_ =	shalt  }
0x57: {  	_ =	shalt  }
0x58: {  	_ =	shalt  }
0x59: {  	_ =	shalt  }
0x5a: {  	_ =	shalt  }
0x5b: {  	_ =	shalt  }
0x5c: {  	_ =	shalt  }
0x5d: {  	_ =	shalt  }
0x5e: {  	_ =	shalt  }
0x5f: {  	_ =	shalt  }
0x60: {  	_ =	shalt  }
0x61: {  	_ =	shalt  }
0x62: {  	_ =	shalt  }
0x63: {  	_ =	shalt  }
0x64: {  	_ =	shalt  }
0x65: {  	_ =	shalt  }
0x66: {  	_ =	shalt  }
0x67: {  	_ =	shalt  }
0x68: {  	_ =	shalt  }
0x69: {  	_ =	shalt  }
0x6a: {  	_ =	shalt  }
0x6b: {  	_ =	shalt  }
0x6c: {  	_ =	shalt  }
0x6d: {  	_ =	shalt  }
0x6e: {  	_ =	shalt  }
0x6f: {  	_ =	shalt  }
0x70: {  	_ =	shalt  }
0x71: {  	_ =	shalt  }
0x72: {  	_ =	shalt  }
0x73: {  	_ =	shalt  }
0x74: {  	_ =	shalt  }
0x75: {  	_ =	shalt  }
0x76: {  	_ =	shalt  }
0x77: {  	_ =	shalt  }
0x78: {  	_ =	shalt  }
0x79: {  	_ =	shalt  }
0x7a: {  	_ =	shalt  }
0x7b: {  	_ =	shalt  }
0x7c: {  	_ =	shalt  }
0x7d: {  	_ =	shalt  }
0x7e: {  	_ =	shalt  }
0x7f: {  	_ =	shalt  }
0x80: {  	_ =	shalt  }
0x81: {  	_ =	shalt  }
0x82: {  	_ =	shalt  }
0x83: {  	_ =	shalt  }
0x84: {  	_ =	shalt  }
0x85: {  	_ =	shalt  }
0x86: {  	_ =	shalt  }
0x87: {  	_ =	shalt  }
.Lfunc_end0:
.L_simem_size_0:
called_computation_lowered:
.L_overlay_start_0:
0x88: {  	s2 =	sld [smem:$0x3FD9]  }
0x89: {  	s3 =	sld [smem:$0x3FFE];
	_ =	sdelay $0x1  }
0x8a: {  	s1 =	srdreg.scid  }
0x8b: {  	s0 =	sand.u32 $0x1, s1  }
0x8c: {  	s14 =	sshll.u32 s0, $0xA;
	s2 =	sadd.s32 s3, s2  }
0x8d: {  	s2 =	sadd.s32 s2, s14  }
0x8e: {  	[smem:$0x3FC4] =	sst s2  }
0x8f: {  	_ = 	snop  }
0x90: {  	s2 =	sld [smem:$0x3FD0];
	_ =	sdelay $0x2  }
0x91: {  	s15 =	simm.s32 $0xA;
	s4 =	simm.s32 $0x10  }
0x92: {  	[smem:s4], [sflag:s15] =	dma.local [hbm:s2], $0x1  }
0x93: {  	_ =	swait.eq [sflag:s15], $0x1  }
0x94: {  	[sflag:s15] =	ssyncset.done $0x0  }
0x95: {  	s16 =	sld [smem:$0x10];
	[sflag:s15] =	ssyncadd.s32 $0xFFFFFFFF  }
0x96: {  	s17 =	sld [smem:$0x11];
	(tm) =	ssettm $0x1  }
0x97: {  	s18 =	sld [smem:$0x3FFB];
	_ =	sdelay $0x3  }
0x98: {  	_ =	strace s18  }
0x99: {  	s4 =	sld [smem:$0x3FFC];
	_ =	sdelay $0x3  }
0x9a: {  	_ =	strace s4  }
0x9b: {  	s4 =	sld [smem:$0x3FFD];
	_ =	sdelay $0x3  }
0x9c: {  	_ =	strace s4  }
0x9d: {  	_ =	strace $0x8FFFFFFF  }
0x9e: {  	s19 =	sld [smem:$0x3FDB];
	_ =	sdelay $0x1  }
0x9f: {  	s5 =	simm.s32 $_scs_section_size  }
0xa0: {  	s6 =	simm.s32 $_size__tile_overlayer_lowered;
	s7 =	simm.s32 $_tile_overlayer_lowered  }
0xa1: {  	s22 =	simm.s32 $0x1BFF;
	s21 =	sshll.u32 s7, $0x1;
	s4 =	sadd.s32 s5, s19  }
0xa2: {  	s8 =	simm.s32 $0x0;
	s20 =	sshll.u32 s6, $0x1;
	s6 =	sadd.s32 s21, s4  }
0xa3: {  	[timem:s8], [sflag:s22] =	dma.local [hbm:s6], s20  }
0xa4: {  	_ =	swait.ge [sflag:s22], s20  }
0xa5: {  	s5 =	ssub.s32 $0x0, s20;
	[sflag:s22] =	ssyncset.done $0x0  }
0xa6: {  	[sflag:s22] =	ssyncadd.s32 s5;
	_ =	sdelay $0x1  }
0xa7: {  	s23 =	simm.s32 $0x1B8B  }
0xa8: {  	_ =	swait.ge [sflag:s23], $0x1  }
0xa9: {  	[sflag:s23] =	ssyncset.done $0x0  }
0xaa: {  	s25 =	simm.s32 $0x1B8E;
	s24 =	sld [smem:$0x3FFE];
	[sflag:s23] =	ssyncadd.s32 $0xFFFFFFFF  }
0xab: {  	s26 =	simm.s32 $execute0_lowered;
	[smem:$0x3FD2] =	sst s25  }
0xac: {  	s6 =	sshll.u32 s26, $0x1;
	_ =	strace $0x80000046;
	[dreg:$0x1] =	wrdreg $0xFFFFFFFF  }
0xad: {  	s28 =	simm.s32 $_size_execute0_lowered;
	s4 =	sadd.s32 s4, s6;
	[dreg:$0x0] =	wrdreg $0x0  }
0xae: {  	s6 =	sshll.u32 s28, $0x1;
	[dreg:$0x2] =	wrdreg s4  }
0xaf: {  	[dreg:$0x3] =	wrdreg s6  }
0xb0: {  	[dreg:$0x4] =	wrdreg $0xC0  }
0xb1: {  	_ =	task [dreg:s8], $0x5FFFF  }
0xb2: {  	[dreg:$0x1] =	wrdreg $0xFFFFFFFF  }
0xb3: {  	[dreg:$0x0] =	wrdreg $0x60  }
0xb4: {  	[dreg:$0x2] =	wrdreg s24  }
0xb5: {  	[dreg:$0x3] =	wrdreg s16  }
0xb6: {  	[dreg:$0x4] =	wrdreg s17  }
0xb7: {  	[dreg:$0x5] =	wrdreg $0x9  }
0xb8: {  	_ =	task.clear_ibuf [dreg:s8], $0x6FFFF;
	_ =	strace $0x90000046  }
0xb9: {  	s29 =	simm.s32 $0x9;
	_ =	strace $0x80000048  }
0xba: {  	_ =	swait.ge [sflag:s29], $0x1  }
0xbb: {  	[sflag:s29] =	ssyncadd.s32 $0xFFFFFFFF  }
0xbc: {  	_ =	strace $0x90000048  }
0xbd: {  	_ =	sfence  }
0xbe: {  	s30 =	sld [smem:$0x0];
	_ =	sdelay $0x2  }
0xbf: {  	s31 =	sshll.u32 s1, $0xD;
	s1 =	sshrl.u32 s1, $0x2  }
0xc0: {  	s3 =	sand.u32 $0x4000, s31;
	s1 =	sadd.s32 s1, s30  }
0xc1: {  	s0 =	sor.u32 s3, s0;
	s1 =	sshll.u32 s1, $0x11  }
0xc2: {  	s0 =	sor.u32 s1, s0  }
0xc3: {  	s0 =	sadd.s32 $0x8F2B, s0  }
0xc4: {  	[sflag:s0] =	ssyncadd.remote.s32 $0x1  }
0xc5: {  	_ =	sfence.sel $0xFFFF  }
0xc6: {  	[dreg:$0x0] =	wrdreg $0xFFFFFFFF;
	(pc) =	sbr.abs _section_cstart, $3  }
0xc7: {  	[dreg:$0x1] =	wrdreg $0xFFFFFFFF  }
0xc8: {  	_ =	task.clear_ibuf [dreg:s8], $0x2FFFF;
	_ =	strace $0x9FFFFFFF  }
0xc9: {  	(tm) =	ssettm $0x7FFFFFFF  }
tec
execute0_lowered:
.L_overlay_start_1:
0x0: {  	(tag) =	ssettag $0x1  }
0x1: {  	s13 =	rddreg [dreg:$0x0]  }
0x2: {  	s1 =	rddreg [dreg:$0x1]  }
0x3: {  	s2 =	rddreg [dreg:$0x2]  }
0x4: {  	s0 =	rddreg [dreg:$0x3];
	s3 =	simm.s32 $0x0  }
0x5: {  	s4 =	srdreg.scid;
	s15 =	simm.s32 $0x2;
	s16 =	simm.s32 $0x80  }
0x6: {  	s17 =	simm.s32 $0x100;
	s18 =	simm.s32 $0x180;
	s19 =	simm.s32 $0x2180  }
0x7: {  	v0 =	vlaneseq.u32;
	s20 =	simm.s32 $0x4180;
	s21 =	simm.s32 $0x1;
	s22 =	simm.s32 $0x6180  }
0x8: {  	s23 =	simm.s32 $0x6280;
	s24 =	simm.s32 $0x0;
	[smem:$0x7FF] =	sst s3;
	v0 =	vmul.u32 $0x10, v0  }
0x9: {  	s5 =	sadd.s32 $0xC00, s13;
	s6 =	sadd.s32 $0x2400, s13;
	s8 =	sand.u32 $0x1, s4  }
0xa: {  	s7 =	sadd.s32 $0x3C00, s13;
	s4 =	stileid.u32;
	s9 =	ssub.s32 $0x2, s8;
	v1 =	vor.u32 $0x1, v0;
	v2 =	vor.u32 $0x2, v0;
	v3 =	vor.u32 $0x3, v0  }
0xb: {  	_ =	strace $0x80000047;
	s11 =	sshll.u32 s4, $0xA;
	s10 =	sshrl.u32 s9, $0x1;
	v4 =	vor.u32 $0x4, v0;
	v5 =	vor.u32 $0x5, v0;
	v6 =	vor.u32 $0x6, v0  }
0xc: {  	s12 =	sshll.u32 s8, $0x9;
	s8 =	sadd.s32 $0x7A4E00, s13;
	v7 =	vor.u32 $0x7, v0;
	v8 =	vor.u32 $0x8, v0;
	v9 =	vor.u32 $0x9, v0;
	s14 =	ssub.s32 s9, s10  }
0xd: {  	v10 =	vor.u32 $0xA, v0;
	v11 =	vor.u32 $0xB, v0;
	v12 =	vor.u32 $0xC, v0;
	s9 =	sor.u32 s12, s11;
	s10 =	sadd.s32 $0x1400, s13;
	s11 =	sadd.s32 $0x1C00, s13  }
0xe: {  	v13 =	vor.u32 $0xD, v0;
	v14 =	vor.u32 $0xE, v0;
	v15 =	vor.u32 $0xF, v0;
	s12 =	sadd.s32 $0x2C00, s13;
	s13 =	sadd.s32 $0x3400, s13;
	s14 =	smax.u32 s14, $0x1  }
.LBB2_1:
0xf: {  	s26 =	simm.s32 $0x0  }
.LBB2_2:
0x10: {  	s25 =	sshll.u32 s26, $0x7  }
0x11: {  	s25 =	sadd.s32 s9, s25  }
0x12: {  	s25 =	sshrl.u32 s25, $0x3  }
0x13: {  	s28 =	simm.s32 $0x0;
	s29 =	sadd.s32 s5, s25  }
0x14: {  	[tilespmem:s28], [sflag:$0x2] =	stream.linear.gather [hbm4b:s29+s28], $0x80, $0x38;
	[tilespmem:$0x6300] =	vst v63  }
0x15: {  	_ =	swait.ge [sflag:s15], $0x80  }
0x16: {  	[sflag:s15] =	ssyncset.done $0x0  }
0x17: {  	s29 =	sadd.s32 s25, s10;
	[sflag:s15] =	ssyncadd.s32 $0xFFFFFF80  }
0x18: {  	[tilespmem:s16], [sflag:$0x2] =	stream.linear.gather [hbm4b:s29+s28], $0x80, $0x38;
	[tilespmem:$0x6300] =	vst v63  }
0x19: {  	_ =	swait.ge [sflag:s15], $0x80  }
0x1a: {  	[sflag:s15] =	ssyncset.done $0x0  }
0x1b: {  	s29 =	sadd.s32 s25, s11;
	[sflag:s15] =	ssyncadd.s32 $0xFFFFFF80  }
0x1c: {  	[tilespmem:s17], [sflag:$0x2] =	stream.linear.gather [hbm4b:s29+s28], $0x80, $0x38;
	[tilespmem:$0x6300] =	vst v63  }
0x1d: {  	_ =	swait.ge [sflag:s15], $0x80  }
0x1e: {  	[sflag:s15] =	ssyncset.done $0x0  }
0x1f: {  	[sflag:s15] =	ssyncadd.s32 $0xFFFFFF80  }
0x20: {  	[tilespmem:s18], [sflag:$0x1] =	stream.indirect.gather [hbm4b:s7+s16], $0x40, s28, s16, $0xb8;
	[tilespmem:$0x6300] =	vst v63  }
0x21: {  	_ = 	snop  }
0x22: {  	[tilespmem:s19], [sflag:$0x1] =	stream.indirect.gather [hbm4b:s8+s16], $0x40, s16, s16, $0xb8;
	[tilespmem:$0x6300] =	vst v63  }
0x23: {  	_ = 	snop  }
0x24: {  	[tilespmem:s20], [sflag:$0x1] =	stream.indirect.gather [hbm4b:s7+s16], $0x40, s17, s16, $0xb8;
	[tilespmem:$0x6300] =	vst v63  }
0x25: {  	_ =	swait.ge [sflag:s21], $0x2000  }
0x26: {  	[sflag:s21] =	ssyncset.done $0x0  }
0x27: {  	[sflag:s21] =	ssyncadd.s32 $0xFFFFE000  }
0x28: {  	_ =	swait.ge [sflag:s21], $0x2000  }
0x29: {  	[sflag:s21] =	ssyncset.done $0x0  }
0x2a: {  	[sflag:s21] =	ssyncadd.s32 $0xFFFFE000  }
0x2b: {  	_ =	swait.ge [sflag:s21], $0x2000  }
0x2c: {  	[sflag:s21] =	ssyncset.done $0x0  }
0x2d: {  	s29 =	simm.s32 $0x6280;
	[sflag:s21] =	ssyncadd.s32 $0xFFFFE000  }
.LBB2_3:
0x2e: {  	s30 =	sshra.s32 s28, $0x2  }
0x2f: {  	v16 =	vld [tilespmem:s30+$0x180]  }
0x30: {  	v17 =	vld [tilespmem:s30+$0x2180]  }
0x31: {  	v18 =	vld [tilespmem:s30+$0x4180]  }
0x32: {  	v19 =	vld [tilespmem:s30+$0x190]  }
0x33: {  	v20 =	vld [tilespmem:s30+$0x2190]  }
0x34: {  	v21 =	vld [tilespmem:s30+$0x4190]  }
0x35: {  	v22 =	vld [tilespmem:s30+$0x1A0]  }
0x36: {  	v23 =	vld [tilespmem:s30+$0x21A0]  }
0x37: {  	v24 =	vld [tilespmem:s30+$0x41A0]  }
0x38: {  	v25 =	vld [tilespmem:s30+$0x1B0]  }
0x39: {  	v16 =	vadd.f32 v17, v16;
	v17 =	vld [tilespmem:s30+$0x21B0]  }
0x3a: {  	v19 =	vadd.f32 v20, v19  }
0x3b: {  	v31 =	vld [tilespmem:s30+$0x41B0];
	v32 =	vadd.f32 v23, v22  }
0x3c: {  	v16 =	vsub.f32 v16, v18;
	v19 =	vsub.f32 v19, v21  }
0x3d: {  	v20 =	vsub.f32 v32, v24  }
0x3e: {  	v16 =	vand.u32 $0x7FFFFFFF, v16;
	v19 =	vand.u32 $0x7FFFFFFF, v19;
	v17 =	vadd.f32 v17, v25  }
0x3f: {  	v16 =	vadd.f32 v19, v16  }
0x40: {  	v33 =	vand.u32 $0x7FFFFFFF, v20;
	v17 =	vsub.f32 v17, v31  }
0x41: {  	v16 =	vadd.f32 v33, v16  }
0x42: {  	v17 =	vand.u32 $0x7FFFFFFF, v17  }
0x43: {  	v16 =	vadd.f32 v17, v16;
	_ =	sdelay $0x1  }
0x44: {  	[tilespmem:$0x6180] =	vst v16  }
0x45: {  	v16 =	vld [tilespmem:s30+$0x1C0]  }
0x46: {  	v17 =	vld [tilespmem:s30+$0x21C0]  }
0x47: {  	v34 =	vld [tilespmem:s30+$0x41C0]  }
0x48: {  	v35 =	vld [tilespmem:s30+$0x1D0]  }
0x49: {  	v36 =	vld [tilespmem:s30+$0x21D0]  }
0x4a: {  	v37 =	vld [tilespmem:s30+$0x41D0]  }
0x4b: {  	v38 =	vld [tilespmem:s30+$0x1E0]  }
0x4c: {  	v39 =	vld [tilespmem:s30+$0x21E0]  }
0x4d: {  	v40 =	vld [tilespmem:s30+$0x41E0]  }
0x4e: {  	v41 =	vld [tilespmem:s30+$0x1F0]  }
0x4f: {  	v16 =	vadd.f32 v17, v16;
	v17 =	vld [tilespmem:s30+$0x21F0]  }
0x50: {  	v19 =	vadd.f32 v36, v35  }
0x51: {  	v42 =	vld [tilespmem:s30+$0x41F0];
	v43 =	vadd.f32 v39, v38  }
0x52: {  	v16 =	vsub.f32 v16, v34;
	v19 =	vsub.f32 v19, v37  }
0x53: {  	v20 =	vsub.f32 v43, v40  }
0x54: {  	v16 =	vand.u32 $0x7FFFFFFF, v16;
	v19 =	vand.u32 $0x7FFFFFFF, v19;
	v17 =	vadd.f32 v17, v41  }
0x55: {  	v16 =	vadd.f32 v19, v16  }
0x56: {  	v44 =	vand.u32 $0x7FFFFFFF, v20;
	v17 =	vsub.f32 v17, v42  }
0x57: {  	v16 =	vadd.f32 v44, v16  }
0x58: {  	v17 =	vand.u32 $0x7FFFFFFF, v17  }
0x59: {  	v16 =	vadd.f32 v17, v16;
	_ =	sdelay $0x1  }
0x5a: {  	[tilespmem:$0x6190] =	vst v16  }
0x5b: {  	v16 =	vld [tilespmem:s30+$0x200]  }
0x5c: {  	v17 =	vld [tilespmem:s30+$0x2200]  }
0x5d: {  	v45 =	vld [tilespmem:s30+$0x4200]  }
0x5e: {  	v46 =	vld [tilespmem:s30+$0x210]  }
0x5f: {  	v47 =	vld [tilespmem:s30+$0x2210]  }
0x60: {  	v48 =	vld [tilespmem:s30+$0x4210]  }
0x61: {  	v49 =	vld [tilespmem:s30+$0x220]  }
0x62: {  	v50 =	vld [tilespmem:s30+$0x2220]  }
0x63: {  	v51 =	vld [tilespmem:s30+$0x4220]  }
0x64: {  	v52 =	vld [tilespmem:s30+$0x230]  }
0x65: {  	v16 =	vadd.f32 v17, v16;
	v17 =	vld [tilespmem:s30+$0x2230]  }
0x66: {  	v19 =	vadd.f32 v47, v46  }
0x67: {  	v53 =	vld [tilespmem:s30+$0x4230];
	v54 =	vadd.f32 v50, v49  }
0x68: {  	v16 =	vsub.f32 v16, v45;
	v19 =	vsub.f32 v19, v48  }
0x69: {  	v20 =	vsub.f32 v54, v51  }
0x6a: {  	v16 =	vand.u32 $0x7FFFFFFF, v16;
	v19 =	vand.u32 $0x7FFFFFFF, v19;
	v17 =	vadd.f32 v17, v52  }
0x6b: {  	v16 =	vadd.f32 v19, v16  }
0x6c: {  	v55 =	vand.u32 $0x7FFFFFFF, v20;
	v17 =	vsub.f32 v17, v53  }
0x6d: {  	v16 =	vadd.f32 v55, v16  }
0x6e: {  	v17 =	vand.u32 $0x7FFFFFFF, v17  }
0x6f: {  	v16 =	vadd.f32 v17, v16;
	_ =	sdelay $0x1  }
0x70: {  	[tilespmem:$0x61A0] =	vst v16  }
0x71: {  	v16 =	vld [tilespmem:s30+$0x240]  }
0x72: {  	v17 =	vld [tilespmem:s30+$0x2240]  }
0x73: {  	v56 =	vld [tilespmem:s30+$0x4240]  }
0x74: {  	v57 =	vld [tilespmem:s30+$0x250]  }
0x75: {  	v58 =	vld [tilespmem:s30+$0x2250]  }
0x76: {  	v59 =	vld [tilespmem:s30+$0x4250]  }
0x77: {  	v60 =	vld [tilespmem:s30+$0x260]  }
0x78: {  	v61 =	vld [tilespmem:s30+$0x2260]  }
0x79: {  	v62 =	vld [tilespmem:s30+$0x4260]  }
0x7a: {  	v63 =	vld [tilespmem:s30+$0x270]  }
0x7b: {  	v16 =	vadd.f32 v17, v16;
	v17 =	vld [tilespmem:s30+$0x2270]  }
0x7c: {  	v19 =	vadd.f32 v58, v57  }
0x7d: {  	v26 =	vld [tilespmem:s30+$0x4270];
	v27 =	vadd.f32 v61, v60  }
0x7e: {  	v16 =	vsub.f32 v16, v56;
	v19 =	vsub.f32 v19, v59  }
0x7f: {  	v20 =	vsub.f32 v27, v62  }
0x80: {  	v16 =	vand.u32 $0x7FFFFFFF, v16;
	v19 =	vand.u32 $0x7FFFFFFF, v19;
	v17 =	vadd.f32 v17, v63  }
0x81: {  	v16 =	vadd.f32 v19, v16  }
0x82: {  	v28 =	vand.u32 $0x7FFFFFFF, v20;
	v17 =	vsub.f32 v17, v26  }
0x83: {  	v16 =	vadd.f32 v28, v16  }
0x84: {  	v17 =	vand.u32 $0x7FFFFFFF, v17  }
0x85: {  	v16 =	vadd.f32 v17, v16;
	_ =	sdelay $0x1  }
0x86: {  	[tilespmem:$0x61B0] =	vst v16  }
0x87: {  	v16 =	vld [tilespmem:s30+$0x280]  }
0x88: {  	v17 =	vld [tilespmem:s30+$0x2280]  }
0x89: {  	v29 =	vld [tilespmem:s30+$0x4280]  }
0x8a: {  	v30 =	vld [tilespmem:s30+$0x290]  }
0x8b: {  	v31 =	vld [tilespmem:s30+$0x2290]  }
0x8c: {  	v32 =	vld [tilespmem:s30+$0x4290]  }
0x8d: {  	v33 =	vld [tilespmem:s30+$0x2A0]  }
0x8e: {  	v34 =	vld [tilespmem:s30+$0x22A0]  }
0x8f: {  	v35 =	vld [tilespmem:s30+$0x42A0]  }
0x90: {  	v36 =	vld [tilespmem:s30+$0x2B0]  }
0x91: {  	v16 =	vadd.f32 v17, v16;
	v17 =	vld [tilespmem:s30+$0x22B0]  }
0x92: {  	v19 =	vadd.f32 v31, v30  }
0x93: {  	v37 =	vld [tilespmem:s30+$0x42B0];
	v38 =	vadd.f32 v34, v33  }
0x94: {  	v16 =	vsub.f32 v16, v29;
	v19 =	vsub.f32 v19, v32  }
0x95: {  	v20 =	vsub.f32 v38, v35  }
0x96: {  	v16 =	vand.u32 $0x7FFFFFFF, v16;
	v19 =	vand.u32 $0x7FFFFFFF, v19;
	v17 =	vadd.f32 v17, v36  }
0x97: {  	v16 =	vadd.f32 v19, v16  }
0x98: {  	v39 =	vand.u32 $0x7FFFFFFF, v20;
	v17 =	vsub.f32 v17, v37  }
0x99: {  	v16 =	vadd.f32 v39, v16  }
0x9a: {  	v17 =	vand.u32 $0x7FFFFFFF, v17  }
0x9b: {  	v16 =	vadd.f32 v17, v16;
	_ =	sdelay $0x1  }
0x9c: {  	[tilespmem:$0x61C0] =	vst v16  }
0x9d: {  	v16 =	vld [tilespmem:s30+$0x2C0]  }
0x9e: {  	v17 =	vld [tilespmem:s30+$0x22C0]  }
0x9f: {  	v40 =	vld [tilespmem:s30+$0x42C0]  }
0xa0: {  	v41 =	vld [tilespmem:s30+$0x2D0]  }
0xa1: {  	v42 =	vld [tilespmem:s30+$0x22D0]  }
0xa2: {  	v43 =	vld [tilespmem:s30+$0x42D0]  }
0xa3: {  	v44 =	vld [tilespmem:s30+$0x2E0]  }
0xa4: {  	v45 =	vld [tilespmem:s30+$0x22E0]  }
0xa5: {  	v46 =	vld [tilespmem:s30+$0x42E0]  }
0xa6: {  	v47 =	vld [tilespmem:s30+$0x2F0]  }
0xa7: {  	v16 =	vadd.f32 v17, v16;
	v17 =	vld [tilespmem:s30+$0x22F0]  }
0xa8: {  	v19 =	vadd.f32 v42, v41  }
0xa9: {  	v48 =	vld [tilespmem:s30+$0x42F0];
	v49 =	vadd.f32 v45, v44  }
0xaa: {  	v16 =	vsub.f32 v16, v40;
	v19 =	vsub.f32 v19, v43  }
0xab: {  	v20 =	vsub.f32 v49, v46  }
0xac: {  	v16 =	vand.u32 $0x7FFFFFFF, v16;
	v19 =	vand.u32 $0x7FFFFFFF, v19;
	v17 =	vadd.f32 v17, v47  }
0xad: {  	v16 =	vadd.f32 v19, v16  }
0xae: {  	v50 =	vand.u32 $0x7FFFFFFF, v20;
	v17 =	vsub.f32 v17, v48  }
0xaf: {  	v16 =	vadd.f32 v50, v16  }
0xb0: {  	v17 =	vand.u32 $0x7FFFFFFF, v17  }
0xb1: {  	v16 =	vadd.f32 v17, v16;
	_ =	sdelay $0x1  }
0xb2: {  	[tilespmem:$0x61D0] =	vst v16  }
0xb3: {  	v16 =	vld [tilespmem:s30+$0x300]  }
0xb4: {  	v17 =	vld [tilespmem:s30+$0x2300]  }
0xb5: {  	v51 =	vld [tilespmem:s30+$0x4300]  }
0xb6: {  	v52 =	vld [tilespmem:s30+$0x310]  }
0xb7: {  	v53 =	vld [tilespmem:s30+$0x2310]  }
0xb8: {  	v54 =	vld [tilespmem:s30+$0x4310]  }
0xb9: {  	v55 =	vld [tilespmem:s30+$0x320]  }
0xba: {  	v56 =	vld [tilespmem:s30+$0x2320]  }
0xbb: {  	v57 =	vld [tilespmem:s30+$0x4320]  }
0xbc: {  	v58 =	vld [tilespmem:s30+$0x330]  }
0xbd: {  	v16 =	vadd.f32 v17, v16;
	v17 =	vld [tilespmem:s30+$0x2330]  }
0xbe: {  	v19 =	vadd.f32 v53, v52  }
0xbf: {  	v59 =	vld [tilespmem:s30+$0x4330];
	v60 =	vadd.f32 v56, v55  }
0xc0: {  	v16 =	vsub.f32 v16, v51;
	v19 =	vsub.f32 v19, v54  }
0xc1: {  	v20 =	vsub.f32 v60, v57  }
0xc2: {  	v16 =	vand.u32 $0x7FFFFFFF, v16;
	v19 =	vand.u32 $0x7FFFFFFF, v19;
	v17 =	vadd.f32 v17, v58  }
0xc3: {  	v16 =	vadd.f32 v19, v16  }
0xc4: {  	v61 =	vand.u32 $0x7FFFFFFF, v20;
	v17 =	vsub.f32 v17, v59  }
0xc5: {  	v16 =	vadd.f32 v61, v16  }
0xc6: {  	v17 =	vand.u32 $0x7FFFFFFF, v17  }
0xc7: {  	v16 =	vadd.f32 v17, v16;
	_ =	sdelay $0x1  }
0xc8: {  	[tilespmem:$0x61E0] =	vst v16  }
0xc9: {  	v16 =	vld [tilespmem:s30+$0x340]  }
0xca: {  	v17 =	vld [tilespmem:s30+$0x2340]  }
0xcb: {  	v62 =	vld [tilespmem:s30+$0x4340]  }
0xcc: {  	v63 =	vld [tilespmem:s30+$0x350]  }
0xcd: {  	v28 =	vld [tilespmem:s30+$0x2350]  }
0xce: {  	v29 =	vld [tilespmem:s30+$0x4350]  }
0xcf: {  	v30 =	vld [tilespmem:s30+$0x360]  }
0xd0: {  	v31 =	vld [tilespmem:s30+$0x2360]  }
0xd1: {  	v32 =	vld [tilespmem:s30+$0x4360]  }
0xd2: {  	v33 =	vld [tilespmem:s30+$0x370]  }
0xd3: {  	v16 =	vadd.f32 v17, v16;
	v17 =	vld [tilespmem:s30+$0x2370]  }
0xd4: {  	v19 =	vadd.f32 v28, v63  }
0xd5: {  	v34 =	vld [tilespmem:s30+$0x4370];
	v35 =	vadd.f32 v31, v30  }
0xd6: {  	v16 =	vsub.f32 v16, v62;
	v19 =	vsub.f32 v19, v29  }
0xd7: {  	v20 =	vsub.f32 v35, v32  }
0xd8: {  	v16 =	vand.u32 $0x7FFFFFFF, v16;
	v19 =	vand.u32 $0x7FFFFFFF, v19;
	v17 =	vadd.f32 v17, v33  }
0xd9: {  	v16 =	vadd.f32 v19, v16  }
0xda: {  	v36 =	vand.u32 $0x7FFFFFFF, v20;
	v17 =	vsub.f32 v17, v34  }
0xdb: {  	v16 =	vadd.f32 v36, v16  }
0xdc: {  	v17 =	vand.u32 $0x7FFFFFFF, v17  }
0xdd: {  	v16 =	vadd.f32 v17, v16;
	_ =	sdelay $0x1  }
0xde: {  	[tilespmem:$0x61F0] =	vst v16  }
0xdf: {  	v16 =	vld [tilespmem:s30+$0x380]  }
0xe0: {  	v17 =	vld [tilespmem:s30+$0x2380]  }
0xe1: {  	v37 =	vld [tilespmem:s30+$0x4380]  }
0xe2: {  	v38 =	vld [tilespmem:s30+$0x390]  }
0xe3: {  	v39 =	vld [tilespmem:s30+$0x2390]  }
0xe4: {  	v40 =	vld [tilespmem:s30+$0x4390]  }
0xe5: {  	v41 =	vld [tilespmem:s30+$0x3A0]  }
0xe6: {  	v42 =	vld [tilespmem:s30+$0x23A0]  }
0xe7: {  	v43 =	vld [tilespmem:s30+$0x43A0]  }
0xe8: {  	v44 =	vld [tilespmem:s30+$0x3B0]  }
0xe9: {  	v16 =	vadd.f32 v17, v16;
	v17 =	vld [tilespmem:s30+$0x23B0]  }
0xea: {  	v19 =	vadd.f32 v39, v38  }
0xeb: {  	v45 =	vld [tilespmem:s30+$0x43B0];
	v46 =	vadd.f32 v42, v41  }
0xec: {  	v16 =	vsub.f32 v16, v37;
	v19 =	vsub.f32 v19, v40  }
0xed: {  	v20 =	vsub.f32 v46, v43  }
0xee: {  	v16 =	vand.u32 $0x7FFFFFFF, v16;
	v19 =	vand.u32 $0x7FFFFFFF, v19;
	v17 =	vadd.f32 v17, v44  }
0xef: {  	v16 =	vadd.f32 v19, v16  }
0xf0: {  	v47 =	vand.u32 $0x7FFFFFFF, v20;
	v17 =	vsub.f32 v17, v45  }
0xf1: {  	v16 =	vadd.f32 v47, v16  }
0xf2: {  	v17 =	vand.u32 $0x7FFFFFFF, v17  }
0xf3: {  	v16 =	vadd.f32 v17, v16;
	_ =	sdelay $0x1  }
0xf4: {  	[tilespmem:$0x6200] =	vst v16  }
0xf5: {  	v16 =	vld [tilespmem:s30+$0x3C0]  }
0xf6: {  	v17 =	vld [tilespmem:s30+$0x23C0]  }
0xf7: {  	v48 =	vld [tilespmem:s30+$0x43C0]  }
0xf8: {  	v49 =	vld [tilespmem:s30+$0x3D0]  }
0xf9: {  	v50 =	vld [tilespmem:s30+$0x23D0]  }
0xfa: {  	v51 =	vld [tilespmem:s30+$0x43D0]  }
0xfb: {  	v52 =	vld [tilespmem:s30+$0x3E0]  }
0xfc: {  	v53 =	vld [tilespmem:s30+$0x23E0]  }
0xfd: {  	v54 =	vld [tilespmem:s30+$0x43E0]  }
0xfe: {  	v55 =	vld [tilespmem:s30+$0x3F0]  }
0xff: {  	v16 =	vadd.f32 v17, v16;
	v17 =	vld [tilespmem:s30+$0x23F0]  }
0x100: {  	v19 =	vadd.f32 v50, v49  }
0x101: {  	v56 =	vld [tilespmem:s30+$0x43F0];
	v57 =	vadd.f32 v53, v52  }
0x102: {  	v16 =	vsub.f32 v16, v48;
	v19 =	vsub.f32 v19, v51  }
0x103: {  	v20 =	vsub.f32 v57, v54  }
0x104: {  	v16 =	vand.u32 $0x7FFFFFFF, v16;
	v19 =	vand.u32 $0x7FFFFFFF, v19;
	v17 =	vadd.f32 v17, v55  }
0x105: {  	v16 =	vadd.f32 v19, v16  }
0x106: {  	v58 =	vand.u32 $0x7FFFFFFF, v20;
	v17 =	vsub.f32 v17, v56  }
0x107: {  	v16 =	vadd.f32 v58, v16  }
0x108: {  	v17 =	vand.u32 $0x7FFFFFFF, v17  }
0x109: {  	v16 =	vadd.f32 v17, v16;
	_ =	sdelay $0x1  }
0x10a: {  	[tilespmem:$0x6210] =	vst v16  }
0x10b: {  	v16 =	vld [tilespmem:s30+$0x400]  }
0x10c: {  	v17 =	vld [tilespmem:s30+$0x2400]  }
0x10d: {  	v59 =	vld [tilespmem:s30+$0x4400]  }
0x10e: {  	v60 =	vld [tilespmem:s30+$0x410]  }
0x10f: {  	v61 =	vld [tilespmem:s30+$0x2410]  }
0x110: {  	v62 =	vld [tilespmem:s30+$0x4410]  }
0x111: {  	v63 =	vld [tilespmem:s30+$0x420]  }
0x112: {  	v28 =	vld [tilespmem:s30+$0x2420]  }
0x113: {  	v29 =	vld [tilespmem:s30+$0x4420]  }
0x114: {  	v30 =	vld [tilespmem:s30+$0x430]  }
0x115: {  	v16 =	vadd.f32 v17, v16;
	v17 =	vld [tilespmem:s30+$0x2430]  }
0x116: {  	v19 =	vadd.f32 v61, v60  }
0x117: {  	v31 =	vld [tilespmem:s30+$0x4430];
	v32 =	vadd.f32 v28, v63  }
0x118: {  	v16 =	vsub.f32 v16, v59;
	v19 =	vsub.f32 v19, v62  }
0x119: {  	v20 =	vsub.f32 v32, v29  }
0x11a: {  	v16 =	vand.u32 $0x7FFFFFFF, v16;
	v19 =	vand.u32 $0x7FFFFFFF, v19;
	v17 =	vadd.f32 v17, v30  }
0x11b: {  	v16 =	vadd.f32 v19, v16  }
0x11c: {  	v33 =	vand.u32 $0x7FFFFFFF, v20;
	v17 =	vsub.f32 v17, v31  }
0x11d: {  	v16 =	vadd.f32 v33, v16  }
0x11e: {  	v17 =	vand.u32 $0x7FFFFFFF, v17  }
0x11f: {  	v16 =	vadd.f32 v17, v16;
	_ =	sdelay $0x1  }
0x120: {  	[tilespmem:$0x6220] =	vst v16  }
0x121: {  	v16 =	vld [tilespmem:s30+$0x440]  }
0x122: {  	v17 =	vld [tilespmem:s30+$0x2440]  }
0x123: {  	v34 =	vld [tilespmem:s30+$0x4440]  }
0x124: {  	v35 =	vld [tilespmem:s30+$0x450]  }
0x125: {  	v36 =	vld [tilespmem:s30+$0x2450]  }
0x126: {  	v37 =	vld [tilespmem:s30+$0x4450]  }
0x127: {  	v38 =	vld [tilespmem:s30+$0x460]  }
0x128: {  	v39 =	vld [tilespmem:s30+$0x2460]  }
0x129: {  	v40 =	vld [tilespmem:s30+$0x4460]  }
0x12a: {  	v41 =	vld [tilespmem:s30+$0x470]  }
0x12b: {  	v16 =	vadd.f32 v17, v16;
	v17 =	vld [tilespmem:s30+$0x2470]  }
0x12c: {  	v19 =	vadd.f32 v36, v35  }
0x12d: {  	v42 =	vld [tilespmem:s30+$0x4470];
	v43 =	vadd.f32 v39, v38  }
0x12e: {  	v16 =	vsub.f32 v16, v34;
	v19 =	vsub.f32 v19, v37  }
0x12f: {  	v20 =	vsub.f32 v43, v40  }
0x130: {  	v16 =	vand.u32 $0x7FFFFFFF, v16;
	v19 =	vand.u32 $0x7FFFFFFF, v19;
	v17 =	vadd.f32 v17, v41  }
0x131: {  	v16 =	vadd.f32 v19, v16  }
0x132: {  	v44 =	vand.u32 $0x7FFFFFFF, v20;
	v17 =	vsub.f32 v17, v42  }
0x133: {  	v16 =	vadd.f32 v44, v16  }
0x134: {  	v17 =	vand.u32 $0x7FFFFFFF, v17  }
0x135: {  	v16 =	vadd.f32 v17, v16;
	_ =	sdelay $0x1  }
0x136: {  	[tilespmem:$0x6230] =	vst v16  }
0x137: {  	v16 =	vld [tilespmem:s30+$0x480]  }
0x138: {  	v17 =	vld [tilespmem:s30+$0x2480]  }
0x139: {  	v45 =	vld [tilespmem:s30+$0x4480]  }
0x13a: {  	v46 =	vld [tilespmem:s30+$0x490]  }
0x13b: {  	v47 =	vld [tilespmem:s30+$0x2490]  }
0x13c: {  	v48 =	vld [tilespmem:s30+$0x4490]  }
0x13d: {  	v49 =	vld [tilespmem:s30+$0x4A0]  }
0x13e: {  	v50 =	vld [tilespmem:s30+$0x24A0]  }
0x13f: {  	v51 =	vld [tilespmem:s30+$0x44A0]  }
0x140: {  	v52 =	vld [tilespmem:s30+$0x4B0]  }
0x141: {  	v16 =	vadd.f32 v17, v16;
	v17 =	vld [tilespmem:s30+$0x24B0]  }
0x142: {  	v19 =	vadd.f32 v47, v46  }
0x143: {  	v53 =	vld [tilespmem:s30+$0x44B0];
	v54 =	vadd.f32 v50, v49  }
0x144: {  	v16 =	vsub.f32 v16, v45;
	v19 =	vsub.f32 v19, v48  }
0x145: {  	v20 =	vsub.f32 v54, v51  }
0x146: {  	v16 =	vand.u32 $0x7FFFFFFF, v16;
	v19 =	vand.u32 $0x7FFFFFFF, v19;
	v17 =	vadd.f32 v17, v52  }
0x147: {  	v16 =	vadd.f32 v19, v16  }
0x148: {  	v55 =	vand.u32 $0x7FFFFFFF, v20;
	v17 =	vsub.f32 v17, v53  }
0x149: {  	v16 =	vadd.f32 v55, v16  }
0x14a: {  	v17 =	vand.u32 $0x7FFFFFFF, v17  }
0x14b: {  	v16 =	vadd.f32 v17, v16;
	_ =	sdelay $0x1  }
0x14c: {  	[tilespmem:$0x6240] =	vst v16  }
0x14d: {  	v16 =	vld [tilespmem:s30+$0x4C0]  }
0x14e: {  	v17 =	vld [tilespmem:s30+$0x24C0]  }
0x14f: {  	v56 =	vld [tilespmem:s30+$0x44C0]  }
0x150: {  	v57 =	vld [tilespmem:s30+$0x4D0]  }
0x151: {  	v58 =	vld [tilespmem:s30+$0x24D0]  }
0x152: {  	v59 =	vld [tilespmem:s30+$0x44D0]  }
0x153: {  	v60 =	vld [tilespmem:s30+$0x4E0]  }
0x154: {  	v61 =	vld [tilespmem:s30+$0x24E0]  }
0x155: {  	v62 =	vld [tilespmem:s30+$0x44E0]  }
0x156: {  	v63 =	vld [tilespmem:s30+$0x4F0]  }
0x157: {  	v16 =	vadd.f32 v17, v16;
	v17 =	vld [tilespmem:s30+$0x24F0]  }
0x158: {  	v19 =	vadd.f32 v58, v57  }
0x159: {  	v27 =	vld [tilespmem:s30+$0x44F0];
	v28 =	vadd.f32 v61, v60  }
0x15a: {  	v16 =	vsub.f32 v16, v56;
	v19 =	vsub.f32 v19, v59  }
0x15b: {  	v20 =	vsub.f32 v28, v62  }
0x15c: {  	v16 =	vand.u32 $0x7FFFFFFF, v16;
	v19 =	vand.u32 $0x7FFFFFFF, v19;
	v17 =	vadd.f32 v17, v63  }
0x15d: {  	v16 =	vadd.f32 v19, v16  }
0x15e: {  	v29 =	vand.u32 $0x7FFFFFFF, v20;
	v17 =	vsub.f32 v17, v27  }
0x15f: {  	v16 =	vadd.f32 v29, v16  }
0x160: {  	v17 =	vand.u32 $0x7FFFFFFF, v17  }
0x161: {  	v16 =	vadd.f32 v17, v16;
	_ =	sdelay $0x1  }
0x162: {  	[tilespmem:$0x6250] =	vst v16  }
0x163: {  	v16 =	vld [tilespmem:s30+$0x500]  }
0x164: {  	v17 =	vld [tilespmem:s30+$0x2500]  }
0x165: {  	v30 =	vld [tilespmem:s30+$0x4500]  }
0x166: {  	v31 =	vld [tilespmem:s30+$0x510]  }
0x167: {  	v32 =	vld [tilespmem:s30+$0x2510]  }
0x168: {  	v33 =	vld [tilespmem:s30+$0x4510]  }
0x169: {  	v34 =	vld [tilespmem:s30+$0x520]  }
0x16a: {  	v35 =	vld [tilespmem:s30+$0x2520]  }
0x16b: {  	v36 =	vld [tilespmem:s30+$0x4520]  }
0x16c: {  	v37 =	vld [tilespmem:s30+$0x530]  }
0x16d: {  	v16 =	vadd.f32 v17, v16;
	v17 =	vld [tilespmem:s30+$0x2530]  }
0x16e: {  	v19 =	vadd.f32 v32, v31  }
0x16f: {  	v38 =	vld [tilespmem:s30+$0x4530];
	v39 =	vadd.f32 v35, v34  }
0x170: {  	v16 =	vsub.f32 v16, v30;
	v19 =	vsub.f32 v19, v33  }
0x171: {  	v20 =	vsub.f32 v39, v36  }
0x172: {  	v16 =	vand.u32 $0x7FFFFFFF, v16;
	v19 =	vand.u32 $0x7FFFFFFF, v19;
	v17 =	vadd.f32 v17, v37  }
0x173: {  	v16 =	vadd.f32 v19, v16  }
0x174: {  	v40 =	vand.u32 $0x7FFFFFFF, v20;
	v17 =	vsub.f32 v17, v38  }
0x175: {  	v16 =	vadd.f32 v40, v16  }
0x176: {  	v17 =	vand.u32 $0x7FFFFFFF, v17  }
0x177: {  	v16 =	vadd.f32 v17, v16;
	_ =	sdelay $0x1  }
0x178: {  	[tilespmem:$0x6260] =	vst v16  }
0x179: {  	v16 =	vld [tilespmem:s30+$0x540]  }
0x17a: {  	v17 =	vld [tilespmem:s30+$0x2540]  }
0x17b: {  	v41 =	vld [tilespmem:s30+$0x4540]  }
0x17c: {  	v42 =	vld [tilespmem:s30+$0x550]  }
0x17d: {  	v43 =	vld [tilespmem:s30+$0x2550]  }
0x17e: {  	v44 =	vld [tilespmem:s30+$0x4550]  }
0x17f: {  	v45 =	vld [tilespmem:s30+$0x560]  }
0x180: {  	v46 =	vld [tilespmem:s30+$0x2560]  }
0x181: {  	v48 =	vld [tilespmem:s30+$0x570]  }
0x182: {  	v26 =	vld [tilespmem:s30+$0x2570]  }
0x183: {  	v47 =	vld [tilespmem:s30+$0x4560]  }
0x184: {  	v16 =	vadd.f32 v17, v16;
	v17 =	vadd.f32 v43, v42  }
0x185: {  	v50 =	vld [tilespmem:s30+$0x4570];
	v49 =	vadd.f32 v46, v45  }
0x186: {  	v16 =	vsub.f32 v16, v41;
	v17 =	vsub.f32 v17, v44  }
0x187: {  	v52 =	vadd.f32 v26, v48  }
0x188: {  	v51 =	vsub.f32 v49, v47;
	v16 =	vand.u32 $0x7FFFFFFF, v16;
	v17 =	vand.u32 $0x7FFFFFFF, v17  }
0x189: {  	v16 =	vadd.f32 v17, v16  }
0x18a: {  	v53 =	vsub.f32 v52, v50;
	v17 =	vand.u32 $0x7FFFFFFF, v51  }
0x18b: {  	v16 =	vadd.f32 v17, v16  }
0x18c: {  	v17 =	vand.u32 $0x7FFFFFFF, v53  }
0x18d: {  	v16 =	vadd.f32 v17, v16;
	_ =	sdelay $0x1  }
0x18e: {  	[tilespmem:$0x6270] =	vst v16  }
0x18f: {  	v16 =	vld.idx.msk [tilespmem:v0+s22+$0x0], $0xffff  }
0x190: {  	v17 =	vld.idx.msk [tilespmem:v1+s22+$0x0], $0xffff;
	_ =	sdelay $0x1  }
0x191: {  	v54 =	vld.idx.msk [tilespmem:v2+s22+$0x0], $0xffff;
	_ =	sdelay $0x1  }
0x192: {  	v55 =	vld.idx.msk [tilespmem:v3+s22+$0x0], $0xffff  }
0x193: {  	v16 =	vadd.f32 v17, v16  }
0x194: {  	v17 =	vld.idx.msk [tilespmem:v4+s22+$0x0], $0xffff  }
0x195: {  	v16 =	vadd.f32 v54, v16  }
0x196: {  	v56 =	vld.idx.msk [tilespmem:v5+s22+$0x0], $0xffff  }
0x197: {  	v16 =	vadd.f32 v55, v16  }
0x198: {  	v57 =	vld.idx.msk [tilespmem:v6+s22+$0x0], $0xffff  }
0x199: {  	v16 =	vadd.f32 v17, v16  }
0x19a: {  	v17 =	vld.idx.msk [tilespmem:v7+s22+$0x0], $0xffff  }
0x19b: {  	v16 =	vadd.f32 v56, v16  }
0x19c: {  	v58 =	vld.idx.msk [tilespmem:v8+s22+$0x0], $0xffff  }
0x19d: {  	v16 =	vadd.f32 v57, v16  }
0x19e: {  	v59 =	vld.idx.msk [tilespmem:v9+s22+$0x0], $0xffff  }
0x19f: {  	v16 =	vadd.f32 v17, v16  }
0x1a0: {  	v17 =	vld.idx.msk [tilespmem:v10+s22+$0x0], $0xffff  }
0x1a1: {  	v16 =	vadd.f32 v58, v16  }
0x1a2: {  	v60 =	vld.idx.msk [tilespmem:v11+s22+$0x0], $0xffff  }
0x1a3: {  	v16 =	vadd.f32 v59, v16  }
0x1a4: {  	v61 =	vld.idx.msk [tilespmem:v12+s22+$0x0], $0xffff  }
0x1a5: {  	v16 =	vadd.f32 v17, v16  }
0x1a6: {  	v17 =	vld.idx.msk [tilespmem:v13+s22+$0x0], $0xffff  }
0x1a7: {  	v16 =	vadd.f32 v60, v16  }
0x1a8: {  	v62 =	vld.idx.msk [tilespmem:v14+s22+$0x0], $0xffff  }
0x1a9: {  	v16 =	vadd.f32 v61, v16  }
0x1aa: {  	v63 =	vld.idx.msk [tilespmem:v15+s22+$0x0], $0xffff  }
0x1ab: {  	v16 =	vadd.f32 v17, v16  }
0x1ac: {  	p0 =	sne.s32 s28, $0x7000  }
.Ltmp0:
0x1ad: {  	v16 =	vadd.f32 v62, v16;
	(pc) =	sbr.rel @p0 .LBB2_3-.Ltmp0, $3  }
0x1ae: {  	_ = 	snop  }
0x1af: {  	v16 =	vadd.f32 v63, v16;
	_ =	sdelay $0x1  }
0x1b0: {  	s28 =	sadd.s32 $0x1000, s28;
	[tilespmem:s29+$0x0] =	vst v16;
	s29 =	sadd.s32 $0x10, s29  }
0x1b1: {  	s26 =	sadd.s32 $0x1, s26  }
0x1b2: {  	p0 =	sne.s32 s26, $0x4  }
.Ltmp1:
0x1b3: {  	s28 =	sadd.s32 s1, s25;
	s25 =	simm.s32 $0x0;
	(pc) =	sbr.rel @p0 .LBB2_2-.Ltmp1, $4  }
0x1b4: {  	[hbm4b:s28+s25] =	stream.linear.scatter [tilespmem:s23], [sflag:$0x2], $0x80, $0x38;
	[tilespmem:$0x6300] =	vst v63  }
0x1b5: {  	_ =	swait.ge [sflag:s15], $0x80  }
0x1b6: {  	[sflag:s15] =	ssyncset.done $0x0  }
0x1b7: {  	[sflag:s15] =	ssyncadd.s32 $0xFFFFFF80  }
0x1b8: {  	s26 =	simm.s32 $0x0  }
.LBB2_6:
0x1b9: {  	s28 =	sshll.u32 s26, $0x7  }
0x1ba: {  	s28 =	sadd.s32 s9, s28  }
0x1bb: {  	s28 =	sshrl.u32 s28, $0x3  }
0x1bc: {  	s29 =	sadd.s32 s6, s28  }
0x1bd: {  	[tilespmem:s25], [sflag:$0x2] =	stream.linear.gather [hbm4b:s29+s25], $0x80, $0x38;
	[tilespmem:$0x6300] =	vst v63  }
0x1be: {  	_ =	swait.ge [sflag:s15], $0x80  }
0x1bf: {  	[sflag:s15] =	ssyncset.done $0x0  }
0x1c0: {  	s29 =	sadd.s32 s28, s12;
	[sflag:s15] =	ssyncadd.s32 $0xFFFFFF80  }
0x1c1: {  	[tilespmem:s16], [sflag:$0x2] =	stream.linear.gather [hbm4b:s29+s25], $0x80, $0x38;
	[tilespmem:$0x6300] =	vst v63  }
0x1c2: {  	_ =	swait.ge [sflag:s15], $0x80  }
0x1c3: {  	[sflag:s15] =	ssyncset.done $0x0  }
0x1c4: {  	s29 =	sadd.s32 s28, s13;
	[sflag:s15] =	ssyncadd.s32 $0xFFFFFF80  }
0x1c5: {  	[tilespmem:s17], [sflag:$0x2] =	stream.linear.gather [hbm4b:s29+s25], $0x80, $0x38;
	[tilespmem:$0x6300] =	vst v63  }
0x1c6: {  	_ =	swait.ge [sflag:s15], $0x80  }
0x1c7: {  	[sflag:s15] =	ssyncset.done $0x0  }
0x1c8: {  	[sflag:s15] =	ssyncadd.s32 $0xFFFFFF80  }
0x1c9: {  	[tilespmem:s18], [sflag:$0x1] =	stream.indirect.gather [hbm4b:s7+s16], $0x40, s25, s16, $0xb8;
	[tilespmem:$0x6300] =	vst v63  }
0x1ca: {  	_ = 	snop  }
0x1cb: {  	[tilespmem:s19], [sflag:$0x1] =	stream.indirect.gather [hbm4b:s8+s16], $0x40, s16, s16, $0xb8;
	[tilespmem:$0x6300] =	vst v63  }
0x1cc: {  	_ = 	snop  }
0x1cd: {  	[tilespmem:s20], [sflag:$0x1] =	stream.indirect.gather [hbm4b:s7+s16], $0x40, s17, s16, $0xb8;
	[tilespmem:$0x6300] =	vst v63  }
0x1ce: {  	_ =	swait.ge [sflag:s21], $0x2000  }
0x1cf: {  	[sflag:s21] =	ssyncset.done $0x0  }
0x1d0: {  	[sflag:s21] =	ssyncadd.s32 $0xFFFFE000  }
0x1d1: {  	_ =	swait.ge [sflag:s21], $0x2000  }
0x1d2: {  	[sflag:s21] =	ssyncset.done $0x0  }
0x1d3: {  	[sflag:s21] =	ssyncadd.s32 $0xFFFFE000  }
0x1d4: {  	_ =	swait.ge [sflag:s21], $0x2000  }
0x1d5: {  	[sflag:s21] =	ssyncset.done $0x0  }
0x1d6: {  	s30 =	simm.s32 $0x0;
	s29 =	simm.s32 $0x6280;
	[sflag:s21] =	ssyncadd.s32 $0xFFFFE000  }
.LBB2_7:
0x1d7: {  	s31 =	sshra.s32 s30, $0x2  }
0x1d8: {  	v16 =	vld [tilespmem:s31+$0x180]  }
0x1d9: {  	v17 =	vld [tilespmem:s31+$0x2180]  }
0x1da: {  	v18 =	vld [tilespmem:s31+$0x4180]  }
0x1db: {  	v19 =	vld [tilespmem:s31+$0x190]  }
0x1dc: {  	v20 =	vld [tilespmem:s31+$0x2190]  }
0x1dd: {  	v21 =	vld [tilespmem:s31+$0x4190]  }
0x1de: {  	v22 =	vld [tilespmem:s31+$0x1A0]  }
0x1df: {  	v23 =	vld [tilespmem:s31+$0x21A0]  }
0x1e0: {  	v24 =	vld [tilespmem:s31+$0x41A0]  }
0x1e1: {  	v25 =	vld [tilespmem:s31+$0x1B0]  }
0x1e2: {  	v16 =	vadd.f32 v17, v16;
	v17 =	vld [tilespmem:s31+$0x21B0]  }
0x1e3: {  	v19 =	vadd.f32 v20, v19  }
0x1e4: {  	v31 =	vld [tilespmem:s31+$0x41B0];
	v32 =	vadd.f32 v23, v22  }
0x1e5: {  	v16 =	vsub.f32 v16, v18;
	v19 =	vsub.f32 v19, v21  }
0x1e6: {  	v20 =	vsub.f32 v32, v24  }
0x1e7: {  	v16 =	vand.u32 $0x7FFFFFFF, v16;
	v19 =	vand.u32 $0x7FFFFFFF, v19;
	v17 =	vadd.f32 v17, v25  }
0x1e8: {  	v16 =	vadd.f32 v19, v16  }
0x1e9: {  	v33 =	vand.u32 $0x7FFFFFFF, v20;
	v17 =	vsub.f32 v17, v31  }
0x1ea: {  	v16 =	vadd.f32 v33, v16  }
0x1eb: {  	v17 =	vand.u32 $0x7FFFFFFF, v17  }
0x1ec: {  	v16 =	vadd.f32 v17, v16;
	_ =	sdelay $0x1  }
0x1ed: {  	[tilespmem:$0x6180] =	vst v16  }
0x1ee: {  	v16 =	vld [tilespmem:s31+$0x1C0]  }
0x1ef: {  	v17 =	vld [tilespmem:s31+$0x21C0]  }
0x1f0: {  	v34 =	vld [tilespmem:s31+$0x41C0]  }
0x1f1: {  	v35 =	vld [tilespmem:s31+$0x1D0]  }
0x1f2: {  	v36 =	vld [tilespmem:s31+$0x21D0]  }
0x1f3: {  	v37 =	vld [tilespmem:s31+$0x41D0]  }
0x1f4: {  	v38 =	vld [tilespmem:s31+$0x1E0]  }
0x1f5: {  	v39 =	vld [tilespmem:s31+$0x21E0]  }
0x1f6: {  	v40 =	vld [tilespmem:s31+$0x41E0]  }
0x1f7: {  	v41 =	vld [tilespmem:s31+$0x1F0]  }
0x1f8: {  	v16 =	vadd.f32 v17, v16;
	v17 =	vld [tilespmem:s31+$0x21F0]  }
0x1f9: {  	v19 =	vadd.f32 v36, v35  }
0x1fa: {  	v42 =	vld [tilespmem:s31+$0x41F0];
	v43 =	vadd.f32 v39, v38  }
0x1fb: {  	v16 =	vsub.f32 v16, v34;
	v19 =	vsub.f32 v19, v37  }
0x1fc: {  	v20 =	vsub.f32 v43, v40  }
0x1fd: {  	v16 =	vand.u32 $0x7FFFFFFF, v16;
	v19 =	vand.u32 $0x7FFFFFFF, v19;
	v17 =	vadd.f32 v17, v41  }
0x1fe: {  	v16 =	vadd.f32 v19, v16  }
0x1ff: {  	v44 =	vand.u32 $0x7FFFFFFF, v20;
	v17 =	vsub.f32 v17, v42  }
0x200: {  	v16 =	vadd.f32 v44, v16  }
0x201: {  	v17 =	vand.u32 $0x7FFFFFFF, v17  }
0x202: {  	v16 =	vadd.f32 v17, v16;
	_ =	sdelay $0x1  }
0x203: {  	[tilespmem:$0x6190] =	vst v16  }
0x204: {  	v16 =	vld [tilespmem:s31+$0x200]  }
0x205: {  	v17 =	vld [tilespmem:s31+$0x2200]  }
0x206: {  	v45 =	vld [tilespmem:s31+$0x4200]  }
0x207: {  	v46 =	vld [tilespmem:s31+$0x210]  }
0x208: {  	v47 =	vld [tilespmem:s31+$0x2210]  }
0x209: {  	v48 =	vld [tilespmem:s31+$0x4210]  }
0x20a: {  	v49 =	vld [tilespmem:s31+$0x220]  }
0x20b: {  	v50 =	vld [tilespmem:s31+$0x2220]  }
0x20c: {  	v51 =	vld [tilespmem:s31+$0x4220]  }
0x20d: {  	v52 =	vld [tilespmem:s31+$0x230]  }
0x20e: {  	v16 =	vadd.f32 v17, v16;
	v17 =	vld [tilespmem:s31+$0x2230]  }
0x20f: {  	v19 =	vadd.f32 v47, v46  }
0x210: {  	v53 =	vld [tilespmem:s31+$0x4230];
	v54 =	vadd.f32 v50, v49  }
0x211: {  	v16 =	vsub.f32 v16, v45;
	v19 =	vsub.f32 v19, v48  }
0x212: {  	v20 =	vsub.f32 v54, v51  }
0x213: {  	v16 =	vand.u32 $0x7FFFFFFF, v16;
	v19 =	vand.u32 $0x7FFFFFFF, v19;
	v17 =	vadd.f32 v17, v52  }
0x214: {  	v16 =	vadd.f32 v19, v16  }
0x215: {  	v55 =	vand.u32 $0x7FFFFFFF, v20;
	v17 =	vsub.f32 v17, v53  }
0x216: {  	v16 =	vadd.f32 v55, v16  }
0x217: {  	v17 =	vand.u32 $0x7FFFFFFF, v17  }
0x218: {  	v16 =	vadd.f32 v17, v16;
	_ =	sdelay $0x1  }
0x219: {  	[tilespmem:$0x61A0] =	vst v16  }
0x21a: {  	v16 =	vld [tilespmem:s31+$0x240]  }
0x21b: {  	v17 =	vld [tilespmem:s31+$0x2240]  }
0x21c: {  	v56 =	vld [tilespmem:s31+$0x4240]  }
0x21d: {  	v57 =	vld [tilespmem:s31+$0x250]  }
0x21e: {  	v58 =	vld [tilespmem:s31+$0x2250]  }
0x21f: {  	v59 =	vld [tilespmem:s31+$0x4250]  }
0x220: {  	v60 =	vld [tilespmem:s31+$0x260]  }
0x221: {  	v61 =	vld [tilespmem:s31+$0x2260]  }
0x222: {  	v62 =	vld [tilespmem:s31+$0x4260]  }
0x223: {  	v63 =	vld [tilespmem:s31+$0x270]  }
0x224: {  	v16 =	vadd.f32 v17, v16;
	v17 =	vld [tilespmem:s31+$0x2270]  }
0x225: {  	v19 =	vadd.f32 v58, v57  }
0x226: {  	v26 =	vld [tilespmem:s31+$0x4270];
	v27 =	vadd.f32 v61, v60  }
0x227: {  	v16 =	vsub.f32 v16, v56;
	v19 =	vsub.f32 v19, v59  }
0x228: {  	v20 =	vsub.f32 v27, v62  }
0x229: {  	v16 =	vand.u32 $0x7FFFFFFF, v16;
	v19 =	vand.u32 $0x7FFFFFFF, v19;
	v17 =	vadd.f32 v17, v63  }
0x22a: {  	v16 =	vadd.f32 v19, v16  }
0x22b: {  	v28 =	vand.u32 $0x7FFFFFFF, v20;
	v17 =	vsub.f32 v17, v26  }
0x22c: {  	v16 =	vadd.f32 v28, v16  }
0x22d: {  	v17 =	vand.u32 $0x7FFFFFFF, v17  }
0x22e: {  	v16 =	vadd.f32 v17, v16;
	_ =	sdelay $0x1  }
0x22f: {  	[tilespmem:$0x61B0] =	vst v16  }
0x230: {  	v16 =	vld [tilespmem:s31+$0x280]  }
0x231: {  	v17 =	vld [tilespmem:s31+$0x2280]  }
0x232: {  	v29 =	vld [tilespmem:s31+$0x4280]  }
0x233: {  	v30 =	vld [tilespmem:s31+$0x290]  }
0x234: {  	v31 =	vld [tilespmem:s31+$0x2290]  }
0x235: {  	v32 =	vld [tilespmem:s31+$0x4290]  }
0x236: {  	v33 =	vld [tilespmem:s31+$0x2A0]  }
0x237: {  	v34 =	vld [tilespmem:s31+$0x22A0]  }
0x238: {  	v35 =	vld [tilespmem:s31+$0x42A0]  }
0x239: {  	v36 =	vld [tilespmem:s31+$0x2B0]  }
0x23a: {  	v16 =	vadd.f32 v17, v16;
	v17 =	vld [tilespmem:s31+$0x22B0]  }
0x23b: {  	v19 =	vadd.f32 v31, v30  }
0x23c: {  	v37 =	vld [tilespmem:s31+$0x42B0];
	v38 =	vadd.f32 v34, v33  }
0x23d: {  	v16 =	vsub.f32 v16, v29;
	v19 =	vsub.f32 v19, v32  }
0x23e: {  	v20 =	vsub.f32 v38, v35  }
0x23f: {  	v16 =	vand.u32 $0x7FFFFFFF, v16;
	v19 =	vand.u32 $0x7FFFFFFF, v19;
	v17 =	vadd.f32 v17, v36  }
0x240: {  	v16 =	vadd.f32 v19, v16  }
0x241: {  	v39 =	vand.u32 $0x7FFFFFFF, v20;
	v17 =	vsub.f32 v17, v37  }
0x242: {  	v16 =	vadd.f32 v39, v16  }
0x243: {  	v17 =	vand.u32 $0x7FFFFFFF, v17  }
0x244: {  	v16 =	vadd.f32 v17, v16;
	_ =	sdelay $0x1  }
0x245: {  	[tilespmem:$0x61C0] =	vst v16  }
0x246: {  	v16 =	vld [tilespmem:s31+$0x2C0]  }
0x247: {  	v17 =	vld [tilespmem:s31+$0x22C0]  }
0x248: {  	v40 =	vld [tilespmem:s31+$0x42C0]  }
0x249: {  	v41 =	vld [tilespmem:s31+$0x2D0]  }
0x24a: {  	v42 =	vld [tilespmem:s31+$0x22D0]  }
0x24b: {  	v43 =	vld [tilespmem:s31+$0x42D0]  }
0x24c: {  	v44 =	vld [tilespmem:s31+$0x2E0]  }
0x24d: {  	v45 =	vld [tilespmem:s31+$0x22E0]  }
0x24e: {  	v46 =	vld [tilespmem:s31+$0x42E0]  }
0x24f: {  	v47 =	vld [tilespmem:s31+$0x2F0]  }
0x250: {  	v16 =	vadd.f32 v17, v16;
	v17 =	vld [tilespmem:s31+$0x22F0]  }
0x251: {  	v19 =	vadd.f32 v42, v41  }
0x252: {  	v48 =	vld [tilespmem:s31+$0x42F0];
	v49 =	vadd.f32 v45, v44  }
0x253: {  	v16 =	vsub.f32 v16, v40;
	v19 =	vsub.f32 v19, v43  }
0x254: {  	v20 =	vsub.f32 v49, v46  }
0x255: {  	v16 =	vand.u32 $0x7FFFFFFF, v16;
	v19 =	vand.u32 $0x7FFFFFFF, v19;
	v17 =	vadd.f32 v17, v47  }
0x256: {  	v16 =	vadd.f32 v19, v16  }
0x257: {  	v50 =	vand.u32 $0x7FFFFFFF, v20;
	v17 =	vsub.f32 v17, v48  }
0x258: {  	v16 =	vadd.f32 v50, v16  }
0x259: {  	v17 =	vand.u32 $0x7FFFFFFF, v17  }
0x25a: {  	v16 =	vadd.f32 v17, v16;
	_ =	sdelay $0x1  }
0x25b: {  	[tilespmem:$0x61D0] =	vst v16  }
0x25c: {  	v16 =	vld [tilespmem:s31+$0x300]  }
0x25d: {  	v17 =	vld [tilespmem:s31+$0x2300]  }
0x25e: {  	v51 =	vld [tilespmem:s31+$0x4300]  }
0x25f: {  	v52 =	vld [tilespmem:s31+$0x310]  }
0x260: {  	v53 =	vld [tilespmem:s31+$0x2310]  }
0x261: {  	v54 =	vld [tilespmem:s31+$0x4310]  }
0x262: {  	v55 =	vld [tilespmem:s31+$0x320]  }
0x263: {  	v56 =	vld [tilespmem:s31+$0x2320]  }
0x264: {  	v57 =	vld [tilespmem:s31+$0x4320]  }
0x265: {  	v58 =	vld [tilespmem:s31+$0x330]  }
0x266: {  	v16 =	vadd.f32 v17, v16;
	v17 =	vld [tilespmem:s31+$0x2330]  }
0x267: {  	v19 =	vadd.f32 v53, v52  }
0x268: {  	v59 =	vld [tilespmem:s31+$0x4330];
	v60 =	vadd.f32 v56, v55  }
0x269: {  	v16 =	vsub.f32 v16, v51;
	v19 =	vsub.f32 v19, v54  }
0x26a: {  	v20 =	vsub.f32 v60, v57  }
0x26b: {  	v16 =	vand.u32 $0x7FFFFFFF, v16;
	v19 =	vand.u32 $0x7FFFFFFF, v19;
	v17 =	vadd.f32 v17, v58  }
0x26c: {  	v16 =	vadd.f32 v19, v16  }
0x26d: {  	v61 =	vand.u32 $0x7FFFFFFF, v20;
	v17 =	vsub.f32 v17, v59  }
0x26e: {  	v16 =	vadd.f32 v61, v16  }
0x26f: {  	v17 =	vand.u32 $0x7FFFFFFF, v17  }
0x270: {  	v16 =	vadd.f32 v17, v16;
	_ =	sdelay $0x1  }
0x271: {  	[tilespmem:$0x61E0] =	vst v16  }
0x272: {  	v16 =	vld [tilespmem:s31+$0x340]  }
0x273: {  	v17 =	vld [tilespmem:s31+$0x2340]  }
0x274: {  	v62 =	vld [tilespmem:s31+$0x4340]  }
0x275: {  	v63 =	vld [tilespmem:s31+$0x350]  }
0x276: {  	v28 =	vld [tilespmem:s31+$0x2350]  }
0x277: {  	v29 =	vld [tilespmem:s31+$0x4350]  }
0x278: {  	v30 =	vld [tilespmem:s31+$0x360]  }
0x279: {  	v31 =	vld [tilespmem:s31+$0x2360]  }
0x27a: {  	v32 =	vld [tilespmem:s31+$0x4360]  }
0x27b: {  	v33 =	vld [tilespmem:s31+$0x370]  }
0x27c: {  	v16 =	vadd.f32 v17, v16;
	v17 =	vld [tilespmem:s31+$0x2370]  }
0x27d: {  	v19 =	vadd.f32 v28, v63  }
0x27e: {  	v34 =	vld [tilespmem:s31+$0x4370];
	v35 =	vadd.f32 v31, v30  }
0x27f: {  	v16 =	vsub.f32 v16, v62;
	v19 =	vsub.f32 v19, v29  }
0x280: {  	v20 =	vsub.f32 v35, v32  }
0x281: {  	v16 =	vand.u32 $0x7FFFFFFF, v16;
	v19 =	vand.u32 $0x7FFFFFFF, v19;
	v17 =	vadd.f32 v17, v33  }
0x282: {  	v16 =	vadd.f32 v19, v16  }
0x283: {  	v36 =	vand.u32 $0x7FFFFFFF, v20;
	v17 =	vsub.f32 v17, v34  }
0x284: {  	v16 =	vadd.f32 v36, v16  }
0x285: {  	v17 =	vand.u32 $0x7FFFFFFF, v17  }
0x286: {  	v16 =	vadd.f32 v17, v16;
	_ =	sdelay $0x1  }
0x287: {  	[tilespmem:$0x61F0] =	vst v16  }
0x288: {  	v16 =	vld [tilespmem:s31+$0x380]  }
0x289: {  	v17 =	vld [tilespmem:s31+$0x2380]  }
0x28a: {  	v37 =	vld [tilespmem:s31+$0x4380]  }
0x28b: {  	v38 =	vld [tilespmem:s31+$0x390]  }
0x28c: {  	v39 =	vld [tilespmem:s31+$0x2390]  }
0x28d: {  	v40 =	vld [tilespmem:s31+$0x4390]  }
0x28e: {  	v41 =	vld [tilespmem:s31+$0x3A0]  }
0x28f: {  	v42 =	vld [tilespmem:s31+$0x23A0]  }
0x290: {  	v43 =	vld [tilespmem:s31+$0x43A0]  }
0x291: {  	v44 =	vld [tilespmem:s31+$0x3B0]  }
0x292: {  	v16 =	vadd.f32 v17, v16;
	v17 =	vld [tilespmem:s31+$0x23B0]  }
0x293: {  	v19 =	vadd.f32 v39, v38  }
0x294: {  	v45 =	vld [tilespmem:s31+$0x43B0];
	v46 =	vadd.f32 v42, v41  }
0x295: {  	v16 =	vsub.f32 v16, v37;
	v19 =	vsub.f32 v19, v40  }
0x296: {  	v20 =	vsub.f32 v46, v43  }
0x297: {  	v16 =	vand.u32 $0x7FFFFFFF, v16;
	v19 =	vand.u32 $0x7FFFFFFF, v19;
	v17 =	vadd.f32 v17, v44  }
0x298: {  	v16 =	vadd.f32 v19, v16  }
0x299: {  	v47 =	vand.u32 $0x7FFFFFFF, v20;
	v17 =	vsub.f32 v17, v45  }
0x29a: {  	v16 =	vadd.f32 v47, v16  }
0x29b: {  	v17 =	vand.u32 $0x7FFFFFFF, v17  }
0x29c: {  	v16 =	vadd.f32 v17, v16;
	_ =	sdelay $0x1  }
0x29d: {  	[tilespmem:$0x6200] =	vst v16  }
0x29e: {  	v16 =	vld [tilespmem:s31+$0x3C0]  }
0x29f: {  	v17 =	vld [tilespmem:s31+$0x23C0]  }
0x2a0: {  	v48 =	vld [tilespmem:s31+$0x43C0]  }
0x2a1: {  	v49 =	vld [tilespmem:s31+$0x3D0]  }
0x2a2: {  	v50 =	vld [tilespmem:s31+$0x23D0]  }
0x2a3: {  	v51 =	vld [tilespmem:s31+$0x43D0]  }
0x2a4: {  	v52 =	vld [tilespmem:s31+$0x3E0]  }
0x2a5: {  	v53 =	vld [tilespmem:s31+$0x23E0]  }
0x2a6: {  	v54 =	vld [tilespmem:s31+$0x43E0]  }
0x2a7: {  	v55 =	vld [tilespmem:s31+$0x3F0]  }
0x2a8: {  	v16 =	vadd.f32 v17, v16;
	v17 =	vld [tilespmem:s31+$0x23F0]  }
0x2a9: {  	v19 =	vadd.f32 v50, v49  }
0x2aa: {  	v56 =	vld [tilespmem:s31+$0x43F0];
	v57 =	vadd.f32 v53, v52  }
0x2ab: {  	v16 =	vsub.f32 v16, v48;
	v19 =	vsub.f32 v19, v51  }
0x2ac: {  	v20 =	vsub.f32 v57, v54  }
0x2ad: {  	v16 =	vand.u32 $0x7FFFFFFF, v16;
	v19 =	vand.u32 $0x7FFFFFFF, v19;
	v17 =	vadd.f32 v17, v55  }
0x2ae: {  	v16 =	vadd.f32 v19, v16  }
0x2af: {  	v58 =	vand.u32 $0x7FFFFFFF, v20;
	v17 =	vsub.f32 v17, v56  }
0x2b0: {  	v16 =	vadd.f32 v58, v16  }
0x2b1: {  	v17 =	vand.u32 $0x7FFFFFFF, v17  }
0x2b2: {  	v16 =	vadd.f32 v17, v16;
	_ =	sdelay $0x1  }
0x2b3: {  	[tilespmem:$0x6210] =	vst v16  }
0x2b4: {  	v16 =	vld [tilespmem:s31+$0x400]  }
0x2b5: {  	v17 =	vld [tilespmem:s31+$0x2400]  }
0x2b6: {  	v59 =	vld [tilespmem:s31+$0x4400]  }
0x2b7: {  	v60 =	vld [tilespmem:s31+$0x410]  }
0x2b8: {  	v61 =	vld [tilespmem:s31+$0x2410]  }
0x2b9: {  	v62 =	vld [tilespmem:s31+$0x4410]  }
0x2ba: {  	v63 =	vld [tilespmem:s31+$0x420]  }
0x2bb: {  	v28 =	vld [tilespmem:s31+$0x2420]  }
0x2bc: {  	v29 =	vld [tilespmem:s31+$0x4420]  }
0x2bd: {  	v30 =	vld [tilespmem:s31+$0x430]  }
0x2be: {  	v16 =	vadd.f32 v17, v16;
	v17 =	vld [tilespmem:s31+$0x2430]  }
0x2bf: {  	v19 =	vadd.f32 v61, v60  }
0x2c0: {  	v31 =	vld [tilespmem:s31+$0x4430];
	v32 =	vadd.f32 v28, v63  }
0x2c1: {  	v16 =	vsub.f32 v16, v59;
	v19 =	vsub.f32 v19, v62  }
0x2c2: {  	v20 =	vsub.f32 v32, v29  }
0x2c3: {  	v16 =	vand.u32 $0x7FFFFFFF, v16;
	v19 =	vand.u32 $0x7FFFFFFF, v19;
	v17 =	vadd.f32 v17, v30  }
0x2c4: {  	v16 =	vadd.f32 v19, v16  }
0x2c5: {  	v33 =	vand.u32 $0x7FFFFFFF, v20;
	v17 =	vsub.f32 v17, v31  }
0x2c6: {  	v16 =	vadd.f32 v33, v16  }
0x2c7: {  	v17 =	vand.u32 $0x7FFFFFFF, v17  }
0x2c8: {  	v16 =	vadd.f32 v17, v16;
	_ =	sdelay $0x1  }
0x2c9: {  	[tilespmem:$0x6220] =	vst v16  }
0x2ca: {  	v16 =	vld [tilespmem:s31+$0x440]  }
0x2cb: {  	v17 =	vld [tilespmem:s31+$0x2440]  }
0x2cc: {  	v34 =	vld [tilespmem:s31+$0x4440]  }
0x2cd: {  	v35 =	vld [tilespmem:s31+$0x450]  }
0x2ce: {  	v36 =	vld [tilespmem:s31+$0x2450]  }
0x2cf: {  	v37 =	vld [tilespmem:s31+$0x4450]  }
0x2d0: {  	v38 =	vld [tilespmem:s31+$0x460]  }
0x2d1: {  	v39 =	vld [tilespmem:s31+$0x2460]  }
0x2d2: {  	v40 =	vld [tilespmem:s31+$0x4460]  }
0x2d3: {  	v41 =	vld [tilespmem:s31+$0x470]  }
0x2d4: {  	v16 =	vadd.f32 v17, v16;
	v17 =	vld [tilespmem:s31+$0x2470]  }
0x2d5: {  	v19 =	vadd.f32 v36, v35  }
0x2d6: {  	v42 =	vld [tilespmem:s31+$0x4470];
	v43 =	vadd.f32 v39, v38  }
0x2d7: {  	v16 =	vsub.f32 v16, v34;
	v19 =	vsub.f32 v19, v37  }
0x2d8: {  	v20 =	vsub.f32 v43, v40  }
0x2d9: {  	v16 =	vand.u32 $0x7FFFFFFF, v16;
	v19 =	vand.u32 $0x7FFFFFFF, v19;
	v17 =	vadd.f32 v17, v41  }
0x2da: {  	v16 =	vadd.f32 v19, v16  }
0x2db: {  	v44 =	vand.u32 $0x7FFFFFFF, v20;
	v17 =	vsub.f32 v17, v42  }
0x2dc: {  	v16 =	vadd.f32 v44, v16  }
0x2dd: {  	v17 =	vand.u32 $0x7FFFFFFF, v17  }
0x2de: {  	v16 =	vadd.f32 v17, v16;
	_ =	sdelay $0x1  }
0x2df: {  	[tilespmem:$0x6230] =	vst v16  }
0x2e0: {  	v16 =	vld [tilespmem:s31+$0x480]  }
0x2e1: {  	v17 =	vld [tilespmem:s31+$0x2480]  }
0x2e2: {  	v45 =	vld [tilespmem:s31+$0x4480]  }
0x2e3: {  	v46 =	vld [tilespmem:s31+$0x490]  }
0x2e4: {  	v47 =	vld [tilespmem:s31+$0x2490]  }
0x2e5: {  	v48 =	vld [tilespmem:s31+$0x4490]  }
0x2e6: {  	v49 =	vld [tilespmem:s31+$0x4A0]  }
0x2e7: {  	v50 =	vld [tilespmem:s31+$0x24A0]  }
0x2e8: {  	v51 =	vld [tilespmem:s31+$0x44A0]  }
0x2e9: {  	v52 =	vld [tilespmem:s31+$0x4B0]  }
0x2ea: {  	v16 =	vadd.f32 v17, v16;
	v17 =	vld [tilespmem:s31+$0x24B0]  }
0x2eb: {  	v19 =	vadd.f32 v47, v46  }
0x2ec: {  	v53 =	vld [tilespmem:s31+$0x44B0];
	v54 =	vadd.f32 v50, v49  }
0x2ed: {  	v16 =	vsub.f32 v16, v45;
	v19 =	vsub.f32 v19, v48  }
0x2ee: {  	v20 =	vsub.f32 v54, v51  }
0x2ef: {  	v16 =	vand.u32 $0x7FFFFFFF, v16;
	v19 =	vand.u32 $0x7FFFFFFF, v19;
	v17 =	vadd.f32 v17, v52  }
0x2f0: {  	v16 =	vadd.f32 v19, v16  }
0x2f1: {  	v55 =	vand.u32 $0x7FFFFFFF, v20;
	v17 =	vsub.f32 v17, v53  }
0x2f2: {  	v16 =	vadd.f32 v55, v16  }
0x2f3: {  	v17 =	vand.u32 $0x7FFFFFFF, v17  }
0x2f4: {  	v16 =	vadd.f32 v17, v16;
	_ =	sdelay $0x1  }
0x2f5: {  	[tilespmem:$0x6240] =	vst v16  }
0x2f6: {  	v16 =	vld [tilespmem:s31+$0x4C0]  }
0x2f7: {  	v17 =	vld [tilespmem:s31+$0x24C0]  }
0x2f8: {  	v56 =	vld [tilespmem:s31+$0x44C0]  }
0x2f9: {  	v57 =	vld [tilespmem:s31+$0x4D0]  }
0x2fa: {  	v58 =	vld [tilespmem:s31+$0x24D0]  }
0x2fb: {  	v59 =	vld [tilespmem:s31+$0x44D0]  }
0x2fc: {  	v60 =	vld [tilespmem:s31+$0x4E0]  }
0x2fd: {  	v61 =	vld [tilespmem:s31+$0x24E0]  }
0x2fe: {  	v62 =	vld [tilespmem:s31+$0x44E0]  }
0x2ff: {  	v63 =	vld [tilespmem:s31+$0x4F0]  }
0x300: {  	v16 =	vadd.f32 v17, v16;
	v17 =	vld [tilespmem:s31+$0x24F0]  }
0x301: {  	v19 =	vadd.f32 v58, v57  }
0x302: {  	v27 =	vld [tilespmem:s31+$0x44F0];
	v28 =	vadd.f32 v61, v60  }
0x303: {  	v16 =	vsub.f32 v16, v56;
	v19 =	vsub.f32 v19, v59  }
0x304: {  	v20 =	vsub.f32 v28, v62  }
0x305: {  	v16 =	vand.u32 $0x7FFFFFFF, v16;
	v19 =	vand.u32 $0x7FFFFFFF, v19;
	v17 =	vadd.f32 v17, v63  }
0x306: {  	v16 =	vadd.f32 v19, v16  }
0x307: {  	v29 =	vand.u32 $0x7FFFFFFF, v20;
	v17 =	vsub.f32 v17, v27  }
0x308: {  	v16 =	vadd.f32 v29, v16  }
0x309: {  	v17 =	vand.u32 $0x7FFFFFFF, v17  }
0x30a: {  	v16 =	vadd.f32 v17, v16;
	_ =	sdelay $0x1  }
0x30b: {  	[tilespmem:$0x6250] =	vst v16  }
0x30c: {  	v16 =	vld [tilespmem:s31+$0x500]  }
0x30d: {  	v17 =	vld [tilespmem:s31+$0x2500]  }
0x30e: {  	v30 =	vld [tilespmem:s31+$0x4500]  }
0x30f: {  	v31 =	vld [tilespmem:s31+$0x510]  }
0x310: {  	v32 =	vld [tilespmem:s31+$0x2510]  }
0x311: {  	v33 =	vld [tilespmem:s31+$0x4510]  }
0x312: {  	v34 =	vld [tilespmem:s31+$0x520]  }
0x313: {  	v35 =	vld [tilespmem:s31+$0x2520]  }
0x314: {  	v36 =	vld [tilespmem:s31+$0x4520]  }
0x315: {  	v37 =	vld [tilespmem:s31+$0x530]  }
0x316: {  	v16 =	vadd.f32 v17, v16;
	v17 =	vld [tilespmem:s31+$0x2530]  }
0x317: {  	v19 =	vadd.f32 v32, v31  }
0x318: {  	v38 =	vld [tilespmem:s31+$0x4530];
	v39 =	vadd.f32 v35, v34  }
0x319: {  	v16 =	vsub.f32 v16, v30;
	v19 =	vsub.f32 v19, v33  }
0x31a: {  	v20 =	vsub.f32 v39, v36  }
0x31b: {  	v16 =	vand.u32 $0x7FFFFFFF, v16;
	v19 =	vand.u32 $0x7FFFFFFF, v19;
	v17 =	vadd.f32 v17, v37  }
0x31c: {  	v16 =	vadd.f32 v19, v16  }
0x31d: {  	v40 =	vand.u32 $0x7FFFFFFF, v20;
	v17 =	vsub.f32 v17, v38  }
0x31e: {  	v16 =	vadd.f32 v40, v16  }
0x31f: {  	v17 =	vand.u32 $0x7FFFFFFF, v17  }
0x320: {  	v16 =	vadd.f32 v17, v16;
	_ =	sdelay $0x1  }
0x321: {  	[tilespmem:$0x6260] =	vst v16  }
0x322: {  	v16 =	vld [tilespmem:s31+$0x540]  }
0x323: {  	v17 =	vld [tilespmem:s31+$0x2540]  }
0x324: {  	v41 =	vld [tilespmem:s31+$0x4540]  }
0x325: {  	v42 =	vld [tilespmem:s31+$0x550]  }
0x326: {  	v43 =	vld [tilespmem:s31+$0x2550]  }
0x327: {  	v44 =	vld [tilespmem:s31+$0x4550]  }
0x328: {  	v45 =	vld [tilespmem:s31+$0x560]  }
0x329: {  	v46 =	vld [tilespmem:s31+$0x2560]  }
0x32a: {  	v48 =	vld [tilespmem:s31+$0x570]  }
0x32b: {  	v26 =	vld [tilespmem:s31+$0x2570]  }
0x32c: {  	v47 =	vld [tilespmem:s31+$0x4560]  }
0x32d: {  	v16 =	vadd.f32 v17, v16;
	v17 =	vadd.f32 v43, v42  }
0x32e: {  	v50 =	vld [tilespmem:s31+$0x4570];
	v49 =	vadd.f32 v46, v45  }
0x32f: {  	v16 =	vsub.f32 v16, v41;
	v17 =	vsub.f32 v17, v44  }
0x330: {  	v52 =	vadd.f32 v26, v48  }
0x331: {  	v51 =	vsub.f32 v49, v47;
	v16 =	vand.u32 $0x7FFFFFFF, v16;
	v17 =	vand.u32 $0x7FFFFFFF, v17  }
0x332: {  	v16 =	vadd.f32 v17, v16  }
0x333: {  	v53 =	vsub.f32 v52, v50;
	v17 =	vand.u32 $0x7FFFFFFF, v51  }
0x334: {  	v16 =	vadd.f32 v17, v16  }
0x335: {  	v17 =	vand.u32 $0x7FFFFFFF, v53  }
0x336: {  	v16 =	vadd.f32 v17, v16;
	_ =	sdelay $0x1  }
0x337: {  	[tilespmem:$0x6270] =	vst v16  }
0x338: {  	v16 =	vld.idx.msk [tilespmem:v0+s22+$0x0], $0xffff  }
0x339: {  	v17 =	vld.idx.msk [tilespmem:v1+s22+$0x0], $0xffff;
	_ =	sdelay $0x1  }
0x33a: {  	v54 =	vld.idx.msk [tilespmem:v2+s22+$0x0], $0xffff;
	_ =	sdelay $0x1  }
0x33b: {  	v55 =	vld.idx.msk [tilespmem:v3+s22+$0x0], $0xffff  }
0x33c: {  	v16 =	vadd.f32 v17, v16  }
0x33d: {  	v17 =	vld.idx.msk [tilespmem:v4+s22+$0x0], $0xffff  }
0x33e: {  	v16 =	vadd.f32 v54, v16  }
0x33f: {  	v56 =	vld.idx.msk [tilespmem:v5+s22+$0x0], $0xffff  }
0x340: {  	v16 =	vadd.f32 v55, v16  }
0x341: {  	v57 =	vld.idx.msk [tilespmem:v6+s22+$0x0], $0xffff  }
0x342: {  	v16 =	vadd.f32 v17, v16  }
0x343: {  	v17 =	vld.idx.msk [tilespmem:v7+s22+$0x0], $0xffff  }
0x344: {  	v16 =	vadd.f32 v56, v16  }
0x345: {  	v58 =	vld.idx.msk [tilespmem:v8+s22+$0x0], $0xffff  }
0x346: {  	v16 =	vadd.f32 v57, v16  }
0x347: {  	v59 =	vld.idx.msk [tilespmem:v9+s22+$0x0], $0xffff  }
0x348: {  	v16 =	vadd.f32 v17, v16  }
0x349: {  	v17 =	vld.idx.msk [tilespmem:v10+s22+$0x0], $0xffff  }
0x34a: {  	v16 =	vadd.f32 v58, v16  }
0x34b: {  	v60 =	vld.idx.msk [tilespmem:v11+s22+$0x0], $0xffff  }
0x34c: {  	v16 =	vadd.f32 v59, v16  }
0x34d: {  	v61 =	vld.idx.msk [tilespmem:v12+s22+$0x0], $0xffff  }
0x34e: {  	v16 =	vadd.f32 v17, v16  }
0x34f: {  	v17 =	vld.idx.msk [tilespmem:v13+s22+$0x0], $0xffff  }
0x350: {  	v16 =	vadd.f32 v60, v16  }
0x351: {  	v62 =	vld.idx.msk [tilespmem:v14+s22+$0x0], $0xffff  }
0x352: {  	v16 =	vadd.f32 v61, v16  }
0x353: {  	v63 =	vld.idx.msk [tilespmem:v15+s22+$0x0], $0xffff  }
0x354: {  	v16 =	vadd.f32 v17, v16  }
0x355: {  	p0 =	sne.s32 s30, $0x7000  }
.Ltmp2:
0x356: {  	v16 =	vadd.f32 v62, v16;
	(pc) =	sbr.rel @p0 .LBB2_7-.Ltmp2, $3  }
0x357: {  	_ = 	snop  }
0x358: {  	v16 =	vadd.f32 v63, v16;
	_ =	sdelay $0x1  }
0x359: {  	s30 =	sadd.s32 $0x1000, s30;
	[tilespmem:s29+$0x0] =	vst v16;
	s29 =	sadd.s32 $0x10, s29  }
0x35a: {  	s26 =	sadd.s32 $0x1, s26  }
0x35b: {  	p0 =	sne.s32 s26, $0x4  }
.Ltmp3:
0x35c: {  	s28 =	sadd.s32 s2, s28;
	(pc) =	sbr.rel @p0 .LBB2_6-.Ltmp3, $4  }
0x35d: {  	[hbm4b:s28+s3] =	stream.linear.scatter [tilespmem:s23], [sflag:$0x2], $0x80, $0x38;
	[tilespmem:$0x6300] =	vst v63  }
0x35e: {  	_ =	swait.ge [sflag:s15], $0x80  }
0x35f: {  	[sflag:s15] =	ssyncset.done $0x0  }
0x360: {  	[sflag:s15] =	ssyncadd.s32 $0xFFFFFF80  }
0x361: {  	s24 =	sadd.s32 $0x1, s24  }
0x362: {  	p0 =	sne.s32 s24, s14  }
.Ltmp4:
0x363: {  	_ = 	snop;
	(pc) =	sbr.rel @p0 .LBB2_1-.Ltmp4, $1  }
0x364: {  	_ =	sdelay $0x3  }
0x365: {  	_ =	sfence.sel $0x180000  }
0x366: {  	[bflag:$0x0] =	sbarrier.arrive $0xFFFF  }
0x367: {  	p0 =	sne.s32 s4, $0x0;
	_ =	strace $0x90000047  }
0x368: {  	s0 =	sadd.s32 @!p0 $0x100000, s0;
	[bflag:$0x2] =	sbarrier.arrive $0xFFFF  }
0x369: {  	[sflag:s0] =	ssyncadd.tile.s32 @!p0 $0x1;
	_ =	shalt  }
.Lfunc_end2:
_tile_overlayer_lowered:
.L_overlay_start_2:
0x36a: {  	(tag) =	ssettag $0x2  }
0x36b: {  	s0 =	rddreg [dreg:$0x0];
	s2 =	stileid.u32  }
0x36c: {  	s1 =	rddreg [dreg:$0x1];
	p0 =	sne.s32 s2, $0x0  }
0x36d: {  	s3 =	rddreg [dreg:$0x2];
	[bflag:$0x3] =	sbarrier.arrive $0xFFFF;
	s2 =	simm.s32 @!p0 $0x1C02  }
0x36e: {  	[timem:s3], [sflag:s2] =	dma.local @!p0 [hbm:s0], s1  }
0x36f: {  	s0 =	simm.s32 @!p0 $0x2  }
0x370: {  	_ =	swait.ge @!p0 [sflag:s0], s1  }
0x371: {  	s1 =	ssub.s32 @!p0 $0x0, s1;
	[sflag:s0] =	ssyncset.done @!p0 $0x0  }
0x372: {  	[sflag:s0] =	ssyncadd.s32 @!p0 s1  }
0x373: {  	[bflag:$0x3] =	sbarrier.arrive $0xFFFF  }
0x374: {  	_ =	shalt  }

</sc_bundles>
